<compile_context>
chip_gen: v7x
topology: tpu7x:2x2x1
jax: 0.10.2.dev20260603
libtpu: 0.0.44.dev20260713+nightly
codegen_flags: <defaults>
</compile_context>

<pallas_src>
import functools

import jax
import jax.numpy as jnp
from jax import lax
from jax.experimental import pallas as pl
from jax.experimental.pallas import tpu as pltpu, tpu_sc as plsc

VOCAB = 1000000
EMB = 64
N_PART = 4
PART = EMB // N_PART
BATCH = 16384
HIST = 50
B = BATCH * HIST

NW = 32
B_PER_W = B // NW
CHUNK = 800
N_CHUNKS = B_PER_W // CHUNK

NBLK_FULL = VOCAB // 128
TAIL_V = NBLK_FULL * 128
Q_ROWS = VOCAB // 8
BLK_BASE = NBLK_FULL // NW
BLK_REM = NBLK_FULL - BLK_BASE * NW


def _make_relayout():
    mesh = plsc.VectorSubcoreMesh(core_axis_name="c", subcore_axis_name="s")
    out_t = jax.ShapeDtypeStruct((Q_ROWS, 128), jnp.float32)

    @functools.partial(
        pl.kernel,
        mesh=mesh,
        out_type=(out_t, out_t, out_t, out_t),
        scratch_types=[
            [pltpu.VMEM((16, 129), jnp.float32) for _ in range(8)],
            [pltpu.VMEM((16, 128), jnp.float32) for _ in range(8)],
            pltpu.VMEM((8, 128), jnp.float32),
            pltpu.SemaphoreType.DMA,
            pltpu.SemaphoreType.DMA,
            pltpu.SemaphoreType.DMA,
            pltpu.SemaphoreType.DMA,
        ],
        compiler_params=pltpu.CompilerParams(
            use_tc_tiling_on_sc=True, needs_layout_passes=False,
            disable_bounds_checks=True),
    )
    def relayout_kernel(t0, t1, t2, t3, tq0, tq1, tq2, tq3,
                        q0, q1, q2, q3, inbufs, obufs, tstage,
                        isem_a, isem_b, osem_a, osem_b):
        wid = lax.axis_index("s") * 2 + lax.axis_index("c")
        ts = (t0, t1, t2, t3)
        tqs = (tq0, tq1, tq2, tq3)
        qs = (q0, q1, q2, q3)
        start = wid * BLK_BASE + jnp.minimum(wid, BLK_REM)
        nb = jnp.where(wid < BLK_REM, BLK_BASE + 1, BLK_BASE)
        lanes = lax.iota(jnp.int32, 16)
        isems = (isem_a, isem_b)
        osems = (osem_a, osem_b)

        def stage_in(k, p):
            v0 = (start + k) * 128
            for t in range(4):
                pltpu.async_copy(
                    ts[t].at[:, pl.ds(v0, 128)], inbufs[4 * p + t].at[:, pl.ds(0, 128)], isems[p])

        def wait_in(k, p):
            v0 = (start + k) * 128
            for t in range(4):
                pltpu.make_async_copy(
                    ts[t].at[:, pl.ds(v0, 128)],
                    inbufs[4 * p + t].at[:, pl.ds(0, 128)], isems[p]).wait()

        def drain_out(k, p):
            blk = start + k
            for t in range(4):
                pltpu.make_async_copy(
                    obufs[4 * p + t], qs[t].at[pl.ds(blk * 16, 16)],
                    osems[p]).wait()

        def extract(p):
            @plsc.parallel_loop(0, 128, unroll=16)
            def col_body(c):
                vcol = jnp.broadcast_to(c, (16,))
                g = c // 8
                c0 = (c % 8) * PART
                for t in range(4):
                    row = plsc.load_gather(inbufs[4 * p + t], [lanes, vcol])
                    obufs[4 * p + t][g, pl.ds(c0, PART)] = row

        def fire_out(k, p):
            blk = start + k
            for t in range(4):
                pltpu.async_copy(
                    obufs[4 * p + t], qs[t].at[pl.ds(blk * 16, 16)], osems[p])

        def step(k, p):
            @pl.when(k + 1 < nb)
            def _():
                stage_in(k + 1, 1 - p)

            wait_in(k, p)

            @pl.when(k >= 2)
            def _():
                drain_out(k - 2, p)

            extract(p)
            fire_out(k, p)

        def block_body(k, _):
            @pl.when(k % 2 == 0)
            def _():
                step(k, 0)

            @pl.when(k % 2 == 1)
            def _():
                step(k, 1)

            return ()

        stage_in(0, 0)
        lax.fori_loop(0, nb, block_body, ())
        @pl.when(nb >= 2)
        def _():
            @pl.when(nb % 2 == 0)
            def _():
                drain_out(nb - 2, 0)
                drain_out(nb - 1, 1)

            @pl.when(nb % 2 == 1)
            def _():
                drain_out(nb - 2, 1)
                drain_out(nb - 1, 0)

        @pl.when(wid == 0)
        def _():
            for t in range(4):
                pltpu.sync_copy(tqs[t], tstage)
                pltpu.sync_copy(tstage, qs[t].at[pl.ds(TAIL_V // 8, 8)])

    return relayout_kernel


_relayout_sc = _make_relayout()


def _make_gather():
    mesh = plsc.VectorSubcoreMesh(core_axis_name="c", subcore_axis_name="s")

    @functools.partial(
        pl.kernel,
        mesh=mesh,
        out_type=jax.ShapeDtypeStruct((B, EMB), jnp.float32),
        scratch_types=[
            pltpu.VMEM((CHUNK,), jnp.int32),
            pltpu.VMEM((CHUNK,), jnp.int32),
            [pltpu.VMEM((CHUNK, PART), jnp.float32) for _ in range(4)],
            [pltpu.VMEM((CHUNK, PART), jnp.float32) for _ in range(4)],
            pltpu.SemaphoreType.DMA,
            pltpu.SemaphoreType.DMA,
        ],
        compiler_params=pltpu.CompilerParams(use_tc_tiling_on_sc=False),
    )
    def emb_kernel(idx_hbm, w0, w1, w2, w3, out_hbm,
                   idx_a, idx_b, bufs_a, bufs_b, sem_a, sem_b):
        wid = lax.axis_index("s") * 2 + lax.axis_index("c")
        base = wid * B_PER_W
        ws = (w0, w1, w2, w3)

        def fetch(ci, idx_v, bufs, sem):
            row0 = base + ci * CHUNK
            pltpu.sync_copy(idx_hbm.at[pl.ds(row0, CHUNK)], idx_v)
            for t in range(4):
                pltpu.async_copy(ws[t].at[idx_v], bufs[t], sem)

        def drain_and_write(ci, idx_v, bufs, sem):
            row0 = base + ci * CHUNK
            for t in range(4):
                pltpu.make_async_copy(ws[t].at[idx_v], bufs[t], sem).wait()
            for t in range(4):
                pltpu.sync_copy(
                    bufs[t],
                    out_hbm.at[pl.ds(row0, CHUNK), pl.ds(t * PART, PART)],
                )

        def fetch_next(ci, idx_v, bufs, sem):
            @pl.when(ci + 1 < N_CHUNKS)
            def _():
                fetch(ci + 1, idx_v, bufs, sem)

        def body(ci, _):
            @pl.when(ci % 2 == 0)
            def _():
                fetch_next(ci, idx_b, bufs_b, sem_b)
                drain_and_write(ci, idx_a, bufs_a, sem_a)

            @pl.when(ci % 2 == 1)
            def _():
                fetch_next(ci, idx_a, bufs_a, sem_a)
                drain_and_write(ci, idx_b, bufs_b, sem_b)

            return ()

        fetch(0, idx_a, bufs_a, sem_a)
        lax.fori_loop(0, N_CHUNKS, body, ())

    return emb_kernel


_gather = _make_gather()


def kernel(x, W0, W1, W2, W3):
    idx = x.reshape(-1).astype(jnp.int32)
    tails = [W[TAIL_V:, :].reshape(8, 128) for W in (W0, W1, W2, W3)]
    qs = _relayout_sc(W0.T, W1.T, W2.T, W3.T, *tails)
    qs = [q.reshape(VOCAB, PART) for q in qs]
    out = _gather(idx, *qs)
    return out.reshape(BATCH, HIST, EMB)

# --- scband reference (transcript-rebuilt; emitter-appended) ---
"""Pipeline reference for scband-partition-embedding-18597208392102 (READ-ONLY COPY).

The authoritative reference and input builder live on the scoring server;
editing this copy changes nothing except your own understanding.
"""

import jax, jax.numpy as jnp
import numpy as np

VOCAB = 1000000
EMB = 64
N_PART = 4
PART = EMB // N_PART
BATCH = 16384
HIST = 50


def setup_inputs(seed: int = 0) -> dict:
    key = jax.random.key(seed)
    kx, k0, k1, k2, k3 = jax.random.split(key, 5)
    x = jax.random.randint(kx, (BATCH, HIST), 0, VOCAB, dtype=jnp.int64 if jax.config.jax_enable_x64 else jnp.int32)
    # Keras Embedding default init: uniform(-0.05, 0.05)
    W0 = jax.random.uniform(k0, (VOCAB, PART), dtype=jnp.float32, minval=-0.05, maxval=0.05)
    W1 = jax.random.uniform(k1, (VOCAB, PART), dtype=jnp.float32, minval=-0.05, maxval=0.05)
    W2 = jax.random.uniform(k2, (VOCAB, PART), dtype=jnp.float32, minval=-0.05, maxval=0.05)
    W3 = jax.random.uniform(k3, (VOCAB, PART), dtype=jnp.float32, minval=-0.05, maxval=0.05)
    return {"x": x, "W0": W0, "W1": W1, "W2": W2, "W3": W3}


def reference(x, W0, W1, W2, W3):
    # Each partition embedding is a gather on the same indices; concat along last axis.
    outs = [jnp.take(W, x, axis=0) for W in (W0, W1, W2, W3)]
    return jnp.concatenate(outs, axis=-1)

if __name__ == "__main__":
    import jax
    _d = setup_inputs()
    print(jax.jit(kernel)(*tuple(_d.values())))

</pallas_src>

<mosaic_0001>
#map = affine_map<(d0, d1) -> (0, 0)>
module attributes {stable_mosaic.version = 14 : i64} {
  func.func @relayout_kernel(%arg0: i32, %arg1: i32, %arg2: memref<16x1000000xf32, #tpu.memory_space<hbm>>, %arg3: memref<16x1000000xf32, #tpu.memory_space<hbm>>, %arg4: memref<16x1000000xf32, #tpu.memory_space<hbm>>, %arg5: memref<16x1000000xf32, #tpu.memory_space<hbm>>, %arg6: memref<8x128xf32, #tpu.memory_space<hbm>>, %arg7: memref<8x128xf32, #tpu.memory_space<hbm>>, %arg8: memref<8x128xf32, #tpu.memory_space<hbm>>, %arg9: memref<8x128xf32, #tpu.memory_space<hbm>>, %arg10: memref<125000x128xf32, #tpu.memory_space<hbm>>, %arg11: memref<125000x128xf32, #tpu.memory_space<hbm>>, %arg12: memref<125000x128xf32, #tpu.memory_space<hbm>>, %arg13: memref<125000x128xf32, #tpu.memory_space<hbm>>, %arg14: memref<16x129xf32, #tpu.memory_space<vmem>>, %arg15: memref<16x129xf32, #tpu.memory_space<vmem>>, %arg16: memref<16x129xf32, #tpu.memory_space<vmem>>, %arg17: memref<16x129xf32, #tpu.memory_space<vmem>>, %arg18: memref<16x129xf32, #tpu.memory_space<vmem>>, %arg19: memref<16x129xf32, #tpu.memory_space<vmem>>, %arg20: memref<16x129xf32, #tpu.memory_space<vmem>>, %arg21: memref<16x129xf32, #tpu.memory_space<vmem>>, %arg22: memref<16x128xf32, #tpu.memory_space<vmem>>, %arg23: memref<16x128xf32, #tpu.memory_space<vmem>>, %arg24: memref<16x128xf32, #tpu.memory_space<vmem>>, %arg25: memref<16x128xf32, #tpu.memory_space<vmem>>, %arg26: memref<16x128xf32, #tpu.memory_space<vmem>>, %arg27: memref<16x128xf32, #tpu.memory_space<vmem>>, %arg28: memref<16x128xf32, #tpu.memory_space<vmem>>, %arg29: memref<16x128xf32, #tpu.memory_space<vmem>>, %arg30: memref<8x128xf32, #tpu.memory_space<vmem>>, %arg31: memref<!tpu.dma_semaphore, #tpu.memory_space<semaphore_mem>>, %arg32: memref<!tpu.dma_semaphore, #tpu.memory_space<semaphore_mem>>, %arg33: memref<!tpu.dma_semaphore, #tpu.memory_space<semaphore_mem>>, %arg34: memref<!tpu.dma_semaphore, #tpu.memory_space<semaphore_mem>>) attributes {dimension_semantics = [#tpu.dimension_semantics<core_parallel>, #tpu.dimension_semantics<subcore_parallel>], iteration_bounds = array<i64: 2, 16>, scalar_prefetch = 0 : i64, scratch_operands = 21 : i64, tpu.core_type = #tpu.core_type<sc_vector_subcore>, window_params = [{transform_indices = #map}, {transform_indices = #map}, {transform_indices = #map}, {transform_indices = #map}, {transform_indices = #map}, {transform_indices = #map}, {transform_indices = #map}, {transform_indices = #map}, {transform_indices = #map}, {transform_indices = #map}, {transform_indices = #map}, {transform_indices = #map}]} {
    %mul3A = arith.constant 2 : i32
    %mul3A_0 = arith.muli %arg1, %mul3A : i32
    %add3A = arith.addi %mul3A_0, %arg0 : i32
    %mul3A_1 = arith.constant 244 : i32
    %mul3A_2 = arith.muli %add3A, %mul3A_1 : i32
    %min3A = arith.constant 4 : i32
    %min3A_3 = arith.minsi %add3A, %min3A : i32
    %add3A_4 = arith.addi %mul3A_2, %min3A_3 : i32
    %lt3A = arith.constant 4 : i32
    %lt3A_5 = arith.cmpi slt, %add3A, %lt3A : i32
    %jit3A = arith.constant 245 : i32
    %jit3A_6 = arith.constant 244 : i32
    %select_n3A = arith.select %lt3A_5, %jit3A, %jit3A_6 : i32
    %iota3A = tpu.iota {dimensions = array<i32: 0>} : vector<16xi32>
    %add3A_7 = arith.constant 0 : i32
    %add3A_8 = arith.addi %add3A_4, %add3A_7 : i32
    %mul3A_9 = arith.constant 128 : i32
    %mul3A_10 = arith.muli %add3A_8, %mul3A_9 : i32
    %dma_start3A = arith.constant 0 : i32
    %dma_start3A_11 = arith.constant 0 : i32
    %dma_start3A_12 = tpu.memref_slice %arg14[%dma_start3A, %dma_start3A_11] : memref<16x129xf32, #tpu.memory_space<vmem>> -> memref<16x128xf32, #tpu.memory_space<vmem>>
    %dma_start3A_13 = arith.constant 0 : i32
    %dma_start3A_14 = tpu.memref_slice %arg2[%dma_start3A_13, %mul3A_10] : memref<16x1000000xf32, #tpu.memory_space<hbm>> -> memref<16x128xf32, #tpu.memory_space<hbm>>
    %dma_start3A_15 = arith.constant 0 : i32
    %dma_start3A_16 = arith.constant 0 : i32
    %dma_start3A_17 = tpu.memref_slice %arg14[%dma_start3A_15, %dma_start3A_16] : memref<16x129xf32, #tpu.memory_space<vmem>> -> memref<16x128xf32, #tpu.memory_space<vmem>>
    %dma_start3A_18 = arith.constant 0 : i32
    %dma_start3A_19 = tpu.memref_slice %arg2[%dma_start3A_18, %mul3A_10] : memref<16x1000000xf32, #tpu.memory_space<hbm>> -> memref<16x128xf32, #tpu.memory_space<hbm>>
    tpu.enqueue_dma source(%dma_start3A_19 : memref<16x128xf32, #tpu.memory_space<hbm>>) target(%dma_start3A_17 : memref<16x128xf32, #tpu.memory_space<vmem>>) target_semaphore(%arg31 : memref<!tpu.dma_semaphore, #tpu.memory_space<semaphore_mem>>)
    %dma_start3A_20 = arith.constant 0 : i32
    %dma_start3A_21 = arith.constant 0 : i32
    %dma_start3A_22 = tpu.memref_slice %arg15[%dma_start3A_20, %dma_start3A_21] : memref<16x129xf32, #tpu.memory_space<vmem>> -> memref<16x128xf32, #tpu.memory_space<vmem>>
    %dma_start3A_23 = arith.constant 0 : i32
    %dma_start3A_24 = tpu.memref_slice %arg3[%dma_start3A_23, %mul3A_10] : memref<16x1000000xf32, #tpu.memory_space<hbm>> -> memref<16x128xf32, #tpu.memory_space<hbm>>
    %dma_start3A_25 = arith.constant 0 : i32
    %dma_start3A_26 = arith.constant 0 : i32
    %dma_start3A_27 = tpu.memref_slice %arg15[%dma_start3A_25, %dma_start3A_26] : memref<16x129xf32, #tpu.memory_space<vmem>> -> memref<16x128xf32, #tpu.memory_space<vmem>>
    %dma_start3A_28 = arith.constant 0 : i32
    %dma_start3A_29 = tpu.memref_slice %arg3[%dma_start3A_28, %mul3A_10] : memref<16x1000000xf32, #tpu.memory_space<hbm>> -> memref<16x128xf32, #tpu.memory_space<hbm>>
    tpu.enqueue_dma source(%dma_start3A_29 : memref<16x128xf32, #tpu.memory_space<hbm>>) target(%dma_start3A_27 : memref<16x128xf32, #tpu.memory_space<vmem>>) target_semaphore(%arg31 : memref<!tpu.dma_semaphore, #tpu.memory_space<semaphore_mem>>)
    %dma_start3A_30 = arith.constant 0 : i32
    %dma_start3A_31 = arith.constant 0 : i32
    %dma_start3A_32 = tpu.memref_slice %arg16[%dma_start3A_30, %dma_start3A_31] : memref<16x129xf32, #tpu.memory_space<vmem>> -> memref<16x128xf32, #tpu.memory_space<vmem>>
    %dma_start3A_33 = arith.constant 0 : i32
    %dma_start3A_34 = tpu.memref_slice %arg4[%dma_start3A_33, %mul3A_10] : memref<16x1000000xf32, #tpu.memory_space<hbm>> -> memref<16x128xf32, #tpu.memory_space<hbm>>
    %dma_start3A_35 = arith.constant 0 : i32
    %dma_start3A_36 = arith.constant 0 : i32
    %dma_start3A_37 = tpu.memref_slice %arg16[%dma_start3A_35, %dma_start3A_36] : memref<16x129xf32, #tpu.memory_space<vmem>> -> memref<16x128xf32, #tpu.memory_space<vmem>>
    %dma_start3A_38 = arith.constant 0 : i32
    %dma_start3A_39 = tpu.memref_slice %arg4[%dma_start3A_38, %mul3A_10] : memref<16x1000000xf32, #tpu.memory_space<hbm>> -> memref<16x128xf32, #tpu.memory_space<hbm>>
    tpu.enqueue_dma source(%dma_start3A_39 : memref<16x128xf32, #tpu.memory_space<hbm>>) target(%dma_start3A_37 : memref<16x128xf32, #tpu.memory_space<vmem>>) target_semaphore(%arg31 : memref<!tpu.dma_semaphore, #tpu.memory_space<semaphore_mem>>)
    %dma_start3A_40 = arith.constant 0 : i32
    %dma_start3A_41 = arith.constant 0 : i32
    %dma_start3A_42 = tpu.memref_slice %arg17[%dma_start3A_40, %dma_start3A_41] : memref<16x129xf32, #tpu.memory_space<vmem>> -> memref<16x128xf32, #tpu.memory_space<vmem>>
    %dma_start3A_43 = arith.constant 0 : i32
    %dma_start3A_44 = tpu.memref_slice %arg5[%dma_start3A_43, %mul3A_10] : memref<16x1000000xf32, #tpu.memory_space<hbm>> -> memref<16x128xf32, #tpu.memory_space<hbm>>
    %dma_start3A_45 = arith.constant 0 : i32
    %dma_start3A_46 = arith.constant 0 : i32
    %dma_start3A_47 = tpu.memref_slice %arg17[%dma_start3A_45, %dma_start3A_46] : memref<16x129xf32, #tpu.memory_space<vmem>> -> memref<16x128xf32, #tpu.memory_space<vmem>>
    %dma_start3A_48 = arith.constant 0 : i32
    %dma_start3A_49 = tpu.memref_slice %arg5[%dma_start3A_48, %mul3A_10] : memref<16x1000000xf32, #tpu.memory_space<hbm>> -> memref<16x128xf32, #tpu.memory_space<hbm>>
    tpu.enqueue_dma source(%dma_start3A_49 : memref<16x128xf32, #tpu.memory_space<hbm>>) target(%dma_start3A_47 : memref<16x128xf32, #tpu.memory_space<vmem>>) target_semaphore(%arg31 : memref<!tpu.dma_semaphore, #tpu.memory_space<semaphore_mem>>)
    %while3A = arith.constant 0 : i32
    %while3A_50 = arith.subi %select_n3A, %while3A : i32
    %while3A_51 = arith.addi %while3A, %while3A_50 : i32
    %while3A_52 = arith.constant 1 : i32
    %while3A_53 = arith.divsi %while3A_50, %while3A_52 : i32
    %while3A_54 = arith.muli %while3A_53, %while3A_52 : i32
    %while3A_55 = arith.addi %while3A, %while3A_54 : i32
    %while3A_56 = arith.constant 1 : i32
    scf.for %while3A_64 = %while3A to %while3A_55 step %while3A_56  : i32 {
      %jit3A_65 = arith.constant 2 : i32
      %eq3A_66 = arith.constant 0 : i32
      %eq3A_67 = arith.cmpi eq, %jit3A_65, %eq3A_66 : i32
      %jit3A_68 = arith.constant 1 : i32
      %select_n3A_69 = arith.select %eq3A_67, %jit3A_68, %jit3A_65 : i32
      %rem3A = arith.remsi %while3A_64, %select_n3A_69 : i32
      %ne3A = arith.constant 0 : i32
      %ne3A_70 = arith.cmpi ne, %rem3A, %ne3A : i32
      %lt3A_71 = arith.constant 0 : i32
      %lt3A_72 = arith.cmpi slt, %rem3A, %lt3A_71 : i32
      %lt3A_73 = arith.constant 0 : i32
      %lt3A_74 = arith.cmpi slt, %select_n3A_69, %lt3A_73 : i32
      %ne3A_75 = arith.xori %lt3A_72, %lt3A_74 : i1
      %and3A = arith.andi %ne3A_75, %ne3A_70 : i1
      %add3A_76 = arith.addi %rem3A, %select_n3A_69 : i32
      %select_n3A_77 = arith.select %and3A, %add3A_76, %rem3A : i32
      %eq3A_78 = arith.constant 0 : i32
      %eq3A_79 = arith.cmpi eq, %select_n3A_77, %eq3A_78 : i32
      %convert_element_type3A_80 = arith.extui %eq3A_79 : i1 to i32
      %cond3A_81 = arith.constant 0 : i32
      %cond3A_82 = arith.cmpi ne, %convert_element_type3A_80, %cond3A_81 : i32
      scf.if %cond3A_82 {
        %add3A_104 = arith.constant 1 : i32
        %add3A_105 = arith.addi %while3A_64, %add3A_104 : i32
        %lt3A_106 = arith.cmpi slt, %add3A_105, %select_n3A : i32
        %convert_element_type3A_107 = arith.extui %lt3A_106 : i1 to i32
        %cond3A_108 = arith.constant 0 : i32
        %cond3A_109 = arith.cmpi ne, %convert_element_type3A_107, %cond3A_108 : i32
        scf.if %cond3A_109 {
          %add3A_184 = arith.constant 1 : i32
          %add3A_185 = arith.addi %while3A_64, %add3A_184 : i32
          %add3A_186 = arith.addi %add3A_4, %add3A_185 : i32
          %mul3A_187 = arith.constant 128 : i32
          %mul3A_188 = arith.muli %add3A_186, %mul3A_187 : i32
          %dma_start3A_189 = arith.constant 0 : i32
          %dma_start3A_190 = arith.constant 0 : i32
          %dma_start3A_191 = tpu.memref_slice %arg18[%dma_start3A_189, %dma_start3A_190] : memref<16x129xf32, #tpu.memory_space<vmem>> -> memref<16x128xf32, #tpu.memory_space<vmem>>
          %dma_start3A_192 = arith.constant 0 : i32
          %dma_start3A_193 = tpu.memref_slice %arg2[%dma_start3A_192, %mul3A_188] : memref<16x1000000xf32, #tpu.memory_space<hbm>> -> memref<16x128xf32, #tpu.memory_space<hbm>>
          %dma_start3A_194 = arith.constant 0 : i32
          %dma_start3A_195 = arith.constant 0 : i32
          %dma_start3A_196 = tpu.memref_slice %arg18[%dma_start3A_194, %dma_start3A_195] : memref<16x129xf32, #tpu.memory_space<vmem>> -> memref<16x128xf32, #tpu.memory_space<vmem>>
          %dma_start3A_197 = arith.constant 0 : i32
          %dma_start3A_198 = tpu.memref_slice %arg2[%dma_start3A_197, %mul3A_188] : memref<16x1000000xf32, #tpu.memory_space<hbm>> -> memref<16x128xf32, #tpu.memory_space<hbm>>
          tpu.enqueue_dma source(%dma_start3A_198 : memref<16x128xf32, #tpu.memory_space<hbm>>) target(%dma_start3A_196 : memref<16x128xf32, #tpu.memory_space<vmem>>) target_semaphore(%arg32 : memref<!tpu.dma_semaphore, #tpu.memory_space<semaphore_mem>>)
          %dma_start3A_199 = arith.constant 0 : i32
          %dma_start3A_200 = arith.constant 0 : i32
          %dma_start3A_201 = tpu.memref_slice %arg19[%dma_start3A_199, %dma_start3A_200] : memref<16x129xf32, #tpu.memory_space<vmem>> -> memref<16x128xf32, #tpu.memory_space<vmem>>
          %dma_start3A_202 = arith.constant 0 : i32
          %dma_start3A_203 = tpu.memref_slice %arg3[%dma_start3A_202, %mul3A_188] : memref<16x1000000xf32, #tpu.memory_space<hbm>> -> memref<16x128xf32, #tpu.memory_space<hbm>>
          %dma_start3A_204 = arith.constant 0 : i32
          %dma_start3A_205 = arith.constant 0 : i32
          %dma_start3A_206 = tpu.memref_slice %arg19[%dma_start3A_204, %dma_start3A_205] : memref<16x129xf32, #tpu.memory_space<vmem>> -> memref<16x128xf32, #tpu.memory_space<vmem>>
          %dma_start3A_207 = arith.constant 0 : i32
          %dma_start3A_208 = tpu.memref_slice %arg3[%dma_start3A_207, %mul3A_188] : memref<16x1000000xf32, #tpu.memory_space<hbm>> -> memref<16x128xf32, #tpu.memory_space<hbm>>
          tpu.enqueue_dma source(%dma_start3A_208 : memref<16x128xf32, #tpu.memory_space<hbm>>) target(%dma_start3A_206 : memref<16x128xf32, #tpu.memory_space<vmem>>) target_semaphore(%arg32 : memref<!tpu.dma_semaphore, #tpu.memory_space<semaphore_mem>>)
          %dma_start3A_209 = arith.constant 0 : i32
          %dma_start3A_210 = arith.constant 0 : i32
          %dma_start3A_211 = tpu.memref_slice %arg20[%dma_start3A_209, %dma_start3A_210] : memref<16x129xf32, #tpu.memory_space<vmem>> -> memref<16x128xf32, #tpu.memory_space<vmem>>
          %dma_start3A_212 = arith.constant 0 : i32
          %dma_start3A_213 = tpu.memref_slice %arg4[%dma_start3A_212, %mul3A_188] : memref<16x1000000xf32, #tpu.memory_space<hbm>> -> memref<16x128xf32, #tpu.memory_space<hbm>>
          %dma_start3A_214 = arith.constant 0 : i32
          %dma_start3A_215 = arith.constant 0 : i32
          %dma_start3A_216 = tpu.memref_slice %arg20[%dma_start3A_214, %dma_start3A_215] : memref<16x129xf32, #tpu.memory_space<vmem>> -> memref<16x128xf32, #tpu.memory_space<vmem>>
          %dma_start3A_217 = arith.constant 0 : i32
          %dma_start3A_218 = tpu.memref_slice %arg4[%dma_start3A_217, %mul3A_188] : memref<16x1000000xf32, #tpu.memory_space<hbm>> -> memref<16x128xf32, #tpu.memory_space<hbm>>
          tpu.enqueue_dma source(%dma_start3A_218 : memref<16x128xf32, #tpu.memory_space<hbm>>) target(%dma_start3A_216 : memref<16x128xf32, #tpu.memory_space<vmem>>) target_semaphore(%arg32 : memref<!tpu.dma_semaphore, #tpu.memory_space<semaphore_mem>>)
          %dma_start3A_219 = arith.constant 0 : i32
          %dma_start3A_220 = arith.constant 0 : i32
          %dma_start3A_221 = tpu.memref_slice %arg21[%dma_start3A_219, %dma_start3A_220] : memref<16x129xf32, #tpu.memory_space<vmem>> -> memref<16x128xf32, #tpu.memory_space<vmem>>
          %dma_start3A_222 = arith.constant 0 : i32
          %dma_start3A_223 = tpu.memref_slice %arg5[%dma_start3A_222, %mul3A_188] : memref<16x1000000xf32, #tpu.memory_space<hbm>> -> memref<16x128xf32, #tpu.memory_space<hbm>>
          %dma_start3A_224 = arith.constant 0 : i32
          %dma_start3A_225 = arith.constant 0 : i32
          %dma_start3A_226 = tpu.memref_slice %arg21[%dma_start3A_224, %dma_start3A_225] : memref<16x129xf32, #tpu.memory_space<vmem>> -> memref<16x128xf32, #tpu.memory_space<vmem>>
          %dma_start3A_227 = arith.constant 0 : i32
          %dma_start3A_228 = tpu.memref_slice %arg5[%dma_start3A_227, %mul3A_188] : memref<16x1000000xf32, #tpu.memory_space<hbm>> -> memref<16x128xf32, #tpu.memory_space<hbm>>
          tpu.enqueue_dma source(%dma_start3A_228 : memref<16x128xf32, #tpu.memory_space<hbm>>) target(%dma_start3A_226 : memref<16x128xf32, #tpu.memory_space<vmem>>) target_semaphore(%arg32 : memref<!tpu.dma_semaphore, #tpu.memory_space<semaphore_mem>>)
        } else {
        }
        %add3A_110 = arith.addi %add3A_4, %while3A_64 : i32
        %mul3A_111 = arith.constant 128 : i32
        %mul3A_112 = arith.muli %add3A_110, %mul3A_111 : i32
        %dma_wait3A = arith.constant 0 : i32
        %dma_wait3A_113 = arith.constant 0 : i32
        %dma_wait3A_114 = tpu.memref_slice %arg14[%dma_wait3A, %dma_wait3A_113] : memref<16x129xf32, #tpu.memory_space<vmem>> -> memref<16x128xf32, #tpu.memory_space<vmem>>
        %dma_wait3A_115 = arith.constant 0 : i32
        %dma_wait3A_116 = tpu.memref_slice %arg2[%dma_wait3A_115, %mul3A_112] : memref<16x1000000xf32, #tpu.memory_space<hbm>> -> memref<16x128xf32, #tpu.memory_space<hbm>>
        %dma_wait3A_117 = arith.constant 0 : i32
        %dma_wait3A_118 = arith.constant 0 : i32
        %dma_wait3A_119 = tpu.memref_slice %arg14[%dma_wait3A_117, %dma_wait3A_118] : memref<16x129xf32, #tpu.memory_space<vmem>> -> memref<16x128xf32, #tpu.memory_space<vmem>>
        %dma_wait3A_120 = arith.constant 0 : i32
        %dma_wait3A_121 = tpu.memref_slice %arg2[%dma_wait3A_120, %mul3A_112] : memref<16x1000000xf32, #tpu.memory_space<hbm>> -> memref<16x128xf32, #tpu.memory_space<hbm>>
        tpu.wait_dma2 semaphore(%arg31 : memref<!tpu.dma_semaphore, #tpu.memory_space<semaphore_mem>>) src(%dma_wait3A_121 : memref<16x128xf32, #tpu.memory_space<hbm>>) dst(%dma_wait3A_119 : memref<16x128xf32, #tpu.memory_space<vmem>>)
        %dma_wait3A_122 = arith.constant 0 : i32
        %dma_wait3A_123 = arith.constant 0 : i32
        %dma_wait3A_124 = tpu.memref_slice %arg15[%dma_wait3A_122, %dma_wait3A_123] : memref<16x129xf32, #tpu.memory_space<vmem>> -> memref<16x128xf32, #tpu.memory_space<vmem>>
        %dma_wait3A_125 = arith.constant 0 : i32
        %dma_wait3A_126 = tpu.memref_slice %arg3[%dma_wait3A_125, %mul3A_112] : memref<16x1000000xf32, #tpu.memory_space<hbm>> -> memref<16x128xf32, #tpu.memory_space<hbm>>
        %dma_wait3A_127 = arith.constant 0 : i32
        %dma_wait3A_128 = arith.constant 0 : i32
        %dma_wait3A_129 = tpu.memref_slice %arg15[%dma_wait3A_127, %dma_wait3A_128] : memref<16x129xf32, #tpu.memory_space<vmem>> -> memref<16x128xf32, #tpu.memory_space<vmem>>
        %dma_wait3A_130 = arith.constant 0 : i32
        %dma_wait3A_131 = tpu.memref_slice %arg3[%dma_wait3A_130, %mul3A_112] : memref<16x1000000xf32, #tpu.memory_space<hbm>> -> memref<16x128xf32, #tpu.memory_space<hbm>>
        tpu.wait_dma2 semaphore(%arg31 : memref<!tpu.dma_semaphore, #tpu.memory_space<semaphore_mem>>) src(%dma_wait3A_131 : memref<16x128xf32, #tpu.memory_space<hbm>>) dst(%dma_wait3A_129 : memref<16x128xf32, #tpu.memory_space<vmem>>)
        %dma_wait3A_132 = arith.constant 0 : i32
        %dma_wait3A_133 = arith.constant 0 : i32
        %dma_wait3A_134 = tpu.memref_slice %arg16[%dma_wait3A_132, %dma_wait3A_133] : memref<16x129xf32, #tpu.memory_space<vmem>> -> memref<16x128xf32, #tpu.memory_space<vmem>>
        %dma_wait3A_135 = arith.constant 0 : i32
        %dma_wait3A_136 = tpu.memref_slice %arg4[%dma_wait3A_135, %mul3A_112] : memref<16x1000000xf32, #tpu.memory_space<hbm>> -> memref<16x128xf32, #tpu.memory_space<hbm>>
        %dma_wait3A_137 = arith.constant 0 : i32
        %dma_wait3A_138 = arith.constant 0 : i32
        %dma_wait3A_139 = tpu.memref_slice %arg16[%dma_wait3A_137, %dma_wait3A_138] : memref<16x129xf32, #tpu.memory_space<vmem>> -> memref<16x128xf32, #tpu.memory_space<vmem>>
        %dma_wait3A_140 = arith.constant 0 : i32
        %dma_wait3A_141 = tpu.memref_slice %arg4[%dma_wait3A_140, %mul3A_112] : memref<16x1000000xf32, #tpu.memory_space<hbm>> -> memref<16x128xf32, #tpu.memory_space<hbm>>
        tpu.wait_dma2 semaphore(%arg31 : memref<!tpu.dma_semaphore, #tpu.memory_space<semaphore_mem>>) src(%dma_wait3A_141 : memref<16x128xf32, #tpu.memory_space<hbm>>) dst(%dma_wait3A_139 : memref<16x128xf32, #tpu.memory_space<vmem>>)
        %dma_wait3A_142 = arith.constant 0 : i32
        %dma_wait3A_143 = arith.constant 0 : i32
        %dma_wait3A_144 = tpu.memref_slice %arg17[%dma_wait3A_142, %dma_wait3A_143] : memref<16x129xf32, #tpu.memory_space<vmem>> -> memref<16x128xf32, #tpu.memory_space<vmem>>
        %dma_wait3A_145 = arith.constant 0 : i32
        %dma_wait3A_146 = tpu.memref_slice %arg5[%dma_wait3A_145, %mul3A_112] : memref<16x1000000xf32, #tpu.memory_space<hbm>> -> memref<16x128xf32, #tpu.memory_space<hbm>>
        %dma_wait3A_147 = arith.constant 0 : i32
        %dma_wait3A_148 = arith.constant 0 : i32
        %dma_wait3A_149 = tpu.memref_slice %arg17[%dma_wait3A_147, %dma_wait3A_148] : memref<16x129xf32, #tpu.memory_space<vmem>> -> memref<16x128xf32, #tpu.memory_space<vmem>>
        %dma_wait3A_150 = arith.constant 0 : i32
        %dma_wait3A_151 = tpu.memref_slice %arg5[%dma_wait3A_150, %mul3A_112] : memref<16x1000000xf32, #tpu.memory_space<hbm>> -> memref<16x128xf32, #tpu.memory_space<hbm>>
        tpu.wait_dma2 semaphore(%arg31 : memref<!tpu.dma_semaphore, #tpu.memory_space<semaphore_mem>>) src(%dma_wait3A_151 : memref<16x128xf32, #tpu.memory_space<hbm>>) dst(%dma_wait3A_149 : memref<16x128xf32, #tpu.memory_space<vmem>>)
        %ge3A_152 = arith.constant 2 : i32
        %ge3A_153 = arith.cmpi sge, %while3A_64, %ge3A_152 : i32
        %convert_element_type3A_154 = arith.extui %ge3A_153 : i1 to i32
        %cond3A_155 = arith.constant 0 : i32
        %cond3A_156 = arith.cmpi ne, %convert_element_type3A_154, %cond3A_155 : i32
        scf.if %cond3A_156 {
          %sub3A = arith.constant 2 : i32
          %sub3A_184 = arith.subi %while3A_64, %sub3A : i32
          %add3A_185 = arith.addi %add3A_4, %sub3A_184 : i32
          %mul3A_186 = arith.constant 16 : i32
          %mul3A_187 = arith.muli %add3A_185, %mul3A_186 : i32
          %dma_wait3A_188 = arith.constant 0 : i32
          %dma_wait3A_189 = tpu.memref_slice %arg10[%mul3A_187, %dma_wait3A_188] : memref<125000x128xf32, #tpu.memory_space<hbm>> -> memref<16x128xf32, #tpu.memory_space<hbm>>
          %dma_wait3A_190 = arith.constant 0 : i32
          %dma_wait3A_191 = tpu.memref_slice %arg10[%mul3A_187, %dma_wait3A_190] : memref<125000x128xf32, #tpu.memory_space<hbm>> -> memref<16x128xf32, #tpu.memory_space<hbm>>
          tpu.wait_dma2 semaphore(%arg33 : memref<!tpu.dma_semaphore, #tpu.memory_space<semaphore_mem>>) src(%arg22 : memref<16x128xf32, #tpu.memory_space<vmem>>) dst(%dma_wait3A_191 : memref<16x128xf32, #tpu.memory_space<hbm>>)
          %mul3A_192 = arith.constant 16 : i32
          %mul3A_193 = arith.muli %add3A_185, %mul3A_192 : i32
          %dma_wait3A_194 = arith.constant 0 : i32
          %dma_wait3A_195 = tpu.memref_slice %arg11[%mul3A_193, %dma_wait3A_194] : memref<125000x128xf32, #tpu.memory_space<hbm>> -> memref<16x128xf32, #tpu.memory_space<hbm>>
          %dma_wait3A_196 = arith.constant 0 : i32
          %dma_wait3A_197 = tpu.memref_slice %arg11[%mul3A_193, %dma_wait3A_196] : memref<125000x128xf32, #tpu.memory_space<hbm>> -> memref<16x128xf32, #tpu.memory_space<hbm>>
          tpu.wait_dma2 semaphore(%arg33 : memref<!tpu.dma_semaphore, #tpu.memory_space<semaphore_mem>>) src(%arg23 : memref<16x128xf32, #tpu.memory_space<vmem>>) dst(%dma_wait3A_197 : memref<16x128xf32, #tpu.memory_space<hbm>>)
          %mul3A_198 = arith.constant 16 : i32
          %mul3A_199 = arith.muli %add3A_185, %mul3A_198 : i32
          %dma_wait3A_200 = arith.constant 0 : i32
          %dma_wait3A_201 = tpu.memref_slice %arg12[%mul3A_199, %dma_wait3A_200] : memref<125000x128xf32, #tpu.memory_space<hbm>> -> memref<16x128xf32, #tpu.memory_space<hbm>>
          %dma_wait3A_202 = arith.constant 0 : i32
          %dma_wait3A_203 = tpu.memref_slice %arg12[%mul3A_199, %dma_wait3A_202] : memref<125000x128xf32, #tpu.memory_space<hbm>> -> memref<16x128xf32, #tpu.memory_space<hbm>>
          tpu.wait_dma2 semaphore(%arg33 : memref<!tpu.dma_semaphore, #tpu.memory_space<semaphore_mem>>) src(%arg24 : memref<16x128xf32, #tpu.memory_space<vmem>>) dst(%dma_wait3A_203 : memref<16x128xf32, #tpu.memory_space<hbm>>)
          %mul3A_204 = arith.constant 16 : i32
          %mul3A_205 = arith.muli %add3A_185, %mul3A_204 : i32
          %dma_wait3A_206 = arith.constant 0 : i32
          %dma_wait3A_207 = tpu.memref_slice %arg13[%mul3A_205, %dma_wait3A_206] : memref<125000x128xf32, #tpu.memory_space<hbm>> -> memref<16x128xf32, #tpu.memory_space<hbm>>
          %dma_wait3A_208 = arith.constant 0 : i32
          %dma_wait3A_209 = tpu.memref_slice %arg13[%mul3A_205, %dma_wait3A_208] : memref<125000x128xf32, #tpu.memory_space<hbm>> -> memref<16x128xf32, #tpu.memory_space<hbm>>
          tpu.wait_dma2 semaphore(%arg33 : memref<!tpu.dma_semaphore, #tpu.memory_space<semaphore_mem>>) src(%arg25 : memref<16x128xf32, #tpu.memory_space<vmem>>) dst(%dma_wait3A_209 : memref<16x128xf32, #tpu.memory_space<hbm>>)
        } else {
        }
        %parallel_loop3A = arith.constant 0 : i32
        %parallel_loop3A_157 = arith.constant 128 : i32
        %parallel_loop3A_158 = arith.constant 1 : i32
        scf.for %parallel_loop3A_184 = %parallel_loop3A to %parallel_loop3A_157 step %parallel_loop3A_158  : i32 {
          %parallel_loop3A_185 = vector.broadcast %parallel_loop3A_184 : i32 to vector<16xi32>
          %parallel_loop3A_186 = arith.constant 8 : i32
          %parallel_loop3A_187 = arith.divsi %parallel_loop3A_184, %parallel_loop3A_186 : i32
          %parallel_loop3A_188 = arith.constant 0 : i32
          %parallel_loop3A_189 = arith.cmpi sgt, %parallel_loop3A_184, %parallel_loop3A_188 : i32
          %parallel_loop3A_190 = arith.extui %parallel_loop3A_189 : i1 to i32
          %parallel_loop3A_191 = arith.constant 0 : i32
          %parallel_loop3A_192 = arith.cmpi slt, %parallel_loop3A_184, %parallel_loop3A_191 : i32
          %parallel_loop3A_193 = arith.extui %parallel_loop3A_192 : i1 to i32
          %parallel_loop3A_194 = arith.subi %parallel_loop3A_190, %parallel_loop3A_193 : i32
          %parallel_loop3A_195 = arith.constant 0 : i32
          %parallel_loop3A_196 = arith.cmpi sgt, %parallel_loop3A_186, %parallel_loop3A_195 : i32
          %parallel_loop3A_197 = arith.extui %parallel_loop3A_196 : i1 to i32
          %parallel_loop3A_198 = arith.constant 0 : i32
          %parallel_loop3A_199 = arith.cmpi slt, %parallel_loop3A_186, %parallel_loop3A_198 : i32
          %parallel_loop3A_200 = arith.extui %parallel_loop3A_199 : i1 to i32
          %parallel_loop3A_201 = arith.subi %parallel_loop3A_197, %parallel_loop3A_200 : i32
          %parallel_loop3A_202 = arith.cmpi ne, %parallel_loop3A_194, %parallel_loop3A_201 : i32
          %parallel_loop3A_203 = arith.remsi %parallel_loop3A_184, %parallel_loop3A_186 : i32
          %parallel_loop3A_204 = arith.constant 0 : i32
          %parallel_loop3A_205 = arith.cmpi ne, %parallel_loop3A_203, %parallel_loop3A_204 : i32
          %parallel_loop3A_206 = arith.andi %parallel_loop3A_202, %parallel_loop3A_205 : i1
          %parallel_loop3A_207 = arith.constant 1 : i32
          %parallel_loop3A_208 = arith.subi %parallel_loop3A_187, %parallel_loop3A_207 : i32
          %parallel_loop3A_209 = arith.select %parallel_loop3A_206, %parallel_loop3A_208, %parallel_loop3A_187 : i32
          %parallel_loop3A_210 = arith.constant 8 : i32
          %parallel_loop3A_211 = arith.constant 0 : i32
          %parallel_loop3A_212 = arith.cmpi eq, %parallel_loop3A_210, %parallel_loop3A_211 : i32
          %parallel_loop3A_213 = arith.constant 1 : i32
          %parallel_loop3A_214 = arith.select %parallel_loop3A_212, %parallel_loop3A_213, %parallel_loop3A_210 : i32
          %parallel_loop3A_215 = arith.remsi %parallel_loop3A_184, %parallel_loop3A_214 : i32
          %parallel_loop3A_216 = arith.constant 0 : i32
          %parallel_loop3A_217 = arith.cmpi ne, %parallel_loop3A_215, %parallel_loop3A_216 : i32
          %parallel_loop3A_218 = arith.constant 0 : i32
          %parallel_loop3A_219 = arith.cmpi slt, %parallel_loop3A_215, %parallel_loop3A_218 : i32
          %parallel_loop3A_220 = arith.constant 0 : i32
          %parallel_loop3A_221 = arith.cmpi slt, %parallel_loop3A_214, %parallel_loop3A_220 : i32
          %parallel_loop3A_222 = arith.xori %parallel_loop3A_219, %parallel_loop3A_221 : i1
          %parallel_loop3A_223 = arith.andi %parallel_loop3A_222, %parallel_loop3A_217 : i1
          %parallel_loop3A_224 = arith.addi %parallel_loop3A_215, %parallel_loop3A_214 : i32
          %parallel_loop3A_225 = arith.select %parallel_loop3A_223, %parallel_loop3A_224, %parallel_loop3A_215 : i32
          %parallel_loop3A_226 = arith.constant 16 : i32
          %parallel_loop3A_227 = arith.muli %parallel_loop3A_225, %parallel_loop3A_226 : i32
          %parallel_loop3A_228 = tpu.vector_load_idx %arg14[%iota3A, %parallel_loop3A_185] : memref<16x129xf32, #tpu.memory_space<vmem>>[vector<16xi32>, vector<16xi32>], vector<16xf32>,
          %parallel_loop3A_229 = arith.index_cast %parallel_loop3A_209 : i32 to index
          %parallel_loop3A_230 = arith.index_cast %parallel_loop3A_227 : i32 to index
          %parallel_loop3A_231 = tpu.vector_load %arg22[%parallel_loop3A_229, %parallel_loop3A_230] {strides = array<i32>} : memref<16x128xf32, #tpu.memory_space<vmem>>, vector<16xf32>,
          tpu.vector_store %arg22[%parallel_loop3A_229, %parallel_loop3A_230], %parallel_loop3A_228 {strides = array<i32>} : memref<16x128xf32, #tpu.memory_space<vmem>>, vector<16xf32>,
          %parallel_loop3A_232 = tpu.vector_load_idx %arg15[%iota3A, %parallel_loop3A_185] : memref<16x129xf32, #tpu.memory_space<vmem>>[vector<16xi32>, vector<16xi32>], vector<16xf32>,
          %parallel_loop3A_233 = arith.index_cast %parallel_loop3A_209 : i32 to index
          %parallel_loop3A_234 = arith.index_cast %parallel_loop3A_227 : i32 to index
          %parallel_loop3A_235 = tpu.vector_load %arg23[%parallel_loop3A_233, %parallel_loop3A_234] {strides = array<i32>} : memref<16x128xf32, #tpu.memory_space<vmem>>, vector<16xf32>,
          tpu.vector_store %arg23[%parallel_loop3A_233, %parallel_loop3A_234], %parallel_loop3A_232 {strides = array<i32>} : memref<16x128xf32, #tpu.memory_space<vmem>>, vector<16xf32>,
          %parallel_loop3A_236 = tpu.vector_load_idx %arg16[%iota3A, %parallel_loop3A_185] : memref<16x129xf32, #tpu.memory_space<vmem>>[vector<16xi32>, vector<16xi32>], vector<16xf32>,
          %parallel_loop3A_237 = arith.index_cast %parallel_loop3A_209 : i32 to index
          %parallel_loop3A_238 = arith.index_cast %parallel_loop3A_227 : i32 to index
          %parallel_loop3A_239 = tpu.vector_load %arg24[%parallel_loop3A_237, %parallel_loop3A_238] {strides = array<i32>} : memref<16x128xf32, #tpu.memory_space<vmem>>, vector<16xf32>,
          tpu.vector_store %arg24[%parallel_loop3A_237, %parallel_loop3A_238], %parallel_loop3A_236 {strides = array<i32>} : memref<16x128xf32, #tpu.memory_space<vmem>>, vector<16xf32>,
          %parallel_loop3A_240 = tpu.vector_load_idx %arg17[%iota3A, %parallel_loop3A_185] : memref<16x129xf32, #tpu.memory_space<vmem>>[vector<16xi32>, vector<16xi32>], vector<16xf32>,
          %parallel_loop3A_241 = arith.index_cast %parallel_loop3A_209 : i32 to index
          %parallel_loop3A_242 = arith.index_cast %parallel_loop3A_227 : i32 to index
          %parallel_loop3A_243 = tpu.vector_load %arg25[%parallel_loop3A_241, %parallel_loop3A_242] {strides = array<i32>} : memref<16x128xf32, #tpu.memory_space<vmem>>, vector<16xf32>,
          tpu.vector_store %arg25[%parallel_loop3A_241, %parallel_loop3A_242], %parallel_loop3A_240 {strides = array<i32>} : memref<16x128xf32, #tpu.memory_space<vmem>>, vector<16xf32>,
        } {sc.loop_unroll_factor = 16 : i64, sc.parallel_access}
        %add3A_159 = arith.addi %add3A_4, %while3A_64 : i32
        %mul3A_160 = arith.constant 16 : i32
        %mul3A_161 = arith.muli %add3A_159, %mul3A_160 : i32
        %dma_start3A_162 = arith.constant 0 : i32
        %dma_start3A_163 = tpu.memref_slice %arg10[%mul3A_161, %dma_start3A_162] : memref<125000x128xf32, #tpu.memory_space<hbm>> -> memref<16x128xf32, #tpu.memory_space<hbm>>
        %dma_start3A_164 = arith.constant 0 : i32
        %dma_start3A_165 = tpu.memref_slice %arg10[%mul3A_161, %dma_start3A_164] : memref<125000x128xf32, #tpu.memory_space<hbm>> -> memref<16x128xf32, #tpu.memory_space<hbm>>
        tpu.enqueue_dma source(%arg22 : memref<16x128xf32, #tpu.memory_space<vmem>>) target(%dma_start3A_165 : memref<16x128xf32, #tpu.memory_space<hbm>>) target_semaphore(%arg33 : memref<!tpu.dma_semaphore, #tpu.memory_space<semaphore_mem>>)
        %mul3A_166 = arith.constant 16 : i32
        %mul3A_167 = arith.muli %add3A_159, %mul3A_166 : i32
        %dma_start3A_168 = arith.constant 0 : i32
        %dma_start3A_169 = tpu.memref_slice %arg11[%mul3A_167, %dma_start3A_168] : memref<125000x128xf32, #tpu.memory_space<hbm>> -> memref<16x128xf32, #tpu.memory_space<hbm>>
        %dma_start3A_170 = arith.constant 0 : i32
        %dma_start3A_171 = tpu.memref_slice %arg11[%mul3A_167, %dma_start3A_170] : memref<125000x128xf32, #tpu.memory_space<hbm>> -> memref<16x128xf32, #tpu.memory_space<hbm>>
        tpu.enqueue_dma source(%arg23 : memref<16x128xf32, #tpu.memory_space<vmem>>) target(%dma_start3A_171 : memref<16x128xf32, #tpu.memory_space<hbm>>) target_semaphore(%arg33 : memref<!tpu.dma_semaphore, #tpu.memory_space<semaphore_mem>>)
        %mul3A_172 = arith.constant 16 : i32
        %mul3A_173 = arith.muli %add3A_159, %mul3A_172 : i32
        %dma_start3A_174 = arith.constant 0 : i32
        %dma_start3A_175 = tpu.memref_slice %arg12[%mul3A_173, %dma_start3A_174] : memref<125000x128xf32, #tpu.memory_space<hbm>> -> memref<16x128xf32, #tpu.memory_space<hbm>>
        %dma_start3A_176 = arith.constant 0 : i32
        %dma_start3A_177 = tpu.memref_slice %arg12[%mul3A_173, %dma_start3A_176] : memref<125000x128xf32, #tpu.memory_space<hbm>> -> memref<16x128xf32, #tpu.memory_space<hbm>>
        tpu.enqueue_dma source(%arg24 : memref<16x128xf32, #tpu.memory_space<vmem>>) target(%dma_start3A_177 : memref<16x128xf32, #tpu.memory_space<hbm>>) target_semaphore(%arg33 : memref<!tpu.dma_semaphore, #tpu.memory_space<semaphore_mem>>)
        %mul3A_178 = arith.constant 16 : i32
        %mul3A_179 = arith.muli %add3A_159, %mul3A_178 : i32
        %dma_start3A_180 = arith.constant 0 : i32
        %dma_start3A_181 = tpu.memref_slice %arg13[%mul3A_179, %dma_start3A_180] : memref<125000x128xf32, #tpu.memory_space<hbm>> -> memref<16x128xf32, #tpu.memory_space<hbm>>
        %dma_start3A_182 = arith.constant 0 : i32
        %dma_start3A_183 = tpu.memref_slice %arg13[%mul3A_179, %dma_start3A_182] : memref<125000x128xf32, #tpu.memory_space<hbm>> -> memref<16x128xf32, #tpu.memory_space<hbm>>
        tpu.enqueue_dma source(%arg25 : memref<16x128xf32, #tpu.memory_space<vmem>>) target(%dma_start3A_183 : memref<16x128xf32, #tpu.memory_space<hbm>>) target_semaphore(%arg33 : memref<!tpu.dma_semaphore, #tpu.memory_space<semaphore_mem>>)
      } else {
      }
      %jit3A_83 = arith.constant 2 : i32
      %eq3A_84 = arith.constant 0 : i32
      %eq3A_85 = arith.cmpi eq, %jit3A_83, %eq3A_84 : i32
      %jit3A_86 = arith.constant 1 : i32
      %select_n3A_87 = arith.select %eq3A_85, %jit3A_86, %jit3A_83 : i32
      %rem3A_88 = arith.remsi %while3A_64, %select_n3A_87 : i32
      %ne3A_89 = arith.constant 0 : i32
      %ne3A_90 = arith.cmpi ne, %rem3A_88, %ne3A_89 : i32
      %lt3A_91 = arith.constant 0 : i32
      %lt3A_92 = arith.cmpi slt, %rem3A_88, %lt3A_91 : i32
      %lt3A_93 = arith.constant 0 : i32
      %lt3A_94 = arith.cmpi slt, %select_n3A_87, %lt3A_93 : i32
      %ne3A_95 = arith.xori %lt3A_92, %lt3A_94 : i1
      %and3A_96 = arith.andi %ne3A_95, %ne3A_90 : i1
      %add3A_97 = arith.addi %rem3A_88, %select_n3A_87 : i32
      %select_n3A_98 = arith.select %and3A_96, %add3A_97, %rem3A_88 : i32
      %eq3A_99 = arith.constant 1 : i32
      %eq3A_100 = arith.cmpi eq, %select_n3A_98, %eq3A_99 : i32
      %convert_element_type3A_101 = arith.extui %eq3A_100 : i1 to i32
      %cond3A_102 = arith.constant 0 : i32
      %cond3A_103 = arith.cmpi ne, %convert_element_type3A_101, %cond3A_102 : i32
      scf.if %cond3A_103 {
        %add3A_104 = arith.constant 1 : i32
        %add3A_105 = arith.addi %while3A_64, %add3A_104 : i32
        %lt3A_106 = arith.cmpi slt, %add3A_105, %select_n3A : i32
        %convert_element_type3A_107 = arith.extui %lt3A_106 : i1 to i32
        %cond3A_108 = arith.constant 0 : i32
        %cond3A_109 = arith.cmpi ne, %convert_element_type3A_107, %cond3A_108 : i32
        scf.if %cond3A_109 {
          %add3A_184 = arith.constant 1 : i32
          %add3A_185 = arith.addi %while3A_64, %add3A_184 : i32
          %add3A_186 = arith.addi %add3A_4, %add3A_185 : i32
          %mul3A_187 = arith.constant 128 : i32
          %mul3A_188 = arith.muli %add3A_186, %mul3A_187 : i32
          %dma_start3A_189 = arith.constant 0 : i32
          %dma_start3A_190 = arith.constant 0 : i32
          %dma_start3A_191 = tpu.memref_slice %arg14[%dma_start3A_189, %dma_start3A_190] : memref<16x129xf32, #tpu.memory_space<vmem>> -> memref<16x128xf32, #tpu.memory_space<vmem>>
          %dma_start3A_192 = arith.constant 0 : i32
          %dma_start3A_193 = tpu.memref_slice %arg2[%dma_start3A_192, %mul3A_188] : memref<16x1000000xf32, #tpu.memory_space<hbm>> -> memref<16x128xf32, #tpu.memory_space<hbm>>
          %dma_start3A_194 = arith.constant 0 : i32
          %dma_start3A_195 = arith.constant 0 : i32
          %dma_start3A_196 = tpu.memref_slice %arg14[%dma_start3A_194, %dma_start3A_195] : memref<16x129xf32, #tpu.memory_space<vmem>> -> memref<16x128xf32, #tpu.memory_space<vmem>>
          %dma_start3A_197 = arith.constant 0 : i32
          %dma_start3A_198 = tpu.memref_slice %arg2[%dma_start3A_197, %mul3A_188] : memref<16x1000000xf32, #tpu.memory_space<hbm>> -> memref<16x128xf32, #tpu.memory_space<hbm>>
          tpu.enqueue_dma source(%dma_start3A_198 : memref<16x128xf32, #tpu.memory_space<hbm>>) target(%dma_start3A_196 : memref<16x128xf32, #tpu.memory_space<vmem>>) target_semaphore(%arg31 : memref<!tpu.dma_semaphore, #tpu.memory_space<semaphore_mem>>)
          %dma_start3A_199 = arith.constant 0 : i32
          %dma_start3A_200 = arith.constant 0 : i32
          %dma_start3A_201 = tpu.memref_slice %arg15[%dma_start3A_199, %dma_start3A_200] : memref<16x129xf32, #tpu.memory_space<vmem>> -> memref<16x128xf32, #tpu.memory_space<vmem>>
          %dma_start3A_202 = arith.constant 0 : i32
          %dma_start3A_203 = tpu.memref_slice %arg3[%dma_start3A_202, %mul3A_188] : memref<16x1000000xf32, #tpu.memory_space<hbm>> -> memref<16x128xf32, #tpu.memory_space<hbm>>
          %dma_start3A_204 = arith.constant 0 : i32
          %dma_start3A_205 = arith.constant 0 : i32
          %dma_start3A_206 = tpu.memref_slice %arg15[%dma_start3A_204, %dma_start3A_205] : memref<16x129xf32, #tpu.memory_space<vmem>> -> memref<16x128xf32, #tpu.memory_space<vmem>>
          %dma_start3A_207 = arith.constant 0 : i32
          %dma_start3A_208 = tpu.memref_slice %arg3[%dma_start3A_207, %mul3A_188] : memref<16x1000000xf32, #tpu.memory_space<hbm>> -> memref<16x128xf32, #tpu.memory_space<hbm>>
          tpu.enqueue_dma source(%dma_start3A_208 : memref<16x128xf32, #tpu.memory_space<hbm>>) target(%dma_start3A_206 : memref<16x128xf32, #tpu.memory_space<vmem>>) target_semaphore(%arg31 : memref<!tpu.dma_semaphore, #tpu.memory_space<semaphore_mem>>)
          %dma_start3A_209 = arith.constant 0 : i32
          %dma_start3A_210 = arith.constant 0 : i32
          %dma_start3A_211 = tpu.memref_slice %arg16[%dma_start3A_209, %dma_start3A_210] : memref<16x129xf32, #tpu.memory_space<vmem>> -> memref<16x128xf32, #tpu.memory_space<vmem>>
          %dma_start3A_212 = arith.constant 0 : i32
          %dma_start3A_213 = tpu.memref_slice %arg4[%dma_start3A_212, %mul3A_188] : memref<16x1000000xf32, #tpu.memory_space<hbm>> -> memref<16x128xf32, #tpu.memory_space<hbm>>
          %dma_start3A_214 = arith.constant 0 : i32
          %dma_start3A_215 = arith.constant 0 : i32
          %dma_start3A_216 = tpu.memref_slice %arg16[%dma_start3A_214, %dma_start3A_215] : memref<16x129xf32, #tpu.memory_space<vmem>> -> memref<16x128xf32, #tpu.memory_space<vmem>>
          %dma_start3A_217 = arith.constant 0 : i32
          %dma_start3A_218 = tpu.memref_slice %arg4[%dma_start3A_217, %mul3A_188] : memref<16x1000000xf32, #tpu.memory_space<hbm>> -> memref<16x128xf32, #tpu.memory_space<hbm>>
          tpu.enqueue_dma source(%dma_start3A_218 : memref<16x128xf32, #tpu.memory_space<hbm>>) target(%dma_start3A_216 : memref<16x128xf32, #tpu.memory_space<vmem>>) target_semaphore(%arg31 : memref<!tpu.dma_semaphore, #tpu.memory_space<semaphore_mem>>)
          %dma_start3A_219 = arith.constant 0 : i32
          %dma_start3A_220 = arith.constant 0 : i32
          %dma_start3A_221 = tpu.memref_slice %arg17[%dma_start3A_219, %dma_start3A_220] : memref<16x129xf32, #tpu.memory_space<vmem>> -> memref<16x128xf32, #tpu.memory_space<vmem>>
          %dma_start3A_222 = arith.constant 0 : i32
          %dma_start3A_223 = tpu.memref_slice %arg5[%dma_start3A_222, %mul3A_188] : memref<16x1000000xf32, #tpu.memory_space<hbm>> -> memref<16x128xf32, #tpu.memory_space<hbm>>
          %dma_start3A_224 = arith.constant 0 : i32
          %dma_start3A_225 = arith.constant 0 : i32
          %dma_start3A_226 = tpu.memref_slice %arg17[%dma_start3A_224, %dma_start3A_225] : memref<16x129xf32, #tpu.memory_space<vmem>> -> memref<16x128xf32, #tpu.memory_space<vmem>>
          %dma_start3A_227 = arith.constant 0 : i32
          %dma_start3A_228 = tpu.memref_slice %arg5[%dma_start3A_227, %mul3A_188] : memref<16x1000000xf32, #tpu.memory_space<hbm>> -> memref<16x128xf32, #tpu.memory_space<hbm>>
          tpu.enqueue_dma source(%dma_start3A_228 : memref<16x128xf32, #tpu.memory_space<hbm>>) target(%dma_start3A_226 : memref<16x128xf32, #tpu.memory_space<vmem>>) target_semaphore(%arg31 : memref<!tpu.dma_semaphore, #tpu.memory_space<semaphore_mem>>)
        } else {
        }
        %add3A_110 = arith.addi %add3A_4, %while3A_64 : i32
        %mul3A_111 = arith.constant 128 : i32
        %mul3A_112 = arith.muli %add3A_110, %mul3A_111 : i32
        %dma_wait3A = arith.constant 0 : i32
        %dma_wait3A_113 = arith.constant 0 : i32
        %dma_wait3A_114 = tpu.memref_slice %arg18[%dma_wait3A, %dma_wait3A_113] : memref<16x129xf32, #tpu.memory_space<vmem>> -> memref<16x128xf32, #tpu.memory_space<vmem>>
        %dma_wait3A_115 = arith.constant 0 : i32
        %dma_wait3A_116 = tpu.memref_slice %arg2[%dma_wait3A_115, %mul3A_112] : memref<16x1000000xf32, #tpu.memory_space<hbm>> -> memref<16x128xf32, #tpu.memory_space<hbm>>
        %dma_wait3A_117 = arith.constant 0 : i32
        %dma_wait3A_118 = arith.constant 0 : i32
        %dma_wait3A_119 = tpu.memref_slice %arg18[%dma_wait3A_117, %dma_wait3A_118] : memref<16x129xf32, #tpu.memory_space<vmem>> -> memref<16x128xf32, #tpu.memory_space<vmem>>
        %dma_wait3A_120 = arith.constant 0 : i32
        %dma_wait3A_121 = tpu.memref_slice %arg2[%dma_wait3A_120, %mul3A_112] : memref<16x1000000xf32, #tpu.memory_space<hbm>> -> memref<16x128xf32, #tpu.memory_space<hbm>>
        tpu.wait_dma2 semaphore(%arg32 : memref<!tpu.dma_semaphore, #tpu.memory_space<semaphore_mem>>) src(%dma_wait3A_121 : memref<16x128xf32, #tpu.memory_space<hbm>>) dst(%dma_wait3A_119 : memref<16x128xf32, #tpu.memory_space<vmem>>)
        %dma_wait3A_122 = arith.constant 0 : i32
        %dma_wait3A_123 = arith.constant 0 : i32
        %dma_wait3A_124 = tpu.memref_slice %arg19[%dma_wait3A_122, %dma_wait3A_123] : memref<16x129xf32, #tpu.memory_space<vmem>> -> memref<16x128xf32, #tpu.memory_space<vmem>>
        %dma_wait3A_125 = arith.constant 0 : i32
        %dma_wait3A_126 = tpu.memref_slice %arg3[%dma_wait3A_125, %mul3A_112] : memref<16x1000000xf32, #tpu.memory_space<hbm>> -> memref<16x128xf32, #tpu.memory_space<hbm>>
        %dma_wait3A_127 = arith.constant 0 : i32
        %dma_wait3A_128 = arith.constant 0 : i32
        %dma_wait3A_129 = tpu.memref_slice %arg19[%dma_wait3A_127, %dma_wait3A_128] : memref<16x129xf32, #tpu.memory_space<vmem>> -> memref<16x128xf32, #tpu.memory_space<vmem>>
        %dma_wait3A_130 = arith.constant 0 : i32
        %dma_wait3A_131 = tpu.memref_slice %arg3[%dma_wait3A_130, %mul3A_112] : memref<16x1000000xf32, #tpu.memory_space<hbm>> -> memref<16x128xf32, #tpu.memory_space<hbm>>
        tpu.wait_dma2 semaphore(%arg32 : memref<!tpu.dma_semaphore, #tpu.memory_space<semaphore_mem>>) src(%dma_wait3A_131 : memref<16x128xf32, #tpu.memory_space<hbm>>) dst(%dma_wait3A_129 : memref<16x128xf32, #tpu.memory_space<vmem>>)
        %dma_wait3A_132 = arith.constant 0 : i32
        %dma_wait3A_133 = arith.constant 0 : i32
        %dma_wait3A_134 = tpu.memref_slice %arg20[%dma_wait3A_132, %dma_wait3A_133] : memref<16x129xf32, #tpu.memory_space<vmem>> -> memref<16x128xf32, #tpu.memory_space<vmem>>
        %dma_wait3A_135 = arith.constant 0 : i32
        %dma_wait3A_136 = tpu.memref_slice %arg4[%dma_wait3A_135, %mul3A_112] : memref<16x1000000xf32, #tpu.memory_space<hbm>> -> memref<16x128xf32, #tpu.memory_space<hbm>>
        %dma_wait3A_137 = arith.constant 0 : i32
        %dma_wait3A_138 = arith.constant 0 : i32
        %dma_wait3A_139 = tpu.memref_slice %arg20[%dma_wait3A_137, %dma_wait3A_138] : memref<16x129xf32, #tpu.memory_space<vmem>> -> memref<16x128xf32, #tpu.memory_space<vmem>>
        %dma_wait3A_140 = arith.constant 0 : i32
        %dma_wait3A_141 = tpu.memref_slice %arg4[%dma_wait3A_140, %mul3A_112] : memref<16x1000000xf32, #tpu.memory_space<hbm>> -> memref<16x128xf32, #tpu.memory_space<hbm>>
        tpu.wait_dma2 semaphore(%arg32 : memref<!tpu.dma_semaphore, #tpu.memory_space<semaphore_mem>>) src(%dma_wait3A_141 : memref<16x128xf32, #tpu.memory_space<hbm>>) dst(%dma_wait3A_139 : memref<16x128xf32, #tpu.memory_space<vmem>>)
        %dma_wait3A_142 = arith.constant 0 : i32
        %dma_wait3A_143 = arith.constant 0 : i32
        %dma_wait3A_144 = tpu.memref_slice %arg21[%dma_wait3A_142, %dma_wait3A_143] : memref<16x129xf32, #tpu.memory_space<vmem>> -> memref<16x128xf32, #tpu.memory_space<vmem>>
        %dma_wait3A_145 = arith.constant 0 : i32
        %dma_wait3A_146 = tpu.memref_slice %arg5[%dma_wait3A_145, %mul3A_112] : memref<16x1000000xf32, #tpu.memory_space<hbm>> -> memref<16x128xf32, #tpu.memory_space<hbm>>
        %dma_wait3A_147 = arith.constant 0 : i32
        %dma_wait3A_148 = arith.constant 0 : i32
        %dma_wait3A_149 = tpu.memref_slice %arg21[%dma_wait3A_147, %dma_wait3A_148] : memref<16x129xf32, #tpu.memory_space<vmem>> -> memref<16x128xf32, #tpu.memory_space<vmem>>
        %dma_wait3A_150 = arith.constant 0 : i32
        %dma_wait3A_151 = tpu.memref_slice %arg5[%dma_wait3A_150, %mul3A_112] : memref<16x1000000xf32, #tpu.memory_space<hbm>> -> memref<16x128xf32, #tpu.memory_space<hbm>>
        tpu.wait_dma2 semaphore(%arg32 : memref<!tpu.dma_semaphore, #tpu.memory_space<semaphore_mem>>) src(%dma_wait3A_151 : memref<16x128xf32, #tpu.memory_space<hbm>>) dst(%dma_wait3A_149 : memref<16x128xf32, #tpu.memory_space<vmem>>)
        %ge3A_152 = arith.constant 2 : i32
        %ge3A_153 = arith.cmpi sge, %while3A_64, %ge3A_152 : i32
        %convert_element_type3A_154 = arith.extui %ge3A_153 : i1 to i32
        %cond3A_155 = arith.constant 0 : i32
        %cond3A_156 = arith.cmpi ne, %convert_element_type3A_154, %cond3A_155 : i32
        scf.if %cond3A_156 {
          %sub3A = arith.constant 2 : i32
          %sub3A_184 = arith.subi %while3A_64, %sub3A : i32
          %add3A_185 = arith.addi %add3A_4, %sub3A_184 : i32
          %mul3A_186 = arith.constant 16 : i32
          %mul3A_187 = arith.muli %add3A_185, %mul3A_186 : i32
          %dma_wait3A_188 = arith.constant 0 : i32
          %dma_wait3A_189 = tpu.memref_slice %arg10[%mul3A_187, %dma_wait3A_188] : memref<125000x128xf32, #tpu.memory_space<hbm>> -> memref<16x128xf32, #tpu.memory_space<hbm>>
          %dma_wait3A_190 = arith.constant 0 : i32
          %dma_wait3A_191 = tpu.memref_slice %arg10[%mul3A_187, %dma_wait3A_190] : memref<125000x128xf32, #tpu.memory_space<hbm>> -> memref<16x128xf32, #tpu.memory_space<hbm>>
          tpu.wait_dma2 semaphore(%arg34 : memref<!tpu.dma_semaphore, #tpu.memory_space<semaphore_mem>>) src(%arg26 : memref<16x128xf32, #tpu.memory_space<vmem>>) dst(%dma_wait3A_191 : memref<16x128xf32, #tpu.memory_space<hbm>>)
          %mul3A_192 = arith.constant 16 : i32
          %mul3A_193 = arith.muli %add3A_185, %mul3A_192 : i32
          %dma_wait3A_194 = arith.constant 0 : i32
          %dma_wait3A_195 = tpu.memref_slice %arg11[%mul3A_193, %dma_wait3A_194] : memref<125000x128xf32, #tpu.memory_space<hbm>> -> memref<16x128xf32, #tpu.memory_space<hbm>>
          %dma_wait3A_196 = arith.constant 0 : i32
          %dma_wait3A_197 = tpu.memref_slice %arg11[%mul3A_193, %dma_wait3A_196] : memref<125000x128xf32, #tpu.memory_space<hbm>> -> memref<16x128xf32, #tpu.memory_space<hbm>>
          tpu.wait_dma2 semaphore(%arg34 : memref<!tpu.dma_semaphore, #tpu.memory_space<semaphore_mem>>) src(%arg27 : memref<16x128xf32, #tpu.memory_space<vmem>>) dst(%dma_wait3A_197 : memref<16x128xf32, #tpu.memory_space<hbm>>)
          %mul3A_198 = arith.constant 16 : i32
          %mul3A_199 = arith.muli %add3A_185, %mul3A_198 : i32
          %dma_wait3A_200 = arith.constant 0 : i32
          %dma_wait3A_201 = tpu.memref_slice %arg12[%mul3A_199, %dma_wait3A_200] : memref<125000x128xf32, #tpu.memory_space<hbm>> -> memref<16x128xf32, #tpu.memory_space<hbm>>
          %dma_wait3A_202 = arith.constant 0 : i32
          %dma_wait3A_203 = tpu.memref_slice %arg12[%mul3A_199, %dma_wait3A_202] : memref<125000x128xf32, #tpu.memory_space<hbm>> -> memref<16x128xf32, #tpu.memory_space<hbm>>
          tpu.wait_dma2 semaphore(%arg34 : memref<!tpu.dma_semaphore, #tpu.memory_space<semaphore_mem>>) src(%arg28 : memref<16x128xf32, #tpu.memory_space<vmem>>) dst(%dma_wait3A_203 : memref<16x128xf32, #tpu.memory_space<hbm>>)
          %mul3A_204 = arith.constant 16 : i32
          %mul3A_205 = arith.muli %add3A_185, %mul3A_204 : i32
          %dma_wait3A_206 = arith.constant 0 : i32
          %dma_wait3A_207 = tpu.memref_slice %arg13[%mul3A_205, %dma_wait3A_206] : memref<125000x128xf32, #tpu.memory_space<hbm>> -> memref<16x128xf32, #tpu.memory_space<hbm>>
          %dma_wait3A_208 = arith.constant 0 : i32
          %dma_wait3A_209 = tpu.memref_slice %arg13[%mul3A_205, %dma_wait3A_208] : memref<125000x128xf32, #tpu.memory_space<hbm>> -> memref<16x128xf32, #tpu.memory_space<hbm>>
          tpu.wait_dma2 semaphore(%arg34 : memref<!tpu.dma_semaphore, #tpu.memory_space<semaphore_mem>>) src(%arg29 : memref<16x128xf32, #tpu.memory_space<vmem>>) dst(%dma_wait3A_209 : memref<16x128xf32, #tpu.memory_space<hbm>>)
        } else {
        }
        %parallel_loop3A = arith.constant 0 : i32
        %parallel_loop3A_157 = arith.constant 128 : i32
        %parallel_loop3A_158 = arith.constant 1 : i32
        scf.for %parallel_loop3A_184 = %parallel_loop3A to %parallel_loop3A_157 step %parallel_loop3A_158  : i32 {
          %parallel_loop3A_185 = vector.broadcast %parallel_loop3A_184 : i32 to vector<16xi32>
          %parallel_loop3A_186 = arith.constant 8 : i32
          %parallel_loop3A_187 = arith.divsi %parallel_loop3A_184, %parallel_loop3A_186 : i32
          %parallel_loop3A_188 = arith.constant 0 : i32
          %parallel_loop3A_189 = arith.cmpi sgt, %parallel_loop3A_184, %parallel_loop3A_188 : i32
          %parallel_loop3A_190 = arith.extui %parallel_loop3A_189 : i1 to i32
          %parallel_loop3A_191 = arith.constant 0 : i32
          %parallel_loop3A_192 = arith.cmpi slt, %parallel_loop3A_184, %parallel_loop3A_191 : i32
          %parallel_loop3A_193 = arith.extui %parallel_loop3A_192 : i1 to i32
          %parallel_loop3A_194 = arith.subi %parallel_loop3A_190, %parallel_loop3A_193 : i32
          %parallel_loop3A_195 = arith.constant 0 : i32
          %parallel_loop3A_196 = arith.cmpi sgt, %parallel_loop3A_186, %parallel_loop3A_195 : i32
          %parallel_loop3A_197 = arith.extui %parallel_loop3A_196 : i1 to i32
          %parallel_loop3A_198 = arith.constant 0 : i32
          %parallel_loop3A_199 = arith.cmpi slt, %parallel_loop3A_186, %parallel_loop3A_198 : i32
          %parallel_loop3A_200 = arith.extui %parallel_loop3A_199 : i1 to i32
          %parallel_loop3A_201 = arith.subi %parallel_loop3A_197, %parallel_loop3A_200 : i32
          %parallel_loop3A_202 = arith.cmpi ne, %parallel_loop3A_194, %parallel_loop3A_201 : i32
          %parallel_loop3A_203 = arith.remsi %parallel_loop3A_184, %parallel_loop3A_186 : i32
          %parallel_loop3A_204 = arith.constant 0 : i32
          %parallel_loop3A_205 = arith.cmpi ne, %parallel_loop3A_203, %parallel_loop3A_204 : i32
          %parallel_loop3A_206 = arith.andi %parallel_loop3A_202, %parallel_loop3A_205 : i1
          %parallel_loop3A_207 = arith.constant 1 : i32
          %parallel_loop3A_208 = arith.subi %parallel_loop3A_187, %parallel_loop3A_207 : i32
          %parallel_loop3A_209 = arith.select %parallel_loop3A_206, %parallel_loop3A_208, %parallel_loop3A_187 : i32
          %parallel_loop3A_210 = arith.constant 8 : i32
          %parallel_loop3A_211 = arith.constant 0 : i32
          %parallel_loop3A_212 = arith.cmpi eq, %parallel_loop3A_210, %parallel_loop3A_211 : i32
          %parallel_loop3A_213 = arith.constant 1 : i32
          %parallel_loop3A_214 = arith.select %parallel_loop3A_212, %parallel_loop3A_213, %parallel_loop3A_210 : i32
          %parallel_loop3A_215 = arith.remsi %parallel_loop3A_184, %parallel_loop3A_214 : i32
          %parallel_loop3A_216 = arith.constant 0 : i32
          %parallel_loop3A_217 = arith.cmpi ne, %parallel_loop3A_215, %parallel_loop3A_216 : i32
          %parallel_loop3A_218 = arith.constant 0 : i32
          %parallel_loop3A_219 = arith.cmpi slt, %parallel_loop3A_215, %parallel_loop3A_218 : i32
          %parallel_loop3A_220 = arith.constant 0 : i32
          %parallel_loop3A_221 = arith.cmpi slt, %parallel_loop3A_214, %parallel_loop3A_220 : i32
          %parallel_loop3A_222 = arith.xori %parallel_loop3A_219, %parallel_loop3A_221 : i1
          %parallel_loop3A_223 = arith.andi %parallel_loop3A_222, %parallel_loop3A_217 : i1
          %parallel_loop3A_224 = arith.addi %parallel_loop3A_215, %parallel_loop3A_214 : i32
          %parallel_loop3A_225 = arith.select %parallel_loop3A_223, %parallel_loop3A_224, %parallel_loop3A_215 : i32
          %parallel_loop3A_226 = arith.constant 16 : i32
          %parallel_loop3A_227 = arith.muli %parallel_loop3A_225, %parallel_loop3A_226 : i32
          %parallel_loop3A_228 = tpu.vector_load_idx %arg18[%iota3A, %parallel_loop3A_185] : memref<16x129xf32, #tpu.memory_space<vmem>>[vector<16xi32>, vector<16xi32>], vector<16xf32>,
          %parallel_loop3A_229 = arith.index_cast %parallel_loop3A_209 : i32 to index
          %parallel_loop3A_230 = arith.index_cast %parallel_loop3A_227 : i32 to index
          %parallel_loop3A_231 = tpu.vector_load %arg26[%parallel_loop3A_229, %parallel_loop3A_230] {strides = array<i32>} : memref<16x128xf32, #tpu.memory_space<vmem>>, vector<16xf32>,
          tpu.vector_store %arg26[%parallel_loop3A_229, %parallel_loop3A_230], %parallel_loop3A_228 {strides = array<i32>} : memref<16x128xf32, #tpu.memory_space<vmem>>, vector<16xf32>,
          %parallel_loop3A_232 = tpu.vector_load_idx %arg19[%iota3A, %parallel_loop3A_185] : memref<16x129xf32, #tpu.memory_space<vmem>>[vector<16xi32>, vector<16xi32>], vector<16xf32>,
          %parallel_loop3A_233 = arith.index_cast %parallel_loop3A_209 : i32 to index
          %parallel_loop3A_234 = arith.index_cast %parallel_loop3A_227 : i32 to index
          %parallel_loop3A_235 = tpu.vector_load %arg27[%parallel_loop3A_233, %parallel_loop3A_234] {strides = array<i32>} : memref<16x128xf32, #tpu.memory_space<vmem>>, vector<16xf32>,
          tpu.vector_store %arg27[%parallel_loop3A_233, %parallel_loop3A_234], %parallel_loop3A_232 {strides = array<i32>} : memref<16x128xf32, #tpu.memory_space<vmem>>, vector<16xf32>,
          %parallel_loop3A_236 = tpu.vector_load_idx %arg20[%iota3A, %parallel_loop3A_185] : memref<16x129xf32, #tpu.memory_space<vmem>>[vector<16xi32>, vector<16xi32>], vector<16xf32>,
          %parallel_loop3A_237 = arith.index_cast %parallel_loop3A_209 : i32 to index
          %parallel_loop3A_238 = arith.index_cast %parallel_loop3A_227 : i32 to index
          %parallel_loop3A_239 = tpu.vector_load %arg28[%parallel_loop3A_237, %parallel_loop3A_238] {strides = array<i32>} : memref<16x128xf32, #tpu.memory_space<vmem>>, vector<16xf32>,
          tpu.vector_store %arg28[%parallel_loop3A_237, %parallel_loop3A_238], %parallel_loop3A_236 {strides = array<i32>} : memref<16x128xf32, #tpu.memory_space<vmem>>, vector<16xf32>,
          %parallel_loop3A_240 = tpu.vector_load_idx %arg21[%iota3A, %parallel_loop3A_185] : memref<16x129xf32, #tpu.memory_space<vmem>>[vector<16xi32>, vector<16xi32>], vector<16xf32>,
          %parallel_loop3A_241 = arith.index_cast %parallel_loop3A_209 : i32 to index
          %parallel_loop3A_242 = arith.index_cast %parallel_loop3A_227 : i32 to index
          %parallel_loop3A_243 = tpu.vector_load %arg29[%parallel_loop3A_241, %parallel_loop3A_242] {strides = array<i32>} : memref<16x128xf32, #tpu.memory_space<vmem>>, vector<16xf32>,
          tpu.vector_store %arg29[%parallel_loop3A_241, %parallel_loop3A_242], %parallel_loop3A_240 {strides = array<i32>} : memref<16x128xf32, #tpu.memory_space<vmem>>, vector<16xf32>,
        } {sc.loop_unroll_factor = 16 : i64, sc.parallel_access}
        %add3A_159 = arith.addi %add3A_4, %while3A_64 : i32
        %mul3A_160 = arith.constant 16 : i32
        %mul3A_161 = arith.muli %add3A_159, %mul3A_160 : i32
        %dma_start3A_162 = arith.constant 0 : i32
        %dma_start3A_163 = tpu.memref_slice %arg10[%mul3A_161, %dma_start3A_162] : memref<125000x128xf32, #tpu.memory_space<hbm>> -> memref<16x128xf32, #tpu.memory_space<hbm>>
        %dma_start3A_164 = arith.constant 0 : i32
        %dma_start3A_165 = tpu.memref_slice %arg10[%mul3A_161, %dma_start3A_164] : memref<125000x128xf32, #tpu.memory_space<hbm>> -> memref<16x128xf32, #tpu.memory_space<hbm>>
        tpu.enqueue_dma source(%arg26 : memref<16x128xf32, #tpu.memory_space<vmem>>) target(%dma_start3A_165 : memref<16x128xf32, #tpu.memory_space<hbm>>) target_semaphore(%arg34 : memref<!tpu.dma_semaphore, #tpu.memory_space<semaphore_mem>>)
        %mul3A_166 = arith.constant 16 : i32
        %mul3A_167 = arith.muli %add3A_159, %mul3A_166 : i32
        %dma_start3A_168 = arith.constant 0 : i32
        %dma_start3A_169 = tpu.memref_slice %arg11[%mul3A_167, %dma_start3A_168] : memref<125000x128xf32, #tpu.memory_space<hbm>> -> memref<16x128xf32, #tpu.memory_space<hbm>>
        %dma_start3A_170 = arith.constant 0 : i32
        %dma_start3A_171 = tpu.memref_slice %arg11[%mul3A_167, %dma_start3A_170] : memref<125000x128xf32, #tpu.memory_space<hbm>> -> memref<16x128xf32, #tpu.memory_space<hbm>>
        tpu.enqueue_dma source(%arg27 : memref<16x128xf32, #tpu.memory_space<vmem>>) target(%dma_start3A_171 : memref<16x128xf32, #tpu.memory_space<hbm>>) target_semaphore(%arg34 : memref<!tpu.dma_semaphore, #tpu.memory_space<semaphore_mem>>)
        %mul3A_172 = arith.constant 16 : i32
        %mul3A_173 = arith.muli %add3A_159, %mul3A_172 : i32
        %dma_start3A_174 = arith.constant 0 : i32
        %dma_start3A_175 = tpu.memref_slice %arg12[%mul3A_173, %dma_start3A_174] : memref<125000x128xf32, #tpu.memory_space<hbm>> -> memref<16x128xf32, #tpu.memory_space<hbm>>
        %dma_start3A_176 = arith.constant 0 : i32
        %dma_start3A_177 = tpu.memref_slice %arg12[%mul3A_173, %dma_start3A_176] : memref<125000x128xf32, #tpu.memory_space<hbm>> -> memref<16x128xf32, #tpu.memory_space<hbm>>
        tpu.enqueue_dma source(%arg28 : memref<16x128xf32, #tpu.memory_space<vmem>>) target(%dma_start3A_177 : memref<16x128xf32, #tpu.memory_space<hbm>>) target_semaphore(%arg34 : memref<!tpu.dma_semaphore, #tpu.memory_space<semaphore_mem>>)
        %mul3A_178 = arith.constant 16 : i32
        %mul3A_179 = arith.muli %add3A_159, %mul3A_178 : i32
        %dma_start3A_180 = arith.constant 0 : i32
        %dma_start3A_181 = tpu.memref_slice %arg13[%mul3A_179, %dma_start3A_180] : memref<125000x128xf32, #tpu.memory_space<hbm>> -> memref<16x128xf32, #tpu.memory_space<hbm>>
        %dma_start3A_182 = arith.constant 0 : i32
        %dma_start3A_183 = tpu.memref_slice %arg13[%mul3A_179, %dma_start3A_182] : memref<125000x128xf32, #tpu.memory_space<hbm>> -> memref<16x128xf32, #tpu.memory_space<hbm>>
        tpu.enqueue_dma source(%arg29 : memref<16x128xf32, #tpu.memory_space<vmem>>) target(%dma_start3A_183 : memref<16x128xf32, #tpu.memory_space<hbm>>) target_semaphore(%arg34 : memref<!tpu.dma_semaphore, #tpu.memory_space<semaphore_mem>>)
      } else {
      }
    }
    %while3A_57 = arith.constant 1 : i32
    scf.for %while3A_64 = %while3A_55 to %while3A_51 step %while3A_57  : i32 {
      %jit3A_65 = arith.constant 2 : i32
      %eq3A_66 = arith.constant 0 : i32
      %eq3A_67 = arith.cmpi eq, %jit3A_65, %eq3A_66 : i32
      %jit3A_68 = arith.constant 1 : i32
      %select_n3A_69 = arith.select %eq3A_67, %jit3A_68, %jit3A_65 : i32
      %rem3A = arith.remsi %while3A_64, %select_n3A_69 : i32
      %ne3A = arith.constant 0 : i32
      %ne3A_70 = arith.cmpi ne, %rem3A, %ne3A : i32
      %lt3A_71 = arith.constant 0 : i32
      %lt3A_72 = arith.cmpi slt, %rem3A, %lt3A_71 : i32
      %lt3A_73 = arith.constant 0 : i32
      %lt3A_74 = arith.cmpi slt, %select_n3A_69, %lt3A_73 : i32
      %ne3A_75 = arith.xori %lt3A_72, %lt3A_74 : i1
      %and3A = arith.andi %ne3A_75, %ne3A_70 : i1
      %add3A_76 = arith.addi %rem3A, %select_n3A_69 : i32
      %select_n3A_77 = arith.select %and3A, %add3A_76, %rem3A : i32
      %eq3A_78 = arith.constant 0 : i32
      %eq3A_79 = arith.cmpi eq, %select_n3A_77, %eq3A_78 : i32
      %convert_element_type3A_80 = arith.extui %eq3A_79 : i1 to i32
      %cond3A_81 = arith.constant 0 : i32
      %cond3A_82 = arith.cmpi ne, %convert_element_type3A_80, %cond3A_81 : i32
      scf.if %cond3A_82 {
        %add3A_104 = arith.constant 1 : i32
        %add3A_105 = arith.addi %while3A_64, %add3A_104 : i32
        %lt3A_106 = arith.cmpi slt, %add3A_105, %select_n3A : i32
        %convert_element_type3A_107 = arith.extui %lt3A_106 : i1 to i32
        %cond3A_108 = arith.constant 0 : i32
        %cond3A_109 = arith.cmpi ne, %convert_element_type3A_107, %cond3A_108 : i32
        scf.if %cond3A_109 {
          %add3A_184 = arith.constant 1 : i32
          %add3A_185 = arith.addi %while3A_64, %add3A_184 : i32
          %add3A_186 = arith.addi %add3A_4, %add3A_185 : i32
          %mul3A_187 = arith.constant 128 : i32
          %mul3A_188 = arith.muli %add3A_186, %mul3A_187 : i32
          %dma_start3A_189 = arith.constant 0 : i32
          %dma_start3A_190 = arith.constant 0 : i32
          %dma_start3A_191 = tpu.memref_slice %arg18[%dma_start3A_189, %dma_start3A_190] : memref<16x129xf32, #tpu.memory_space<vmem>> -> memref<16x128xf32, #tpu.memory_space<vmem>>
          %dma_start3A_192 = arith.constant 0 : i32
          %dma_start3A_193 = tpu.memref_slice %arg2[%dma_start3A_192, %mul3A_188] : memref<16x1000000xf32, #tpu.memory_space<hbm>> -> memref<16x128xf32, #tpu.memory_space<hbm>>
          %dma_start3A_194 = arith.constant 0 : i32
          %dma_start3A_195 = arith.constant 0 : i32
          %dma_start3A_196 = tpu.memref_slice %arg18[%dma_start3A_194, %dma_start3A_195] : memref<16x129xf32, #tpu.memory_space<vmem>> -> memref<16x128xf32, #tpu.memory_space<vmem>>
          %dma_start3A_197 = arith.constant 0 : i32
          %dma_start3A_198 = tpu.memref_slice %arg2[%dma_start3A_197, %mul3A_188] : memref<16x1000000xf32, #tpu.memory_space<hbm>> -> memref<16x128xf32, #tpu.memory_space<hbm>>
          tpu.enqueue_dma source(%dma_start3A_198 : memref<16x128xf32, #tpu.memory_space<hbm>>) target(%dma_start3A_196 : memref<16x128xf32, #tpu.memory_space<vmem>>) target_semaphore(%arg32 : memref<!tpu.dma_semaphore, #tpu.memory_space<semaphore_mem>>)
          %dma_start3A_199 = arith.constant 0 : i32
          %dma_start3A_200 = arith.constant 0 : i32
          %dma_start3A_201 = tpu.memref_slice %arg19[%dma_start3A_199, %dma_start3A_200] : memref<16x129xf32, #tpu.memory_space<vmem>> -> memref<16x128xf32, #tpu.memory_space<vmem>>
          %dma_start3A_202 = arith.constant 0 : i32
          %dma_start3A_203 = tpu.memref_slice %arg3[%dma_start3A_202, %mul3A_188] : memref<16x1000000xf32, #tpu.memory_space<hbm>> -> memref<16x128xf32, #tpu.memory_space<hbm>>
          %dma_start3A_204 = arith.constant 0 : i32
          %dma_start3A_205 = arith.constant 0 : i32
          %dma_start3A_206 = tpu.memref_slice %arg19[%dma_start3A_204, %dma_start3A_205] : memref<16x129xf32, #tpu.memory_space<vmem>> -> memref<16x128xf32, #tpu.memory_space<vmem>>
          %dma_start3A_207 = arith.constant 0 : i32
          %dma_start3A_208 = tpu.memref_slice %arg3[%dma_start3A_207, %mul3A_188] : memref<16x1000000xf32, #tpu.memory_space<hbm>> -> memref<16x128xf32, #tpu.memory_space<hbm>>
          tpu.enqueue_dma source(%dma_start3A_208 : memref<16x128xf32, #tpu.memory_space<hbm>>) target(%dma_start3A_206 : memref<16x128xf32, #tpu.memory_space<vmem>>) target_semaphore(%arg32 : memref<!tpu.dma_semaphore, #tpu.memory_space<semaphore_mem>>)
          %dma_start3A_209 = arith.constant 0 : i32
          %dma_start3A_210 = arith.constant 0 : i32
          %dma_start3A_211 = tpu.memref_slice %arg20[%dma_start3A_209, %dma_start3A_210] : memref<16x129xf32, #tpu.memory_space<vmem>> -> memref<16x128xf32, #tpu.memory_space<vmem>>
          %dma_start3A_212 = arith.constant 0 : i32
          %dma_start3A_213 = tpu.memref_slice %arg4[%dma_start3A_212, %mul3A_188] : memref<16x1000000xf32, #tpu.memory_space<hbm>> -> memref<16x128xf32, #tpu.memory_space<hbm>>
          %dma_start3A_214 = arith.constant 0 : i32
          %dma_start3A_215 = arith.constant 0 : i32
          %dma_start3A_216 = tpu.memref_slice %arg20[%dma_start3A_214, %dma_start3A_215] : memref<16x129xf32, #tpu.memory_space<vmem>> -> memref<16x128xf32, #tpu.memory_space<vmem>>
          %dma_start3A_217 = arith.constant 0 : i32
          %dma_start3A_218 = tpu.memref_slice %arg4[%dma_start3A_217, %mul3A_188] : memref<16x1000000xf32, #tpu.memory_space<hbm>> -> memref<16x128xf32, #tpu.memory_space<hbm>>
          tpu.enqueue_dma source(%dma_start3A_218 : memref<16x128xf32, #tpu.memory_space<hbm>>) target(%dma_start3A_216 : memref<16x128xf32, #tpu.memory_space<vmem>>) target_semaphore(%arg32 : memref<!tpu.dma_semaphore, #tpu.memory_space<semaphore_mem>>)
          %dma_start3A_219 = arith.constant 0 : i32
          %dma_start3A_220 = arith.constant 0 : i32
          %dma_start3A_221 = tpu.memref_slice %arg21[%dma_start3A_219, %dma_start3A_220] : memref<16x129xf32, #tpu.memory_space<vmem>> -> memref<16x128xf32, #tpu.memory_space<vmem>>
          %dma_start3A_222 = arith.constant 0 : i32
          %dma_start3A_223 = tpu.memref_slice %arg5[%dma_start3A_222, %mul3A_188] : memref<16x1000000xf32, #tpu.memory_space<hbm>> -> memref<16x128xf32, #tpu.memory_space<hbm>>
          %dma_start3A_224 = arith.constant 0 : i32
          %dma_start3A_225 = arith.constant 0 : i32
          %dma_start3A_226 = tpu.memref_slice %arg21[%dma_start3A_224, %dma_start3A_225] : memref<16x129xf32, #tpu.memory_space<vmem>> -> memref<16x128xf32, #tpu.memory_space<vmem>>
          %dma_start3A_227 = arith.constant 0 : i32
          %dma_start3A_228 = tpu.memref_slice %arg5[%dma_start3A_227, %mul3A_188] : memref<16x1000000xf32, #tpu.memory_space<hbm>> -> memref<16x128xf32, #tpu.memory_space<hbm>>
          tpu.enqueue_dma source(%dma_start3A_228 : memref<16x128xf32, #tpu.memory_space<hbm>>) target(%dma_start3A_226 : memref<16x128xf32, #tpu.memory_space<vmem>>) target_semaphore(%arg32 : memref<!tpu.dma_semaphore, #tpu.memory_space<semaphore_mem>>)
        } else {
        }
        %add3A_110 = arith.addi %add3A_4, %while3A_64 : i32
        %mul3A_111 = arith.constant 128 : i32
        %mul3A_112 = arith.muli %add3A_110, %mul3A_111 : i32
        %dma_wait3A = arith.constant 0 : i32
        %dma_wait3A_113 = arith.constant 0 : i32
        %dma_wait3A_114 = tpu.memref_slice %arg14[%dma_wait3A, %dma_wait3A_113] : memref<16x129xf32, #tpu.memory_space<vmem>> -> memref<16x128xf32, #tpu.memory_space<vmem>>
        %dma_wait3A_115 = arith.constant 0 : i32
        %dma_wait3A_116 = tpu.memref_slice %arg2[%dma_wait3A_115, %mul3A_112] : memref<16x1000000xf32, #tpu.memory_space<hbm>> -> memref<16x128xf32, #tpu.memory_space<hbm>>
        %dma_wait3A_117 = arith.constant 0 : i32
        %dma_wait3A_118 = arith.constant 0 : i32
        %dma_wait3A_119 = tpu.memref_slice %arg14[%dma_wait3A_117, %dma_wait3A_118] : memref<16x129xf32, #tpu.memory_space<vmem>> -> memref<16x128xf32, #tpu.memory_space<vmem>>
        %dma_wait3A_120 = arith.constant 0 : i32
        %dma_wait3A_121 = tpu.memref_slice %arg2[%dma_wait3A_120, %mul3A_112] : memref<16x1000000xf32, #tpu.memory_space<hbm>> -> memref<16x128xf32, #tpu.memory_space<hbm>>
        tpu.wait_dma2 semaphore(%arg31 : memref<!tpu.dma_semaphore, #tpu.memory_space<semaphore_mem>>) src(%dma_wait3A_121 : memref<16x128xf32, #tpu.memory_space<hbm>>) dst(%dma_wait3A_119 : memref<16x128xf32, #tpu.memory_space<vmem>>)
        %dma_wait3A_122 = arith.constant 0 : i32
        %dma_wait3A_123 = arith.constant 0 : i32
        %dma_wait3A_124 = tpu.memref_slice %arg15[%dma_wait3A_122, %dma_wait3A_123] : memref<16x129xf32, #tpu.memory_space<vmem>> -> memref<16x128xf32, #tpu.memory_space<vmem>>
        %dma_wait3A_125 = arith.constant 0 : i32
        %dma_wait3A_126 = tpu.memref_slice %arg3[%dma_wait3A_125, %mul3A_112] : memref<16x1000000xf32, #tpu.memory_space<hbm>> -> memref<16x128xf32, #tpu.memory_space<hbm>>
        %dma_wait3A_127 = arith.constant 0 : i32
        %dma_wait3A_128 = arith.constant 0 : i32
        %dma_wait3A_129 = tpu.memref_slice %arg15[%dma_wait3A_127, %dma_wait3A_128] : memref<16x129xf32, #tpu.memory_space<vmem>> -> memref<16x128xf32, #tpu.memory_space<vmem>>
        %dma_wait3A_130 = arith.constant 0 : i32
        %dma_wait3A_131 = tpu.memref_slice %arg3[%dma_wait3A_130, %mul3A_112] : memref<16x1000000xf32, #tpu.memory_space<hbm>> -> memref<16x128xf32, #tpu.memory_space<hbm>>
        tpu.wait_dma2 semaphore(%arg31 : memref<!tpu.dma_semaphore, #tpu.memory_space<semaphore_mem>>) src(%dma_wait3A_131 : memref<16x128xf32, #tpu.memory_space<hbm>>) dst(%dma_wait3A_129 : memref<16x128xf32, #tpu.memory_space<vmem>>)
        %dma_wait3A_132 = arith.constant 0 : i32
        %dma_wait3A_133 = arith.constant 0 : i32
        %dma_wait3A_134 = tpu.memref_slice %arg16[%dma_wait3A_132, %dma_wait3A_133] : memref<16x129xf32, #tpu.memory_space<vmem>> -> memref<16x128xf32, #tpu.memory_space<vmem>>
        %dma_wait3A_135 = arith.constant 0 : i32
        %dma_wait3A_136 = tpu.memref_slice %arg4[%dma_wait3A_135, %mul3A_112] : memref<16x1000000xf32, #tpu.memory_space<hbm>> -> memref<16x128xf32, #tpu.memory_space<hbm>>
        %dma_wait3A_137 = arith.constant 0 : i32
        %dma_wait3A_138 = arith.constant 0 : i32
        %dma_wait3A_139 = tpu.memref_slice %arg16[%dma_wait3A_137, %dma_wait3A_138] : memref<16x129xf32, #tpu.memory_space<vmem>> -> memref<16x128xf32, #tpu.memory_space<vmem>>
        %dma_wait3A_140 = arith.constant 0 : i32
        %dma_wait3A_141 = tpu.memref_slice %arg4[%dma_wait3A_140, %mul3A_112] : memref<16x1000000xf32, #tpu.memory_space<hbm>> -> memref<16x128xf32, #tpu.memory_space<hbm>>
        tpu.wait_dma2 semaphore(%arg31 : memref<!tpu.dma_semaphore, #tpu.memory_space<semaphore_mem>>) src(%dma_wait3A_141 : memref<16x128xf32, #tpu.memory_space<hbm>>) dst(%dma_wait3A_139 : memref<16x128xf32, #tpu.memory_space<vmem>>)
        %dma_wait3A_142 = arith.constant 0 : i32
        %dma_wait3A_143 = arith.constant 0 : i32
        %dma_wait3A_144 = tpu.memref_slice %arg17[%dma_wait3A_142, %dma_wait3A_143] : memref<16x129xf32, #tpu.memory_space<vmem>> -> memref<16x128xf32, #tpu.memory_space<vmem>>
        %dma_wait3A_145 = arith.constant 0 : i32
        %dma_wait3A_146 = tpu.memref_slice %arg5[%dma_wait3A_145, %mul3A_112] : memref<16x1000000xf32, #tpu.memory_space<hbm>> -> memref<16x128xf32, #tpu.memory_space<hbm>>
        %dma_wait3A_147 = arith.constant 0 : i32
        %dma_wait3A_148 = arith.constant 0 : i32
        %dma_wait3A_149 = tpu.memref_slice %arg17[%dma_wait3A_147, %dma_wait3A_148] : memref<16x129xf32, #tpu.memory_space<vmem>> -> memref<16x128xf32, #tpu.memory_space<vmem>>
        %dma_wait3A_150 = arith.constant 0 : i32
        %dma_wait3A_151 = tpu.memref_slice %arg5[%dma_wait3A_150, %mul3A_112] : memref<16x1000000xf32, #tpu.memory_space<hbm>> -> memref<16x128xf32, #tpu.memory_space<hbm>>
        tpu.wait_dma2 semaphore(%arg31 : memref<!tpu.dma_semaphore, #tpu.memory_space<semaphore_mem>>) src(%dma_wait3A_151 : memref<16x128xf32, #tpu.memory_space<hbm>>) dst(%dma_wait3A_149 : memref<16x128xf32, #tpu.memory_space<vmem>>)
        %ge3A_152 = arith.constant 2 : i32
        %ge3A_153 = arith.cmpi sge, %while3A_64, %ge3A_152 : i32
        %convert_element_type3A_154 = arith.extui %ge3A_153 : i1 to i32
        %cond3A_155 = arith.constant 0 : i32
        %cond3A_156 = arith.cmpi ne, %convert_element_type3A_154, %cond3A_155 : i32
        scf.if %cond3A_156 {
          %sub3A = arith.constant 2 : i32
          %sub3A_184 = arith.subi %while3A_64, %sub3A : i32
          %add3A_185 = arith.addi %add3A_4, %sub3A_184 : i32
          %mul3A_186 = arith.constant 16 : i32
          %mul3A_187 = arith.muli %add3A_185, %mul3A_186 : i32
          %dma_wait3A_188 = arith.constant 0 : i32
          %dma_wait3A_189 = tpu.memref_slice %arg10[%mul3A_187, %dma_wait3A_188] : memref<125000x128xf32, #tpu.memory_space<hbm>> -> memref<16x128xf32, #tpu.memory_space<hbm>>
          %dma_wait3A_190 = arith.constant 0 : i32
          %dma_wait3A_191 = tpu.memref_slice %arg10[%mul3A_187, %dma_wait3A_190] : memref<125000x128xf32, #tpu.memory_space<hbm>> -> memref<16x128xf32, #tpu.memory_space<hbm>>
          tpu.wait_dma2 semaphore(%arg33 : memref<!tpu.dma_semaphore, #tpu.memory_space<semaphore_mem>>) src(%arg22 : memref<16x128xf32, #tpu.memory_space<vmem>>) dst(%dma_wait3A_191 : memref<16x128xf32, #tpu.memory_space<hbm>>)
          %mul3A_192 = arith.constant 16 : i32
          %mul3A_193 = arith.muli %add3A_185, %mul3A_192 : i32
          %dma_wait3A_194 = arith.constant 0 : i32
          %dma_wait3A_195 = tpu.memref_slice %arg11[%mul3A_193, %dma_wait3A_194] : memref<125000x128xf32, #tpu.memory_space<hbm>> -> memref<16x128xf32, #tpu.memory_space<hbm>>
          %dma_wait3A_196 = arith.constant 0 : i32
          %dma_wait3A_197 = tpu.memref_slice %arg11[%mul3A_193, %dma_wait3A_196] : memref<125000x128xf32, #tpu.memory_space<hbm>> -> memref<16x128xf32, #tpu.memory_space<hbm>>
          tpu.wait_dma2 semaphore(%arg33 : memref<!tpu.dma_semaphore, #tpu.memory_space<semaphore_mem>>) src(%arg23 : memref<16x128xf32, #tpu.memory_space<vmem>>) dst(%dma_wait3A_197 : memref<16x128xf32, #tpu.memory_space<hbm>>)
          %mul3A_198 = arith.constant 16 : i32
          %mul3A_199 = arith.muli %add3A_185, %mul3A_198 : i32
          %dma_wait3A_200 = arith.constant 0 : i32
          %dma_wait3A_201 = tpu.memref_slice %arg12[%mul3A_199, %dma_wait3A_200] : memref<125000x128xf32, #tpu.memory_space<hbm>> -> memref<16x128xf32, #tpu.memory_space<hbm>>
          %dma_wait3A_202 = arith.constant 0 : i32
          %dma_wait3A_203 = tpu.memref_slice %arg12[%mul3A_199, %dma_wait3A_202] : memref<125000x128xf32, #tpu.memory_space<hbm>> -> memref<16x128xf32, #tpu.memory_space<hbm>>
          tpu.wait_dma2 semaphore(%arg33 : memref<!tpu.dma_semaphore, #tpu.memory_space<semaphore_mem>>) src(%arg24 : memref<16x128xf32, #tpu.memory_space<vmem>>) dst(%dma_wait3A_203 : memref<16x128xf32, #tpu.memory_space<hbm>>)
          %mul3A_204 = arith.constant 16 : i32
          %mul3A_205 = arith.muli %add3A_185, %mul3A_204 : i32
          %dma_wait3A_206 = arith.constant 0 : i32
          %dma_wait3A_207 = tpu.memref_slice %arg13[%mul3A_205, %dma_wait3A_206] : memref<125000x128xf32, #tpu.memory_space<hbm>> -> memref<16x128xf32, #tpu.memory_space<hbm>>
          %dma_wait3A_208 = arith.constant 0 : i32
          %dma_wait3A_209 = tpu.memref_slice %arg13[%mul3A_205, %dma_wait3A_208] : memref<125000x128xf32, #tpu.memory_space<hbm>> -> memref<16x128xf32, #tpu.memory_space<hbm>>
          tpu.wait_dma2 semaphore(%arg33 : memref<!tpu.dma_semaphore, #tpu.memory_space<semaphore_mem>>) src(%arg25 : memref<16x128xf32, #tpu.memory_space<vmem>>) dst(%dma_wait3A_209 : memref<16x128xf32, #tpu.memory_space<hbm>>)
        } else {
        }
        %parallel_loop3A = arith.constant 0 : i32
        %parallel_loop3A_157 = arith.constant 128 : i32
        %parallel_loop3A_158 = arith.constant 1 : i32
        scf.for %parallel_loop3A_184 = %parallel_loop3A to %parallel_loop3A_157 step %parallel_loop3A_158  : i32 {
          %parallel_loop3A_185 = vector.broadcast %parallel_loop3A_184 : i32 to vector<16xi32>
          %parallel_loop3A_186 = arith.constant 8 : i32
          %parallel_loop3A_187 = arith.divsi %parallel_loop3A_184, %parallel_loop3A_186 : i32
          %parallel_loop3A_188 = arith.constant 0 : i32
          %parallel_loop3A_189 = arith.cmpi sgt, %parallel_loop3A_184, %parallel_loop3A_188 : i32
          %parallel_loop3A_190 = arith.extui %parallel_loop3A_189 : i1 to i32
          %parallel_loop3A_191 = arith.constant 0 : i32
          %parallel_loop3A_192 = arith.cmpi slt, %parallel_loop3A_184, %parallel_loop3A_191 : i32
          %parallel_loop3A_193 = arith.extui %parallel_loop3A_192 : i1 to i32
          %parallel_loop3A_194 = arith.subi %parallel_loop3A_190, %parallel_loop3A_193 : i32
          %parallel_loop3A_195 = arith.constant 0 : i32
          %parallel_loop3A_196 = arith.cmpi sgt, %parallel_loop3A_186, %parallel_loop3A_195 : i32
          %parallel_loop3A_197 = arith.extui %parallel_loop3A_196 : i1 to i32
          %parallel_loop3A_198 = arith.constant 0 : i32
          %parallel_loop3A_199 = arith.cmpi slt, %parallel_loop3A_186, %parallel_loop3A_198 : i32
          %parallel_loop3A_200 = arith.extui %parallel_loop3A_199 : i1 to i32
          %parallel_loop3A_201 = arith.subi %parallel_loop3A_197, %parallel_loop3A_200 : i32
          %parallel_loop3A_202 = arith.cmpi ne, %parallel_loop3A_194, %parallel_loop3A_201 : i32
          %parallel_loop3A_203 = arith.remsi %parallel_loop3A_184, %parallel_loop3A_186 : i32
          %parallel_loop3A_204 = arith.constant 0 : i32
          %parallel_loop3A_205 = arith.cmpi ne, %parallel_loop3A_203, %parallel_loop3A_204 : i32
          %parallel_loop3A_206 = arith.andi %parallel_loop3A_202, %parallel_loop3A_205 : i1
          %parallel_loop3A_207 = arith.constant 1 : i32
          %parallel_loop3A_208 = arith.subi %parallel_loop3A_187, %parallel_loop3A_207 : i32
          %parallel_loop3A_209 = arith.select %parallel_loop3A_206, %parallel_loop3A_208, %parallel_loop3A_187 : i32
          %parallel_loop3A_210 = arith.constant 8 : i32
          %parallel_loop3A_211 = arith.constant 0 : i32
          %parallel_loop3A_212 = arith.cmpi eq, %parallel_loop3A_210, %parallel_loop3A_211 : i32
          %parallel_loop3A_213 = arith.constant 1 : i32
          %parallel_loop3A_214 = arith.select %parallel_loop3A_212, %parallel_loop3A_213, %parallel_loop3A_210 : i32
          %parallel_loop3A_215 = arith.remsi %parallel_loop3A_184, %parallel_loop3A_214 : i32
          %parallel_loop3A_216 = arith.constant 0 : i32
          %parallel_loop3A_217 = arith.cmpi ne, %parallel_loop3A_215, %parallel_loop3A_216 : i32
          %parallel_loop3A_218 = arith.constant 0 : i32
          %parallel_loop3A_219 = arith.cmpi slt, %parallel_loop3A_215, %parallel_loop3A_218 : i32
          %parallel_loop3A_220 = arith.constant 0 : i32
          %parallel_loop3A_221 = arith.cmpi slt, %parallel_loop3A_214, %parallel_loop3A_220 : i32
          %parallel_loop3A_222 = arith.xori %parallel_loop3A_219, %parallel_loop3A_221 : i1
          %parallel_loop3A_223 = arith.andi %parallel_loop3A_222, %parallel_loop3A_217 : i1
          %parallel_loop3A_224 = arith.addi %parallel_loop3A_215, %parallel_loop3A_214 : i32
          %parallel_loop3A_225 = arith.select %parallel_loop3A_223, %parallel_loop3A_224, %parallel_loop3A_215 : i32
          %parallel_loop3A_226 = arith.constant 16 : i32
          %parallel_loop3A_227 = arith.muli %parallel_loop3A_225, %parallel_loop3A_226 : i32
          %parallel_loop3A_228 = tpu.vector_load_idx %arg14[%iota3A, %parallel_loop3A_185] : memref<16x129xf32, #tpu.memory_space<vmem>>[vector<16xi32>, vector<16xi32>], vector<16xf32>,
          %parallel_loop3A_229 = arith.index_cast %parallel_loop3A_209 : i32 to index
          %parallel_loop3A_230 = arith.index_cast %parallel_loop3A_227 : i32 to index
          %parallel_loop3A_231 = tpu.vector_load %arg22[%parallel_loop3A_229, %parallel_loop3A_230] {strides = array<i32>} : memref<16x128xf32, #tpu.memory_space<vmem>>, vector<16xf32>,
          tpu.vector_store %arg22[%parallel_loop3A_229, %parallel_loop3A_230], %parallel_loop3A_228 {strides = array<i32>} : memref<16x128xf32, #tpu.memory_space<vmem>>, vector<16xf32>,
          %parallel_loop3A_232 = tpu.vector_load_idx %arg15[%iota3A, %parallel_loop3A_185] : memref<16x129xf32, #tpu.memory_space<vmem>>[vector<16xi32>, vector<16xi32>], vector<16xf32>,
          %parallel_loop3A_233 = arith.index_cast %parallel_loop3A_209 : i32 to index
          %parallel_loop3A_234 = arith.index_cast %parallel_loop3A_227 : i32 to index
          %parallel_loop3A_235 = tpu.vector_load %arg23[%parallel_loop3A_233, %parallel_loop3A_234] {strides = array<i32>} : memref<16x128xf32, #tpu.memory_space<vmem>>, vector<16xf32>,
          tpu.vector_store %arg23[%parallel_loop3A_233, %parallel_loop3A_234], %parallel_loop3A_232 {strides = array<i32>} : memref<16x128xf32, #tpu.memory_space<vmem>>, vector<16xf32>,
          %parallel_loop3A_236 = tpu.vector_load_idx %arg16[%iota3A, %parallel_loop3A_185] : memref<16x129xf32, #tpu.memory_space<vmem>>[vector<16xi32>, vector<16xi32>], vector<16xf32>,
          %parallel_loop3A_237 = arith.index_cast %parallel_loop3A_209 : i32 to index
          %parallel_loop3A_238 = arith.index_cast %parallel_loop3A_227 : i32 to index
          %parallel_loop3A_239 = tpu.vector_load %arg24[%parallel_loop3A_237, %parallel_loop3A_238] {strides = array<i32>} : memref<16x128xf32, #tpu.memory_space<vmem>>, vector<16xf32>,
          tpu.vector_store %arg24[%parallel_loop3A_237, %parallel_loop3A_238], %parallel_loop3A_236 {strides = array<i32>} : memref<16x128xf32, #tpu.memory_space<vmem>>, vector<16xf32>,
          %parallel_loop3A_240 = tpu.vector_load_idx %arg17[%iota3A, %parallel_loop3A_185] : memref<16x129xf32, #tpu.memory_space<vmem>>[vector<16xi32>, vector<16xi32>], vector<16xf32>,
          %parallel_loop3A_241 = arith.index_cast %parallel_loop3A_209 : i32 to index
          %parallel_loop3A_242 = arith.index_cast %parallel_loop3A_227 : i32 to index
          %parallel_loop3A_243 = tpu.vector_load %arg25[%parallel_loop3A_241, %parallel_loop3A_242] {strides = array<i32>} : memref<16x128xf32, #tpu.memory_space<vmem>>, vector<16xf32>,
          tpu.vector_store %arg25[%parallel_loop3A_241, %parallel_loop3A_242], %parallel_loop3A_240 {strides = array<i32>} : memref<16x128xf32, #tpu.memory_space<vmem>>, vector<16xf32>,
        } {sc.loop_unroll_factor = 16 : i64, sc.parallel_access}
        %add3A_159 = arith.addi %add3A_4, %while3A_64 : i32
        %mul3A_160 = arith.constant 16 : i32
        %mul3A_161 = arith.muli %add3A_159, %mul3A_160 : i32
        %dma_start3A_162 = arith.constant 0 : i32
        %dma_start3A_163 = tpu.memref_slice %arg10[%mul3A_161, %dma_start3A_162] : memref<125000x128xf32, #tpu.memory_space<hbm>> -> memref<16x128xf32, #tpu.memory_space<hbm>>
        %dma_start3A_164 = arith.constant 0 : i32
        %dma_start3A_165 = tpu.memref_slice %arg10[%mul3A_161, %dma_start3A_164] : memref<125000x128xf32, #tpu.memory_space<hbm>> -> memref<16x128xf32, #tpu.memory_space<hbm>>
        tpu.enqueue_dma source(%arg22 : memref<16x128xf32, #tpu.memory_space<vmem>>) target(%dma_start3A_165 : memref<16x128xf32, #tpu.memory_space<hbm>>) target_semaphore(%arg33 : memref<!tpu.dma_semaphore, #tpu.memory_space<semaphore_mem>>)
        %mul3A_166 = arith.constant 16 : i32
        %mul3A_167 = arith.muli %add3A_159, %mul3A_166 : i32
        %dma_start3A_168 = arith.constant 0 : i32
        %dma_start3A_169 = tpu.memref_slice %arg11[%mul3A_167, %dma_start3A_168] : memref<125000x128xf32, #tpu.memory_space<hbm>> -> memref<16x128xf32, #tpu.memory_space<hbm>>
        %dma_start3A_170 = arith.constant 0 : i32
        %dma_start3A_171 = tpu.memref_slice %arg11[%mul3A_167, %dma_start3A_170] : memref<125000x128xf32, #tpu.memory_space<hbm>> -> memref<16x128xf32, #tpu.memory_space<hbm>>
        tpu.enqueue_dma source(%arg23 : memref<16x128xf32, #tpu.memory_space<vmem>>) target(%dma_start3A_171 : memref<16x128xf32, #tpu.memory_space<hbm>>) target_semaphore(%arg33 : memref<!tpu.dma_semaphore, #tpu.memory_space<semaphore_mem>>)
        %mul3A_172 = arith.constant 16 : i32
        %mul3A_173 = arith.muli %add3A_159, %mul3A_172 : i32
        %dma_start3A_174 = arith.constant 0 : i32
        %dma_start3A_175 = tpu.memref_slice %arg12[%mul3A_173, %dma_start3A_174] : memref<125000x128xf32, #tpu.memory_space<hbm>> -> memref<16x128xf32, #tpu.memory_space<hbm>>
        %dma_start3A_176 = arith.constant 0 : i32
        %dma_start3A_177 = tpu.memref_slice %arg12[%mul3A_173, %dma_start3A_176] : memref<125000x128xf32, #tpu.memory_space<hbm>> -> memref<16x128xf32, #tpu.memory_space<hbm>>
        tpu.enqueue_dma source(%arg24 : memref<16x128xf32, #tpu.memory_space<vmem>>) target(%dma_start3A_177 : memref<16x128xf32, #tpu.memory_space<hbm>>) target_semaphore(%arg33 : memref<!tpu.dma_semaphore, #tpu.memory_space<semaphore_mem>>)
        %mul3A_178 = arith.constant 16 : i32
        %mul3A_179 = arith.muli %add3A_159, %mul3A_178 : i32
        %dma_start3A_180 = arith.constant 0 : i32
        %dma_start3A_181 = tpu.memref_slice %arg13[%mul3A_179, %dma_start3A_180] : memref<125000x128xf32, #tpu.memory_space<hbm>> -> memref<16x128xf32, #tpu.memory_space<hbm>>
        %dma_start3A_182 = arith.constant 0 : i32
        %dma_start3A_183 = tpu.memref_slice %arg13[%mul3A_179, %dma_start3A_182] : memref<125000x128xf32, #tpu.memory_space<hbm>> -> memref<16x128xf32, #tpu.memory_space<hbm>>
        tpu.enqueue_dma source(%arg25 : memref<16x128xf32, #tpu.memory_space<vmem>>) target(%dma_start3A_183 : memref<16x128xf32, #tpu.memory_space<hbm>>) target_semaphore(%arg33 : memref<!tpu.dma_semaphore, #tpu.memory_space<semaphore_mem>>)
      } else {
      }
      %jit3A_83 = arith.constant 2 : i32
      %eq3A_84 = arith.constant 0 : i32
      %eq3A_85 = arith.cmpi eq, %jit3A_83, %eq3A_84 : i32
      %jit3A_86 = arith.constant 1 : i32
      %select_n3A_87 = arith.select %eq3A_85, %jit3A_86, %jit3A_83 : i32
      %rem3A_88 = arith.remsi %while3A_64, %select_n3A_87 : i32
      %ne3A_89 = arith.constant 0 : i32
      %ne3A_90 = arith.cmpi ne, %rem3A_88, %ne3A_89 : i32
      %lt3A_91 = arith.constant 0 : i32
      %lt3A_92 = arith.cmpi slt, %rem3A_88, %lt3A_91 : i32
      %lt3A_93 = arith.constant 0 : i32
      %lt3A_94 = arith.cmpi slt, %select_n3A_87, %lt3A_93 : i32
      %ne3A_95 = arith.xori %lt3A_92, %lt3A_94 : i1
      %and3A_96 = arith.andi %ne3A_95, %ne3A_90 : i1
      %add3A_97 = arith.addi %rem3A_88, %select_n3A_87 : i32
      %select_n3A_98 = arith.select %and3A_96, %add3A_97, %rem3A_88 : i32
      %eq3A_99 = arith.constant 1 : i32
      %eq3A_100 = arith.cmpi eq, %select_n3A_98, %eq3A_99 : i32
      %convert_element_type3A_101 = arith.extui %eq3A_100 : i1 to i32
      %cond3A_102 = arith.constant 0 : i32
      %cond3A_103 = arith.cmpi ne, %convert_element_type3A_101, %cond3A_102 : i32
      scf.if %cond3A_103 {
        %add3A_104 = arith.constant 1 : i32
        %add3A_105 = arith.addi %while3A_64, %add3A_104 : i32
        %lt3A_106 = arith.cmpi slt, %add3A_105, %select_n3A : i32
        %convert_element_type3A_107 = arith.extui %lt3A_106 : i1 to i32
        %cond3A_108 = arith.constant 0 : i32
        %cond3A_109 = arith.cmpi ne, %convert_element_type3A_107, %cond3A_108 : i32
        scf.if %cond3A_109 {
          %add3A_184 = arith.constant 1 : i32
          %add3A_185 = arith.addi %while3A_64, %add3A_184 : i32
          %add3A_186 = arith.addi %add3A_4, %add3A_185 : i32
          %mul3A_187 = arith.constant 128 : i32
          %mul3A_188 = arith.muli %add3A_186, %mul3A_187 : i32
          %dma_start3A_189 = arith.constant 0 : i32
          %dma_start3A_190 = arith.constant 0 : i32
          %dma_start3A_191 = tpu.memref_slice %arg14[%dma_start3A_189, %dma_start3A_190] : memref<16x129xf32, #tpu.memory_space<vmem>> -> memref<16x128xf32, #tpu.memory_space<vmem>>
          %dma_start3A_192 = arith.constant 0 : i32
          %dma_start3A_193 = tpu.memref_slice %arg2[%dma_start3A_192, %mul3A_188] : memref<16x1000000xf32, #tpu.memory_space<hbm>> -> memref<16x128xf32, #tpu.memory_space<hbm>>
          %dma_start3A_194 = arith.constant 0 : i32
          %dma_start3A_195 = arith.constant 0 : i32
          %dma_start3A_196 = tpu.memref_slice %arg14[%dma_start3A_194, %dma_start3A_195] : memref<16x129xf32, #tpu.memory_space<vmem>> -> memref<16x128xf32, #tpu.memory_space<vmem>>
          %dma_start3A_197 = arith.constant 0 : i32
          %dma_start3A_198 = tpu.memref_slice %arg2[%dma_start3A_197, %mul3A_188] : memref<16x1000000xf32, #tpu.memory_space<hbm>> -> memref<16x128xf32, #tpu.memory_space<hbm>>
          tpu.enqueue_dma source(%dma_start3A_198 : memref<16x128xf32, #tpu.memory_space<hbm>>) target(%dma_start3A_196 : memref<16x128xf32, #tpu.memory_space<vmem>>) target_semaphore(%arg31 : memref<!tpu.dma_semaphore, #tpu.memory_space<semaphore_mem>>)
          %dma_start3A_199 = arith.constant 0 : i32
          %dma_start3A_200 = arith.constant 0 : i32
          %dma_start3A_201 = tpu.memref_slice %arg15[%dma_start3A_199, %dma_start3A_200] : memref<16x129xf32, #tpu.memory_space<vmem>> -> memref<16x128xf32, #tpu.memory_space<vmem>>
          %dma_start3A_202 = arith.constant 0 : i32
          %dma_start3A_203 = tpu.memref_slice %arg3[%dma_start3A_202, %mul3A_188] : memref<16x1000000xf32, #tpu.memory_space<hbm>> -> memref<16x128xf32, #tpu.memory_space<hbm>>
          %dma_start3A_204 = arith.constant 0 : i32
          %dma_start3A_205 = arith.constant 0 : i32
          %dma_start3A_206 = tpu.memref_slice %arg15[%dma_start3A_204, %dma_start3A_205] : memref<16x129xf32, #tpu.memory_space<vmem>> -> memref<16x128xf32, #tpu.memory_space<vmem>>
          %dma_start3A_207 = arith.constant 0 : i32
          %dma_start3A_208 = tpu.memref_slice %arg3[%dma_start3A_207, %mul3A_188] : memref<16x1000000xf32, #tpu.memory_space<hbm>> -> memref<16x128xf32, #tpu.memory_space<hbm>>
          tpu.enqueue_dma source(%dma_start3A_208 : memref<16x128xf32, #tpu.memory_space<hbm>>) target(%dma_start3A_206 : memref<16x128xf32, #tpu.memory_space<vmem>>) target_semaphore(%arg31 : memref<!tpu.dma_semaphore, #tpu.memory_space<semaphore_mem>>)
          %dma_start3A_209 = arith.constant 0 : i32
          %dma_start3A_210 = arith.constant 0 : i32
          %dma_start3A_211 = tpu.memref_slice %arg16[%dma_start3A_209, %dma_start3A_210] : memref<16x129xf32, #tpu.memory_space<vmem>> -> memref<16x128xf32, #tpu.memory_space<vmem>>
          %dma_start3A_212 = arith.constant 0 : i32
          %dma_start3A_213 = tpu.memref_slice %arg4[%dma_start3A_212, %mul3A_188] : memref<16x1000000xf32, #tpu.memory_space<hbm>> -> memref<16x128xf32, #tpu.memory_space<hbm>>
          %dma_start3A_214 = arith.constant 0 : i32
          %dma_start3A_215 = arith.constant 0 : i32
          %dma_start3A_216 = tpu.memref_slice %arg16[%dma_start3A_214, %dma_start3A_215] : memref<16x129xf32, #tpu.memory_space<vmem>> -> memref<16x128xf32, #tpu.memory_space<vmem>>
          %dma_start3A_217 = arith.constant 0 : i32
          %dma_start3A_218 = tpu.memref_slice %arg4[%dma_start3A_217, %mul3A_188] : memref<16x1000000xf32, #tpu.memory_space<hbm>> -> memref<16x128xf32, #tpu.memory_space<hbm>>
          tpu.enqueue_dma source(%dma_start3A_218 : memref<16x128xf32, #tpu.memory_space<hbm>>) target(%dma_start3A_216 : memref<16x128xf32, #tpu.memory_space<vmem>>) target_semaphore(%arg31 : memref<!tpu.dma_semaphore, #tpu.memory_space<semaphore_mem>>)
          %dma_start3A_219 = arith.constant 0 : i32
          %dma_start3A_220 = arith.constant 0 : i32
          %dma_start3A_221 = tpu.memref_slice %arg17[%dma_start3A_219, %dma_start3A_220] : memref<16x129xf32, #tpu.memory_space<vmem>> -> memref<16x128xf32, #tpu.memory_space<vmem>>
          %dma_start3A_222 = arith.constant 0 : i32
          %dma_start3A_223 = tpu.memref_slice %arg5[%dma_start3A_222, %mul3A_188] : memref<16x1000000xf32, #tpu.memory_space<hbm>> -> memref<16x128xf32, #tpu.memory_space<hbm>>
          %dma_start3A_224 = arith.constant 0 : i32
          %dma_start3A_225 = arith.constant 0 : i32
          %dma_start3A_226 = tpu.memref_slice %arg17[%dma_start3A_224, %dma_start3A_225] : memref<16x129xf32, #tpu.memory_space<vmem>> -> memref<16x128xf32, #tpu.memory_space<vmem>>
          %dma_start3A_227 = arith.constant 0 : i32
          %dma_start3A_228 = tpu.memref_slice %arg5[%dma_start3A_227, %mul3A_188] : memref<16x1000000xf32, #tpu.memory_space<hbm>> -> memref<16x128xf32, #tpu.memory_space<hbm>>
          tpu.enqueue_dma source(%dma_start3A_228 : memref<16x128xf32, #tpu.memory_space<hbm>>) target(%dma_start3A_226 : memref<16x128xf32, #tpu.memory_space<vmem>>) target_semaphore(%arg31 : memref<!tpu.dma_semaphore, #tpu.memory_space<semaphore_mem>>)
        } else {
        }
        %add3A_110 = arith.addi %add3A_4, %while3A_64 : i32
        %mul3A_111 = arith.constant 128 : i32
        %mul3A_112 = arith.muli %add3A_110, %mul3A_111 : i32
        %dma_wait3A = arith.constant 0 : i32
        %dma_wait3A_113 = arith.constant 0 : i32
        %dma_wait3A_114 = tpu.memref_slice %arg18[%dma_wait3A, %dma_wait3A_113] : memref<16x129xf32, #tpu.memory_space<vmem>> -> memref<16x128xf32, #tpu.memory_space<vmem>>
        %dma_wait3A_115 = arith.constant 0 : i32
        %dma_wait3A_116 = tpu.memref_slice %arg2[%dma_wait3A_115, %mul3A_112] : memref<16x1000000xf32, #tpu.memory_space<hbm>> -> memref<16x128xf32, #tpu.memory_space<hbm>>
        %dma_wait3A_117 = arith.constant 0 : i32
        %dma_wait3A_118 = arith.constant 0 : i32
        %dma_wait3A_119 = tpu.memref_slice %arg18[%dma_wait3A_117, %dma_wait3A_118] : memref<16x129xf32, #tpu.memory_space<vmem>> -> memref<16x128xf32, #tpu.memory_space<vmem>>
        %dma_wait3A_120 = arith.constant 0 : i32
        %dma_wait3A_121 = tpu.memref_slice %arg2[%dma_wait3A_120, %mul3A_112] : memref<16x1000000xf32, #tpu.memory_space<hbm>> -> memref<16x128xf32, #tpu.memory_space<hbm>>
        tpu.wait_dma2 semaphore(%arg32 : memref<!tpu.dma_semaphore, #tpu.memory_space<semaphore_mem>>) src(%dma_wait3A_121 : memref<16x128xf32, #tpu.memory_space<hbm>>) dst(%dma_wait3A_119 : memref<16x128xf32, #tpu.memory_space<vmem>>)
        %dma_wait3A_122 = arith.constant 0 : i32
        %dma_wait3A_123 = arith.constant 0 : i32
        %dma_wait3A_124 = tpu.memref_slice %arg19[%dma_wait3A_122, %dma_wait3A_123] : memref<16x129xf32, #tpu.memory_space<vmem>> -> memref<16x128xf32, #tpu.memory_space<vmem>>
        %dma_wait3A_125 = arith.constant 0 : i32
        %dma_wait3A_126 = tpu.memref_slice %arg3[%dma_wait3A_125, %mul3A_112] : memref<16x1000000xf32, #tpu.memory_space<hbm>> -> memref<16x128xf32, #tpu.memory_space<hbm>>
        %dma_wait3A_127 = arith.constant 0 : i32
        %dma_wait3A_128 = arith.constant 0 : i32
        %dma_wait3A_129 = tpu.memref_slice %arg19[%dma_wait3A_127, %dma_wait3A_128] : memref<16x129xf32, #tpu.memory_space<vmem>> -> memref<16x128xf32, #tpu.memory_space<vmem>>
        %dma_wait3A_130 = arith.constant 0 : i32
        %dma_wait3A_131 = tpu.memref_slice %arg3[%dma_wait3A_130, %mul3A_112] : memref<16x1000000xf32, #tpu.memory_space<hbm>> -> memref<16x128xf32, #tpu.memory_space<hbm>>
        tpu.wait_dma2 semaphore(%arg32 : memref<!tpu.dma_semaphore, #tpu.memory_space<semaphore_mem>>) src(%dma_wait3A_131 : memref<16x128xf32, #tpu.memory_space<hbm>>) dst(%dma_wait3A_129 : memref<16x128xf32, #tpu.memory_space<vmem>>)
        %dma_wait3A_132 = arith.constant 0 : i32
        %dma_wait3A_133 = arith.constant 0 : i32
        %dma_wait3A_134 = tpu.memref_slice %arg20[%dma_wait3A_132, %dma_wait3A_133] : memref<16x129xf32, #tpu.memory_space<vmem>> -> memref<16x128xf32, #tpu.memory_space<vmem>>
        %dma_wait3A_135 = arith.constant 0 : i32
        %dma_wait3A_136 = tpu.memref_slice %arg4[%dma_wait3A_135, %mul3A_112] : memref<16x1000000xf32, #tpu.memory_space<hbm>> -> memref<16x128xf32, #tpu.memory_space<hbm>>
        %dma_wait3A_137 = arith.constant 0 : i32
        %dma_wait3A_138 = arith.constant 0 : i32
        %dma_wait3A_139 = tpu.memref_slice %arg20[%dma_wait3A_137, %dma_wait3A_138] : memref<16x129xf32, #tpu.memory_space<vmem>> -> memref<16x128xf32, #tpu.memory_space<vmem>>
        %dma_wait3A_140 = arith.constant 0 : i32
        %dma_wait3A_141 = tpu.memref_slice %arg4[%dma_wait3A_140, %mul3A_112] : memref<16x1000000xf32, #tpu.memory_space<hbm>> -> memref<16x128xf32, #tpu.memory_space<hbm>>
        tpu.wait_dma2 semaphore(%arg32 : memref<!tpu.dma_semaphore, #tpu.memory_space<semaphore_mem>>) src(%dma_wait3A_141 : memref<16x128xf32, #tpu.memory_space<hbm>>) dst(%dma_wait3A_139 : memref<16x128xf32, #tpu.memory_space<vmem>>)
        %dma_wait3A_142 = arith.constant 0 : i32
        %dma_wait3A_143 = arith.constant 0 : i32
        %dma_wait3A_144 = tpu.memref_slice %arg21[%dma_wait3A_142, %dma_wait3A_143] : memref<16x129xf32, #tpu.memory_space<vmem>> -> memref<16x128xf32, #tpu.memory_space<vmem>>
        %dma_wait3A_145 = arith.constant 0 : i32
        %dma_wait3A_146 = tpu.memref_slice %arg5[%dma_wait3A_145, %mul3A_112] : memref<16x1000000xf32, #tpu.memory_space<hbm>> -> memref<16x128xf32, #tpu.memory_space<hbm>>
        %dma_wait3A_147 = arith.constant 0 : i32
        %dma_wait3A_148 = arith.constant 0 : i32
        %dma_wait3A_149 = tpu.memref_slice %arg21[%dma_wait3A_147, %dma_wait3A_148] : memref<16x129xf32, #tpu.memory_space<vmem>> -> memref<16x128xf32, #tpu.memory_space<vmem>>
        %dma_wait3A_150 = arith.constant 0 : i32
        %dma_wait3A_151 = tpu.memref_slice %arg5[%dma_wait3A_150, %mul3A_112] : memref<16x1000000xf32, #tpu.memory_space<hbm>> -> memref<16x128xf32, #tpu.memory_space<hbm>>
        tpu.wait_dma2 semaphore(%arg32 : memref<!tpu.dma_semaphore, #tpu.memory_space<semaphore_mem>>) src(%dma_wait3A_151 : memref<16x128xf32, #tpu.memory_space<hbm>>) dst(%dma_wait3A_149 : memref<16x128xf32, #tpu.memory_space<vmem>>)
        %ge3A_152 = arith.constant 2 : i32
        %ge3A_153 = arith.cmpi sge, %while3A_64, %ge3A_152 : i32
        %convert_element_type3A_154 = arith.extui %ge3A_153 : i1 to i32
        %cond3A_155 = arith.constant 0 : i32
        %cond3A_156 = arith.cmpi ne, %convert_element_type3A_154, %cond3A_155 : i32
        scf.if %cond3A_156 {
          %sub3A = arith.constant 2 : i32
          %sub3A_184 = arith.subi %while3A_64, %sub3A : i32
          %add3A_185 = arith.addi %add3A_4, %sub3A_184 : i32
          %mul3A_186 = arith.constant 16 : i32
          %mul3A_187 = arith.muli %add3A_185, %mul3A_186 : i32
          %dma_wait3A_188 = arith.constant 0 : i32
          %dma_wait3A_189 = tpu.memref_slice %arg10[%mul3A_187, %dma_wait3A_188] : memref<125000x128xf32, #tpu.memory_space<hbm>> -> memref<16x128xf32, #tpu.memory_space<hbm>>
          %dma_wait3A_190 = arith.constant 0 : i32
          %dma_wait3A_191 = tpu.memref_slice %arg10[%mul3A_187, %dma_wait3A_190] : memref<125000x128xf32, #tpu.memory_space<hbm>> -> memref<16x128xf32, #tpu.memory_space<hbm>>
          tpu.wait_dma2 semaphore(%arg34 : memref<!tpu.dma_semaphore, #tpu.memory_space<semaphore_mem>>) src(%arg26 : memref<16x128xf32, #tpu.memory_space<vmem>>) dst(%dma_wait3A_191 : memref<16x128xf32, #tpu.memory_space<hbm>>)
          %mul3A_192 = arith.constant 16 : i32
          %mul3A_193 = arith.muli %add3A_185, %mul3A_192 : i32
          %dma_wait3A_194 = arith.constant 0 : i32
          %dma_wait3A_195 = tpu.memref_slice %arg11[%mul3A_193, %dma_wait3A_194] : memref<125000x128xf32, #tpu.memory_space<hbm>> -> memref<16x128xf32, #tpu.memory_space<hbm>>
          %dma_wait3A_196 = arith.constant 0 : i32
          %dma_wait3A_197 = tpu.memref_slice %arg11[%mul3A_193, %dma_wait3A_196] : memref<125000x128xf32, #tpu.memory_space<hbm>> -> memref<16x128xf32, #tpu.memory_space<hbm>>
          tpu.wait_dma2 semaphore(%arg34 : memref<!tpu.dma_semaphore, #tpu.memory_space<semaphore_mem>>) src(%arg27 : memref<16x128xf32, #tpu.memory_space<vmem>>) dst(%dma_wait3A_197 : memref<16x128xf32, #tpu.memory_space<hbm>>)
          %mul3A_198 = arith.constant 16 : i32
          %mul3A_199 = arith.muli %add3A_185, %mul3A_198 : i32
          %dma_wait3A_200 = arith.constant 0 : i32
          %dma_wait3A_201 = tpu.memref_slice %arg12[%mul3A_199, %dma_wait3A_200] : memref<125000x128xf32, #tpu.memory_space<hbm>> -> memref<16x128xf32, #tpu.memory_space<hbm>>
          %dma_wait3A_202 = arith.constant 0 : i32
          %dma_wait3A_203 = tpu.memref_slice %arg12[%mul3A_199, %dma_wait3A_202] : memref<125000x128xf32, #tpu.memory_space<hbm>> -> memref<16x128xf32, #tpu.memory_space<hbm>>
          tpu.wait_dma2 semaphore(%arg34 : memref<!tpu.dma_semaphore, #tpu.memory_space<semaphore_mem>>) src(%arg28 : memref<16x128xf32, #tpu.memory_space<vmem>>) dst(%dma_wait3A_203 : memref<16x128xf32, #tpu.memory_space<hbm>>)
          %mul3A_204 = arith.constant 16 : i32
          %mul3A_205 = arith.muli %add3A_185, %mul3A_204 : i32
          %dma_wait3A_206 = arith.constant 0 : i32
          %dma_wait3A_207 = tpu.memref_slice %arg13[%mul3A_205, %dma_wait3A_206] : memref<125000x128xf32, #tpu.memory_space<hbm>> -> memref<16x128xf32, #tpu.memory_space<hbm>>
          %dma_wait3A_208 = arith.constant 0 : i32
          %dma_wait3A_209 = tpu.memref_slice %arg13[%mul3A_205, %dma_wait3A_208] : memref<125000x128xf32, #tpu.memory_space<hbm>> -> memref<16x128xf32, #tpu.memory_space<hbm>>
          tpu.wait_dma2 semaphore(%arg34 : memref<!tpu.dma_semaphore, #tpu.memory_space<semaphore_mem>>) src(%arg29 : memref<16x128xf32, #tpu.memory_space<vmem>>) dst(%dma_wait3A_209 : memref<16x128xf32, #tpu.memory_space<hbm>>)
        } else {
        }
        %parallel_loop3A = arith.constant 0 : i32
        %parallel_loop3A_157 = arith.constant 128 : i32
        %parallel_loop3A_158 = arith.constant 1 : i32
        scf.for %parallel_loop3A_184 = %parallel_loop3A to %parallel_loop3A_157 step %parallel_loop3A_158  : i32 {
          %parallel_loop3A_185 = vector.broadcast %parallel_loop3A_184 : i32 to vector<16xi32>
          %parallel_loop3A_186 = arith.constant 8 : i32
          %parallel_loop3A_187 = arith.divsi %parallel_loop3A_184, %parallel_loop3A_186 : i32
          %parallel_loop3A_188 = arith.constant 0 : i32
          %parallel_loop3A_189 = arith.cmpi sgt, %parallel_loop3A_184, %parallel_loop3A_188 : i32
          %parallel_loop3A_190 = arith.extui %parallel_loop3A_189 : i1 to i32
          %parallel_loop3A_191 = arith.constant 0 : i32
          %parallel_loop3A_192 = arith.cmpi slt, %parallel_loop3A_184, %parallel_loop3A_191 : i32
          %parallel_loop3A_193 = arith.extui %parallel_loop3A_192 : i1 to i32
          %parallel_loop3A_194 = arith.subi %parallel_loop3A_190, %parallel_loop3A_193 : i32
          %parallel_loop3A_195 = arith.constant 0 : i32
          %parallel_loop3A_196 = arith.cmpi sgt, %parallel_loop3A_186, %parallel_loop3A_195 : i32
          %parallel_loop3A_197 = arith.extui %parallel_loop3A_196 : i1 to i32
          %parallel_loop3A_198 = arith.constant 0 : i32
          %parallel_loop3A_199 = arith.cmpi slt, %parallel_loop3A_186, %parallel_loop3A_198 : i32
          %parallel_loop3A_200 = arith.extui %parallel_loop3A_199 : i1 to i32
          %parallel_loop3A_201 = arith.subi %parallel_loop3A_197, %parallel_loop3A_200 : i32
          %parallel_loop3A_202 = arith.cmpi ne, %parallel_loop3A_194, %parallel_loop3A_201 : i32
          %parallel_loop3A_203 = arith.remsi %parallel_loop3A_184, %parallel_loop3A_186 : i32
          %parallel_loop3A_204 = arith.constant 0 : i32
          %parallel_loop3A_205 = arith.cmpi ne, %parallel_loop3A_203, %parallel_loop3A_204 : i32
          %parallel_loop3A_206 = arith.andi %parallel_loop3A_202, %parallel_loop3A_205 : i1
          %parallel_loop3A_207 = arith.constant 1 : i32
          %parallel_loop3A_208 = arith.subi %parallel_loop3A_187, %parallel_loop3A_207 : i32
          %parallel_loop3A_209 = arith.select %parallel_loop3A_206, %parallel_loop3A_208, %parallel_loop3A_187 : i32
          %parallel_loop3A_210 = arith.constant 8 : i32
          %parallel_loop3A_211 = arith.constant 0 : i32
          %parallel_loop3A_212 = arith.cmpi eq, %parallel_loop3A_210, %parallel_loop3A_211 : i32
          %parallel_loop3A_213 = arith.constant 1 : i32
          %parallel_loop3A_214 = arith.select %parallel_loop3A_212, %parallel_loop3A_213, %parallel_loop3A_210 : i32
          %parallel_loop3A_215 = arith.remsi %parallel_loop3A_184, %parallel_loop3A_214 : i32
          %parallel_loop3A_216 = arith.constant 0 : i32
          %parallel_loop3A_217 = arith.cmpi ne, %parallel_loop3A_215, %parallel_loop3A_216 : i32
          %parallel_loop3A_218 = arith.constant 0 : i32
          %parallel_loop3A_219 = arith.cmpi slt, %parallel_loop3A_215, %parallel_loop3A_218 : i32
          %parallel_loop3A_220 = arith.constant 0 : i32
          %parallel_loop3A_221 = arith.cmpi slt, %parallel_loop3A_214, %parallel_loop3A_220 : i32
          %parallel_loop3A_222 = arith.xori %parallel_loop3A_219, %parallel_loop3A_221 : i1
          %parallel_loop3A_223 = arith.andi %parallel_loop3A_222, %parallel_loop3A_217 : i1
          %parallel_loop3A_224 = arith.addi %parallel_loop3A_215, %parallel_loop3A_214 : i32
          %parallel_loop3A_225 = arith.select %parallel_loop3A_223, %parallel_loop3A_224, %parallel_loop3A_215 : i32
          %parallel_loop3A_226 = arith.constant 16 : i32
          %parallel_loop3A_227 = arith.muli %parallel_loop3A_225, %parallel_loop3A_226 : i32
          %parallel_loop3A_228 = tpu.vector_load_idx %arg18[%iota3A, %parallel_loop3A_185] : memref<16x129xf32, #tpu.memory_space<vmem>>[vector<16xi32>, vector<16xi32>], vector<16xf32>,
          %parallel_loop3A_229 = arith.index_cast %parallel_loop3A_209 : i32 to index
          %parallel_loop3A_230 = arith.index_cast %parallel_loop3A_227 : i32 to index
          %parallel_loop3A_231 = tpu.vector_load %arg26[%parallel_loop3A_229, %parallel_loop3A_230] {strides = array<i32>} : memref<16x128xf32, #tpu.memory_space<vmem>>, vector<16xf32>,
          tpu.vector_store %arg26[%parallel_loop3A_229, %parallel_loop3A_230], %parallel_loop3A_228 {strides = array<i32>} : memref<16x128xf32, #tpu.memory_space<vmem>>, vector<16xf32>,
          %parallel_loop3A_232 = tpu.vector_load_idx %arg19[%iota3A, %parallel_loop3A_185] : memref<16x129xf32, #tpu.memory_space<vmem>>[vector<16xi32>, vector<16xi32>], vector<16xf32>,
          %parallel_loop3A_233 = arith.index_cast %parallel_loop3A_209 : i32 to index
          %parallel_loop3A_234 = arith.index_cast %parallel_loop3A_227 : i32 to index
          %parallel_loop3A_235 = tpu.vector_load %arg27[%parallel_loop3A_233, %parallel_loop3A_234] {strides = array<i32>} : memref<16x128xf32, #tpu.memory_space<vmem>>, vector<16xf32>,
          tpu.vector_store %arg27[%parallel_loop3A_233, %parallel_loop3A_234], %parallel_loop3A_232 {strides = array<i32>} : memref<16x128xf32, #tpu.memory_space<vmem>>, vector<16xf32>,
          %parallel_loop3A_236 = tpu.vector_load_idx %arg20[%iota3A, %parallel_loop3A_185] : memref<16x129xf32, #tpu.memory_space<vmem>>[vector<16xi32>, vector<16xi32>], vector<16xf32>,
          %parallel_loop3A_237 = arith.index_cast %parallel_loop3A_209 : i32 to index
          %parallel_loop3A_238 = arith.index_cast %parallel_loop3A_227 : i32 to index
          %parallel_loop3A_239 = tpu.vector_load %arg28[%parallel_loop3A_237, %parallel_loop3A_238] {strides = array<i32>} : memref<16x128xf32, #tpu.memory_space<vmem>>, vector<16xf32>,
          tpu.vector_store %arg28[%parallel_loop3A_237, %parallel_loop3A_238], %parallel_loop3A_236 {strides = array<i32>} : memref<16x128xf32, #tpu.memory_space<vmem>>, vector<16xf32>,
          %parallel_loop3A_240 = tpu.vector_load_idx %arg21[%iota3A, %parallel_loop3A_185] : memref<16x129xf32, #tpu.memory_space<vmem>>[vector<16xi32>, vector<16xi32>], vector<16xf32>,
          %parallel_loop3A_241 = arith.index_cast %parallel_loop3A_209 : i32 to index
          %parallel_loop3A_242 = arith.index_cast %parallel_loop3A_227 : i32 to index
          %parallel_loop3A_243 = tpu.vector_load %arg29[%parallel_loop3A_241, %parallel_loop3A_242] {strides = array<i32>} : memref<16x128xf32, #tpu.memory_space<vmem>>, vector<16xf32>,
          tpu.vector_store %arg29[%parallel_loop3A_241, %parallel_loop3A_242], %parallel_loop3A_240 {strides = array<i32>} : memref<16x128xf32, #tpu.memory_space<vmem>>, vector<16xf32>,
        } {sc.loop_unroll_factor = 16 : i64, sc.parallel_access}
        %add3A_159 = arith.addi %add3A_4, %while3A_64 : i32
        %mul3A_160 = arith.constant 16 : i32
        %mul3A_161 = arith.muli %add3A_159, %mul3A_160 : i32
        %dma_start3A_162 = arith.constant 0 : i32
        %dma_start3A_163 = tpu.memref_slice %arg10[%mul3A_161, %dma_start3A_162] : memref<125000x128xf32, #tpu.memory_space<hbm>> -> memref<16x128xf32, #tpu.memory_space<hbm>>
        %dma_start3A_164 = arith.constant 0 : i32
        %dma_start3A_165 = tpu.memref_slice %arg10[%mul3A_161, %dma_start3A_164] : memref<125000x128xf32, #tpu.memory_space<hbm>> -> memref<16x128xf32, #tpu.memory_space<hbm>>
        tpu.enqueue_dma source(%arg26 : memref<16x128xf32, #tpu.memory_space<vmem>>) target(%dma_start3A_165 : memref<16x128xf32, #tpu.memory_space<hbm>>) target_semaphore(%arg34 : memref<!tpu.dma_semaphore, #tpu.memory_space<semaphore_mem>>)
        %mul3A_166 = arith.constant 16 : i32
        %mul3A_167 = arith.muli %add3A_159, %mul3A_166 : i32
        %dma_start3A_168 = arith.constant 0 : i32
        %dma_start3A_169 = tpu.memref_slice %arg11[%mul3A_167, %dma_start3A_168] : memref<125000x128xf32, #tpu.memory_space<hbm>> -> memref<16x128xf32, #tpu.memory_space<hbm>>
        %dma_start3A_170 = arith.constant 0 : i32
        %dma_start3A_171 = tpu.memref_slice %arg11[%mul3A_167, %dma_start3A_170] : memref<125000x128xf32, #tpu.memory_space<hbm>> -> memref<16x128xf32, #tpu.memory_space<hbm>>
        tpu.enqueue_dma source(%arg27 : memref<16x128xf32, #tpu.memory_space<vmem>>) target(%dma_start3A_171 : memref<16x128xf32, #tpu.memory_space<hbm>>) target_semaphore(%arg34 : memref<!tpu.dma_semaphore, #tpu.memory_space<semaphore_mem>>)
        %mul3A_172 = arith.constant 16 : i32
        %mul3A_173 = arith.muli %add3A_159, %mul3A_172 : i32
        %dma_start3A_174 = arith.constant 0 : i32
        %dma_start3A_175 = tpu.memref_slice %arg12[%mul3A_173, %dma_start3A_174] : memref<125000x128xf32, #tpu.memory_space<hbm>> -> memref<16x128xf32, #tpu.memory_space<hbm>>
        %dma_start3A_176 = arith.constant 0 : i32
        %dma_start3A_177 = tpu.memref_slice %arg12[%mul3A_173, %dma_start3A_176] : memref<125000x128xf32, #tpu.memory_space<hbm>> -> memref<16x128xf32, #tpu.memory_space<hbm>>
        tpu.enqueue_dma source(%arg28 : memref<16x128xf32, #tpu.memory_space<vmem>>) target(%dma_start3A_177 : memref<16x128xf32, #tpu.memory_space<hbm>>) target_semaphore(%arg34 : memref<!tpu.dma_semaphore, #tpu.memory_space<semaphore_mem>>)
        %mul3A_178 = arith.constant 16 : i32
        %mul3A_179 = arith.muli %add3A_159, %mul3A_178 : i32
        %dma_start3A_180 = arith.constant 0 : i32
        %dma_start3A_181 = tpu.memref_slice %arg13[%mul3A_179, %dma_start3A_180] : memref<125000x128xf32, #tpu.memory_space<hbm>> -> memref<16x128xf32, #tpu.memory_space<hbm>>
        %dma_start3A_182 = arith.constant 0 : i32
        %dma_start3A_183 = tpu.memref_slice %arg13[%mul3A_179, %dma_start3A_182] : memref<125000x128xf32, #tpu.memory_space<hbm>> -> memref<16x128xf32, #tpu.memory_space<hbm>>
        tpu.enqueue_dma source(%arg29 : memref<16x128xf32, #tpu.memory_space<vmem>>) target(%dma_start3A_183 : memref<16x128xf32, #tpu.memory_space<hbm>>) target_semaphore(%arg34 : memref<!tpu.dma_semaphore, #tpu.memory_space<semaphore_mem>>)
      } else {
      }
    }
    %ge3A = arith.constant 2 : i32
    %ge3A_58 = arith.cmpi sge, %select_n3A, %ge3A : i32
    %convert_element_type3A = arith.extui %ge3A_58 : i1 to i32
    %cond3A = arith.constant 0 : i32
    %cond3A_59 = arith.cmpi ne, %convert_element_type3A, %cond3A : i32
    scf.if %cond3A_59 {
      %jit3A_64 = arith.constant 2 : i32
      %eq3A_65 = arith.constant 0 : i32
      %eq3A_66 = arith.cmpi eq, %jit3A_64, %eq3A_65 : i32
      %jit3A_67 = arith.constant 1 : i32
      %select_n3A_68 = arith.select %eq3A_66, %jit3A_67, %jit3A_64 : i32
      %rem3A = arith.remsi %select_n3A, %select_n3A_68 : i32
      %ne3A = arith.constant 0 : i32
      %ne3A_69 = arith.cmpi ne, %rem3A, %ne3A : i32
      %lt3A_70 = arith.constant 0 : i32
      %lt3A_71 = arith.cmpi slt, %rem3A, %lt3A_70 : i32
      %lt3A_72 = arith.constant 0 : i32
      %lt3A_73 = arith.cmpi slt, %select_n3A_68, %lt3A_72 : i32
      %ne3A_74 = arith.xori %lt3A_71, %lt3A_73 : i1
      %and3A = arith.andi %ne3A_74, %ne3A_69 : i1
      %add3A_75 = arith.addi %rem3A, %select_n3A_68 : i32
      %select_n3A_76 = arith.select %and3A, %add3A_75, %rem3A : i32
      %eq3A_77 = arith.constant 0 : i32
      %eq3A_78 = arith.cmpi eq, %select_n3A_76, %eq3A_77 : i32
      %convert_element_type3A_79 = arith.extui %eq3A_78 : i1 to i32
      %cond3A_80 = arith.constant 0 : i32
      %cond3A_81 = arith.cmpi ne, %convert_element_type3A_79, %cond3A_80 : i32
      scf.if %cond3A_81 {
        %sub3A = arith.constant 2 : i32
        %sub3A_103 = arith.subi %select_n3A, %sub3A : i32
        %add3A_104 = arith.addi %add3A_4, %sub3A_103 : i32
        %mul3A_105 = arith.constant 16 : i32
        %mul3A_106 = arith.muli %add3A_104, %mul3A_105 : i32
        %dma_wait3A = arith.constant 0 : i32
        %dma_wait3A_107 = tpu.memref_slice %arg10[%mul3A_106, %dma_wait3A] : memref<125000x128xf32, #tpu.memory_space<hbm>> -> memref<16x128xf32, #tpu.memory_space<hbm>>
        %dma_wait3A_108 = arith.constant 0 : i32
        %dma_wait3A_109 = tpu.memref_slice %arg10[%mul3A_106, %dma_wait3A_108] : memref<125000x128xf32, #tpu.memory_space<hbm>> -> memref<16x128xf32, #tpu.memory_space<hbm>>
        tpu.wait_dma2 semaphore(%arg33 : memref<!tpu.dma_semaphore, #tpu.memory_space<semaphore_mem>>) src(%arg22 : memref<16x128xf32, #tpu.memory_space<vmem>>) dst(%dma_wait3A_109 : memref<16x128xf32, #tpu.memory_space<hbm>>)
        %mul3A_110 = arith.constant 16 : i32
        %mul3A_111 = arith.muli %add3A_104, %mul3A_110 : i32
        %dma_wait3A_112 = arith.constant 0 : i32
        %dma_wait3A_113 = tpu.memref_slice %arg11[%mul3A_111, %dma_wait3A_112] : memref<125000x128xf32, #tpu.memory_space<hbm>> -> memref<16x128xf32, #tpu.memory_space<hbm>>
        %dma_wait3A_114 = arith.constant 0 : i32
        %dma_wait3A_115 = tpu.memref_slice %arg11[%mul3A_111, %dma_wait3A_114] : memref<125000x128xf32, #tpu.memory_space<hbm>> -> memref<16x128xf32, #tpu.memory_space<hbm>>
        tpu.wait_dma2 semaphore(%arg33 : memref<!tpu.dma_semaphore, #tpu.memory_space<semaphore_mem>>) src(%arg23 : memref<16x128xf32, #tpu.memory_space<vmem>>) dst(%dma_wait3A_115 : memref<16x128xf32, #tpu.memory_space<hbm>>)
        %mul3A_116 = arith.constant 16 : i32
        %mul3A_117 = arith.muli %add3A_104, %mul3A_116 : i32
        %dma_wait3A_118 = arith.constant 0 : i32
        %dma_wait3A_119 = tpu.memref_slice %arg12[%mul3A_117, %dma_wait3A_118] : memref<125000x128xf32, #tpu.memory_space<hbm>> -> memref<16x128xf32, #tpu.memory_space<hbm>>
        %dma_wait3A_120 = arith.constant 0 : i32
        %dma_wait3A_121 = tpu.memref_slice %arg12[%mul3A_117, %dma_wait3A_120] : memref<125000x128xf32, #tpu.memory_space<hbm>> -> memref<16x128xf32, #tpu.memory_space<hbm>>
        tpu.wait_dma2 semaphore(%arg33 : memref<!tpu.dma_semaphore, #tpu.memory_space<semaphore_mem>>) src(%arg24 : memref<16x128xf32, #tpu.memory_space<vmem>>) dst(%dma_wait3A_121 : memref<16x128xf32, #tpu.memory_space<hbm>>)
        %mul3A_122 = arith.constant 16 : i32
        %mul3A_123 = arith.muli %add3A_104, %mul3A_122 : i32
        %dma_wait3A_124 = arith.constant 0 : i32
        %dma_wait3A_125 = tpu.memref_slice %arg13[%mul3A_123, %dma_wait3A_124] : memref<125000x128xf32, #tpu.memory_space<hbm>> -> memref<16x128xf32, #tpu.memory_space<hbm>>
        %dma_wait3A_126 = arith.constant 0 : i32
        %dma_wait3A_127 = tpu.memref_slice %arg13[%mul3A_123, %dma_wait3A_126] : memref<125000x128xf32, #tpu.memory_space<hbm>> -> memref<16x128xf32, #tpu.memory_space<hbm>>
        tpu.wait_dma2 semaphore(%arg33 : memref<!tpu.dma_semaphore, #tpu.memory_space<semaphore_mem>>) src(%arg25 : memref<16x128xf32, #tpu.memory_space<vmem>>) dst(%dma_wait3A_127 : memref<16x128xf32, #tpu.memory_space<hbm>>)
        %sub3A_128 = arith.constant 1 : i32
        %sub3A_129 = arith.subi %select_n3A, %sub3A_128 : i32
        %add3A_130 = arith.addi %add3A_4, %sub3A_129 : i32
        %mul3A_131 = arith.constant 16 : i32
        %mul3A_132 = arith.muli %add3A_130, %mul3A_131 : i32
        %dma_wait3A_133 = arith.constant 0 : i32
        %dma_wait3A_134 = tpu.memref_slice %arg10[%mul3A_132, %dma_wait3A_133] : memref<125000x128xf32, #tpu.memory_space<hbm>> -> memref<16x128xf32, #tpu.memory_space<hbm>>
        %dma_wait3A_135 = arith.constant 0 : i32
        %dma_wait3A_136 = tpu.memref_slice %arg10[%mul3A_132, %dma_wait3A_135] : memref<125000x128xf32, #tpu.memory_space<hbm>> -> memref<16x128xf32, #tpu.memory_space<hbm>>
        tpu.wait_dma2 semaphore(%arg34 : memref<!tpu.dma_semaphore, #tpu.memory_space<semaphore_mem>>) src(%arg26 : memref<16x128xf32, #tpu.memory_space<vmem>>) dst(%dma_wait3A_136 : memref<16x128xf32, #tpu.memory_space<hbm>>)
        %mul3A_137 = arith.constant 16 : i32
        %mul3A_138 = arith.muli %add3A_130, %mul3A_137 : i32
        %dma_wait3A_139 = arith.constant 0 : i32
        %dma_wait3A_140 = tpu.memref_slice %arg11[%mul3A_138, %dma_wait3A_139] : memref<125000x128xf32, #tpu.memory_space<hbm>> -> memref<16x128xf32, #tpu.memory_space<hbm>>
        %dma_wait3A_141 = arith.constant 0 : i32
        %dma_wait3A_142 = tpu.memref_slice %arg11[%mul3A_138, %dma_wait3A_141] : memref<125000x128xf32, #tpu.memory_space<hbm>> -> memref<16x128xf32, #tpu.memory_space<hbm>>
        tpu.wait_dma2 semaphore(%arg34 : memref<!tpu.dma_semaphore, #tpu.memory_space<semaphore_mem>>) src(%arg27 : memref<16x128xf32, #tpu.memory_space<vmem>>) dst(%dma_wait3A_142 : memref<16x128xf32, #tpu.memory_space<hbm>>)
        %mul3A_143 = arith.constant 16 : i32
        %mul3A_144 = arith.muli %add3A_130, %mul3A_143 : i32
        %dma_wait3A_145 = arith.constant 0 : i32
        %dma_wait3A_146 = tpu.memref_slice %arg12[%mul3A_144, %dma_wait3A_145] : memref<125000x128xf32, #tpu.memory_space<hbm>> -> memref<16x128xf32, #tpu.memory_space<hbm>>
        %dma_wait3A_147 = arith.constant 0 : i32
        %dma_wait3A_148 = tpu.memref_slice %arg12[%mul3A_144, %dma_wait3A_147] : memref<125000x128xf32, #tpu.memory_space<hbm>> -> memref<16x128xf32, #tpu.memory_space<hbm>>
        tpu.wait_dma2 semaphore(%arg34 : memref<!tpu.dma_semaphore, #tpu.memory_space<semaphore_mem>>) src(%arg28 : memref<16x128xf32, #tpu.memory_space<vmem>>) dst(%dma_wait3A_148 : memref<16x128xf32, #tpu.memory_space<hbm>>)
        %mul3A_149 = arith.constant 16 : i32
        %mul3A_150 = arith.muli %add3A_130, %mul3A_149 : i32
        %dma_wait3A_151 = arith.constant 0 : i32
        %dma_wait3A_152 = tpu.memref_slice %arg13[%mul3A_150, %dma_wait3A_151] : memref<125000x128xf32, #tpu.memory_space<hbm>> -> memref<16x128xf32, #tpu.memory_space<hbm>>
        %dma_wait3A_153 = arith.constant 0 : i32
        %dma_wait3A_154 = tpu.memref_slice %arg13[%mul3A_150, %dma_wait3A_153] : memref<125000x128xf32, #tpu.memory_space<hbm>> -> memref<16x128xf32, #tpu.memory_space<hbm>>
        tpu.wait_dma2 semaphore(%arg34 : memref<!tpu.dma_semaphore, #tpu.memory_space<semaphore_mem>>) src(%arg29 : memref<16x128xf32, #tpu.memory_space<vmem>>) dst(%dma_wait3A_154 : memref<16x128xf32, #tpu.memory_space<hbm>>)
      } else {
      }
      %jit3A_82 = arith.constant 2 : i32
      %eq3A_83 = arith.constant 0 : i32
      %eq3A_84 = arith.cmpi eq, %jit3A_82, %eq3A_83 : i32
      %jit3A_85 = arith.constant 1 : i32
      %select_n3A_86 = arith.select %eq3A_84, %jit3A_85, %jit3A_82 : i32
      %rem3A_87 = arith.remsi %select_n3A, %select_n3A_86 : i32
      %ne3A_88 = arith.constant 0 : i32
      %ne3A_89 = arith.cmpi ne, %rem3A_87, %ne3A_88 : i32
      %lt3A_90 = arith.constant 0 : i32
      %lt3A_91 = arith.cmpi slt, %rem3A_87, %lt3A_90 : i32
      %lt3A_92 = arith.constant 0 : i32
      %lt3A_93 = arith.cmpi slt, %select_n3A_86, %lt3A_92 : i32
      %ne3A_94 = arith.xori %lt3A_91, %lt3A_93 : i1
      %and3A_95 = arith.andi %ne3A_94, %ne3A_89 : i1
      %add3A_96 = arith.addi %rem3A_87, %select_n3A_86 : i32
      %select_n3A_97 = arith.select %and3A_95, %add3A_96, %rem3A_87 : i32
      %eq3A_98 = arith.constant 1 : i32
      %eq3A_99 = arith.cmpi eq, %select_n3A_97, %eq3A_98 : i32
      %convert_element_type3A_100 = arith.extui %eq3A_99 : i1 to i32
      %cond3A_101 = arith.constant 0 : i32
      %cond3A_102 = arith.cmpi ne, %convert_element_type3A_100, %cond3A_101 : i32
      scf.if %cond3A_102 {
        %sub3A = arith.constant 2 : i32
        %sub3A_103 = arith.subi %select_n3A, %sub3A : i32
        %add3A_104 = arith.addi %add3A_4, %sub3A_103 : i32
        %mul3A_105 = arith.constant 16 : i32
        %mul3A_106 = arith.muli %add3A_104, %mul3A_105 : i32
        %dma_wait3A = arith.constant 0 : i32
        %dma_wait3A_107 = tpu.memref_slice %arg10[%mul3A_106, %dma_wait3A] : memref<125000x128xf32, #tpu.memory_space<hbm>> -> memref<16x128xf32, #tpu.memory_space<hbm>>
        %dma_wait3A_108 = arith.constant 0 : i32
        %dma_wait3A_109 = tpu.memref_slice %arg10[%mul3A_106, %dma_wait3A_108] : memref<125000x128xf32, #tpu.memory_space<hbm>> -> memref<16x128xf32, #tpu.memory_space<hbm>>
        tpu.wait_dma2 semaphore(%arg34 : memref<!tpu.dma_semaphore, #tpu.memory_space<semaphore_mem>>) src(%arg26 : memref<16x128xf32, #tpu.memory_space<vmem>>) dst(%dma_wait3A_109 : memref<16x128xf32, #tpu.memory_space<hbm>>)
        %mul3A_110 = arith.constant 16 : i32
        %mul3A_111 = arith.muli %add3A_104, %mul3A_110 : i32
        %dma_wait3A_112 = arith.constant 0 : i32
        %dma_wait3A_113 = tpu.memref_slice %arg11[%mul3A_111, %dma_wait3A_112] : memref<125000x128xf32, #tpu.memory_space<hbm>> -> memref<16x128xf32, #tpu.memory_space<hbm>>
        %dma_wait3A_114 = arith.constant 0 : i32
        %dma_wait3A_115 = tpu.memref_slice %arg11[%mul3A_111, %dma_wait3A_114] : memref<125000x128xf32, #tpu.memory_space<hbm>> -> memref<16x128xf32, #tpu.memory_space<hbm>>
        tpu.wait_dma2 semaphore(%arg34 : memref<!tpu.dma_semaphore, #tpu.memory_space<semaphore_mem>>) src(%arg27 : memref<16x128xf32, #tpu.memory_space<vmem>>) dst(%dma_wait3A_115 : memref<16x128xf32, #tpu.memory_space<hbm>>)
        %mul3A_116 = arith.constant 16 : i32
        %mul3A_117 = arith.muli %add3A_104, %mul3A_116 : i32
        %dma_wait3A_118 = arith.constant 0 : i32
        %dma_wait3A_119 = tpu.memref_slice %arg12[%mul3A_117, %dma_wait3A_118] : memref<125000x128xf32, #tpu.memory_space<hbm>> -> memref<16x128xf32, #tpu.memory_space<hbm>>
        %dma_wait3A_120 = arith.constant 0 : i32
        %dma_wait3A_121 = tpu.memref_slice %arg12[%mul3A_117, %dma_wait3A_120] : memref<125000x128xf32, #tpu.memory_space<hbm>> -> memref<16x128xf32, #tpu.memory_space<hbm>>
        tpu.wait_dma2 semaphore(%arg34 : memref<!tpu.dma_semaphore, #tpu.memory_space<semaphore_mem>>) src(%arg28 : memref<16x128xf32, #tpu.memory_space<vmem>>) dst(%dma_wait3A_121 : memref<16x128xf32, #tpu.memory_space<hbm>>)
        %mul3A_122 = arith.constant 16 : i32
        %mul3A_123 = arith.muli %add3A_104, %mul3A_122 : i32
        %dma_wait3A_124 = arith.constant 0 : i32
        %dma_wait3A_125 = tpu.memref_slice %arg13[%mul3A_123, %dma_wait3A_124] : memref<125000x128xf32, #tpu.memory_space<hbm>> -> memref<16x128xf32, #tpu.memory_space<hbm>>
        %dma_wait3A_126 = arith.constant 0 : i32
        %dma_wait3A_127 = tpu.memref_slice %arg13[%mul3A_123, %dma_wait3A_126] : memref<125000x128xf32, #tpu.memory_space<hbm>> -> memref<16x128xf32, #tpu.memory_space<hbm>>
        tpu.wait_dma2 semaphore(%arg34 : memref<!tpu.dma_semaphore, #tpu.memory_space<semaphore_mem>>) src(%arg29 : memref<16x128xf32, #tpu.memory_space<vmem>>) dst(%dma_wait3A_127 : memref<16x128xf32, #tpu.memory_space<hbm>>)
        %sub3A_128 = arith.constant 1 : i32
        %sub3A_129 = arith.subi %select_n3A, %sub3A_128 : i32
        %add3A_130 = arith.addi %add3A_4, %sub3A_129 : i32
        %mul3A_131 = arith.constant 16 : i32
        %mul3A_132 = arith.muli %add3A_130, %mul3A_131 : i32
        %dma_wait3A_133 = arith.constant 0 : i32
        %dma_wait3A_134 = tpu.memref_slice %arg10[%mul3A_132, %dma_wait3A_133] : memref<125000x128xf32, #tpu.memory_space<hbm>> -> memref<16x128xf32, #tpu.memory_space<hbm>>
        %dma_wait3A_135 = arith.constant 0 : i32
        %dma_wait3A_136 = tpu.memref_slice %arg10[%mul3A_132, %dma_wait3A_135] : memref<125000x128xf32, #tpu.memory_space<hbm>> -> memref<16x128xf32, #tpu.memory_space<hbm>>
        tpu.wait_dma2 semaphore(%arg33 : memref<!tpu.dma_semaphore, #tpu.memory_space<semaphore_mem>>) src(%arg22 : memref<16x128xf32, #tpu.memory_space<vmem>>) dst(%dma_wait3A_136 : memref<16x128xf32, #tpu.memory_space<hbm>>)
        %mul3A_137 = arith.constant 16 : i32
        %mul3A_138 = arith.muli %add3A_130, %mul3A_137 : i32
        %dma_wait3A_139 = arith.constant 0 : i32
        %dma_wait3A_140 = tpu.memref_slice %arg11[%mul3A_138, %dma_wait3A_139] : memref<125000x128xf32, #tpu.memory_space<hbm>> -> memref<16x128xf32, #tpu.memory_space<hbm>>
        %dma_wait3A_141 = arith.constant 0 : i32
        %dma_wait3A_142 = tpu.memref_slice %arg11[%mul3A_138, %dma_wait3A_141] : memref<125000x128xf32, #tpu.memory_space<hbm>> -> memref<16x128xf32, #tpu.memory_space<hbm>>
        tpu.wait_dma2 semaphore(%arg33 : memref<!tpu.dma_semaphore, #tpu.memory_space<semaphore_mem>>) src(%arg23 : memref<16x128xf32, #tpu.memory_space<vmem>>) dst(%dma_wait3A_142 : memref<16x128xf32, #tpu.memory_space<hbm>>)
        %mul3A_143 = arith.constant 16 : i32
        %mul3A_144 = arith.muli %add3A_130, %mul3A_143 : i32
        %dma_wait3A_145 = arith.constant 0 : i32
        %dma_wait3A_146 = tpu.memref_slice %arg12[%mul3A_144, %dma_wait3A_145] : memref<125000x128xf32, #tpu.memory_space<hbm>> -> memref<16x128xf32, #tpu.memory_space<hbm>>
        %dma_wait3A_147 = arith.constant 0 : i32
        %dma_wait3A_148 = tpu.memref_slice %arg12[%mul3A_144, %dma_wait3A_147] : memref<125000x128xf32, #tpu.memory_space<hbm>> -> memref<16x128xf32, #tpu.memory_space<hbm>>
        tpu.wait_dma2 semaphore(%arg33 : memref<!tpu.dma_semaphore, #tpu.memory_space<semaphore_mem>>) src(%arg24 : memref<16x128xf32, #tpu.memory_space<vmem>>) dst(%dma_wait3A_148 : memref<16x128xf32, #tpu.memory_space<hbm>>)
        %mul3A_149 = arith.constant 16 : i32
        %mul3A_150 = arith.muli %add3A_130, %mul3A_149 : i32
        %dma_wait3A_151 = arith.constant 0 : i32
        %dma_wait3A_152 = tpu.memref_slice %arg13[%mul3A_150, %dma_wait3A_151] : memref<125000x128xf32, #tpu.memory_space<hbm>> -> memref<16x128xf32, #tpu.memory_space<hbm>>
        %dma_wait3A_153 = arith.constant 0 : i32
        %dma_wait3A_154 = tpu.memref_slice %arg13[%mul3A_150, %dma_wait3A_153] : memref<125000x128xf32, #tpu.memory_space<hbm>> -> memref<16x128xf32, #tpu.memory_space<hbm>>
        tpu.wait_dma2 semaphore(%arg33 : memref<!tpu.dma_semaphore, #tpu.memory_space<semaphore_mem>>) src(%arg25 : memref<16x128xf32, #tpu.memory_space<vmem>>) dst(%dma_wait3A_154 : memref<16x128xf32, #tpu.memory_space<hbm>>)
      } else {
      }
    } else {
    }
    %eq3A = arith.constant 0 : i32
    %eq3A_60 = arith.cmpi eq, %add3A, %eq3A : i32
    %convert_element_type3A_61 = arith.extui %eq3A_60 : i1 to i32
    %cond3A_62 = arith.constant 0 : i32
    %cond3A_63 = arith.cmpi ne, %convert_element_type3A_61, %cond3A_62 : i32
    scf.if %cond3A_63 {
      "tpu.region"() ({
        %run_scoped3A = tpu.sem_alloc : memref<!tpu.dma_semaphore, #tpu.memory_space<semaphore_mem>>
        tpu.enqueue_dma source(%arg6 : memref<8x128xf32, #tpu.memory_space<hbm>>) target(%arg30 : memref<8x128xf32, #tpu.memory_space<vmem>>) target_semaphore(%run_scoped3A : memref<!tpu.dma_semaphore, #tpu.memory_space<semaphore_mem>>)
        tpu.wait_dma2 semaphore(%run_scoped3A : memref<!tpu.dma_semaphore, #tpu.memory_space<semaphore_mem>>) src(%arg6 : memref<8x128xf32, #tpu.memory_space<hbm>>) dst(%arg30 : memref<8x128xf32, #tpu.memory_space<vmem>>)
        tpu.yield
      }) : () -> ()
      "tpu.region"() ({
        %run_scoped3A = tpu.sem_alloc : memref<!tpu.dma_semaphore, #tpu.memory_space<semaphore_mem>>
        %dma_start3A_64 = arith.constant 124992 : i32
        %dma_start3A_65 = arith.constant 0 : i32
        %dma_start3A_66 = tpu.memref_slice %arg10[%dma_start3A_64, %dma_start3A_65] : memref<125000x128xf32, #tpu.memory_space<hbm>> -> memref<8x128xf32, #tpu.memory_space<hbm>>
        %dma_start3A_67 = arith.constant 124992 : i32
        %dma_start3A_68 = arith.constant 0 : i32
        %dma_start3A_69 = tpu.memref_slice %arg10[%dma_start3A_67, %dma_start3A_68] : memref<125000x128xf32, #tpu.memory_space<hbm>> -> memref<8x128xf32, #tpu.memory_space<hbm>>
        tpu.enqueue_dma source(%arg30 : memref<8x128xf32, #tpu.memory_space<vmem>>) target(%dma_start3A_69 : memref<8x128xf32, #tpu.memory_space<hbm>>) target_semaphore(%run_scoped3A : memref<!tpu.dma_semaphore, #tpu.memory_space<semaphore_mem>>)
        %dma_wait3A = arith.constant 124992 : i32
        %dma_wait3A_70 = arith.constant 0 : i32
        %dma_wait3A_71 = tpu.memref_slice %arg10[%dma_wait3A, %dma_wait3A_70] : memref<125000x128xf32, #tpu.memory_space<hbm>> -> memref<8x128xf32, #tpu.memory_space<hbm>>
        %dma_wait3A_72 = arith.constant 124992 : i32
        %dma_wait3A_73 = arith.constant 0 : i32
        %dma_wait3A_74 = tpu.memref_slice %arg10[%dma_wait3A_72, %dma_wait3A_73] : memref<125000x128xf32, #tpu.memory_space<hbm>> -> memref<8x128xf32, #tpu.memory_space<hbm>>
        tpu.wait_dma2 semaphore(%run_scoped3A : memref<!tpu.dma_semaphore, #tpu.memory_space<semaphore_mem>>) src(%arg30 : memref<8x128xf32, #tpu.memory_space<vmem>>) dst(%dma_wait3A_74 : memref<8x128xf32, #tpu.memory_space<hbm>>)
        tpu.yield
      }) : () -> ()
      "tpu.region"() ({
        %run_scoped3A = tpu.sem_alloc : memref<!tpu.dma_semaphore, #tpu.memory_space<semaphore_mem>>
        tpu.enqueue_dma source(%arg7 : memref<8x128xf32, #tpu.memory_space<hbm>>) target(%arg30 : memref<8x128xf32, #tpu.memory_space<vmem>>) target_semaphore(%run_scoped3A : memref<!tpu.dma_semaphore, #tpu.memory_space<semaphore_mem>>)
        tpu.wait_dma2 semaphore(%run_scoped3A : memref<!tpu.dma_semaphore, #tpu.memory_space<semaphore_mem>>) src(%arg7 : memref<8x128xf32, #tpu.memory_space<hbm>>) dst(%arg30 : memref<8x128xf32, #tpu.memory_space<vmem>>)
        tpu.yield
      }) : () -> ()
      "tpu.region"() ({
        %run_scoped3A = tpu.sem_alloc : memref<!tpu.dma_semaphore, #tpu.memory_space<semaphore_mem>>
        %dma_start3A_64 = arith.constant 124992 : i32
        %dma_start3A_65 = arith.constant 0 : i32
        %dma_start3A_66 = tpu.memref_slice %arg11[%dma_start3A_64, %dma_start3A_65] : memref<125000x128xf32, #tpu.memory_space<hbm>> -> memref<8x128xf32, #tpu.memory_space<hbm>>
        %dma_start3A_67 = arith.constant 124992 : i32
        %dma_start3A_68 = arith.constant 0 : i32
        %dma_start3A_69 = tpu.memref_slice %arg11[%dma_start3A_67, %dma_start3A_68] : memref<125000x128xf32, #tpu.memory_space<hbm>> -> memref<8x128xf32, #tpu.memory_space<hbm>>
        tpu.enqueue_dma source(%arg30 : memref<8x128xf32, #tpu.memory_space<vmem>>) target(%dma_start3A_69 : memref<8x128xf32, #tpu.memory_space<hbm>>) target_semaphore(%run_scoped3A : memref<!tpu.dma_semaphore, #tpu.memory_space<semaphore_mem>>)
        %dma_wait3A = arith.constant 124992 : i32
        %dma_wait3A_70 = arith.constant 0 : i32
        %dma_wait3A_71 = tpu.memref_slice %arg11[%dma_wait3A, %dma_wait3A_70] : memref<125000x128xf32, #tpu.memory_space<hbm>> -> memref<8x128xf32, #tpu.memory_space<hbm>>
        %dma_wait3A_72 = arith.constant 124992 : i32
        %dma_wait3A_73 = arith.constant 0 : i32
        %dma_wait3A_74 = tpu.memref_slice %arg11[%dma_wait3A_72, %dma_wait3A_73] : memref<125000x128xf32, #tpu.memory_space<hbm>> -> memref<8x128xf32, #tpu.memory_space<hbm>>
        tpu.wait_dma2 semaphore(%run_scoped3A : memref<!tpu.dma_semaphore, #tpu.memory_space<semaphore_mem>>) src(%arg30 : memref<8x128xf32, #tpu.memory_space<vmem>>) dst(%dma_wait3A_74 : memref<8x128xf32, #tpu.memory_space<hbm>>)
        tpu.yield
      }) : () -> ()
      "tpu.region"() ({
        %run_scoped3A = tpu.sem_alloc : memref<!tpu.dma_semaphore, #tpu.memory_space<semaphore_mem>>
        tpu.enqueue_dma source(%arg8 : memref<8x128xf32, #tpu.memory_space<hbm>>) target(%arg30 : memref<8x128xf32, #tpu.memory_space<vmem>>) target_semaphore(%run_scoped3A : memref<!tpu.dma_semaphore, #tpu.memory_space<semaphore_mem>>)
        tpu.wait_dma2 semaphore(%run_scoped3A : memref<!tpu.dma_semaphore, #tpu.memory_space<semaphore_mem>>) src(%arg8 : memref<8x128xf32, #tpu.memory_space<hbm>>) dst(%arg30 : memref<8x128xf32, #tpu.memory_space<vmem>>)
        tpu.yield
      }) : () -> ()
      "tpu.region"() ({
        %run_scoped3A = tpu.sem_alloc : memref<!tpu.dma_semaphore, #tpu.memory_space<semaphore_mem>>
        %dma_start3A_64 = arith.constant 124992 : i32
        %dma_start3A_65 = arith.constant 0 : i32
        %dma_start3A_66 = tpu.memref_slice %arg12[%dma_start3A_64, %dma_start3A_65] : memref<125000x128xf32, #tpu.memory_space<hbm>> -> memref<8x128xf32, #tpu.memory_space<hbm>>
        %dma_start3A_67 = arith.constant 124992 : i32
        %dma_start3A_68 = arith.constant 0 : i32
        %dma_start3A_69 = tpu.memref_slice %arg12[%dma_start3A_67, %dma_start3A_68] : memref<125000x128xf32, #tpu.memory_space<hbm>> -> memref<8x128xf32, #tpu.memory_space<hbm>>
        tpu.enqueue_dma source(%arg30 : memref<8x128xf32, #tpu.memory_space<vmem>>) target(%dma_start3A_69 : memref<8x128xf32, #tpu.memory_space<hbm>>) target_semaphore(%run_scoped3A : memref<!tpu.dma_semaphore, #tpu.memory_space<semaphore_mem>>)
        %dma_wait3A = arith.constant 124992 : i32
        %dma_wait3A_70 = arith.constant 0 : i32
        %dma_wait3A_71 = tpu.memref_slice %arg12[%dma_wait3A, %dma_wait3A_70] : memref<125000x128xf32, #tpu.memory_space<hbm>> -> memref<8x128xf32, #tpu.memory_space<hbm>>
        %dma_wait3A_72 = arith.constant 124992 : i32
        %dma_wait3A_73 = arith.constant 0 : i32
        %dma_wait3A_74 = tpu.memref_slice %arg12[%dma_wait3A_72, %dma_wait3A_73] : memref<125000x128xf32, #tpu.memory_space<hbm>> -> memref<8x128xf32, #tpu.memory_space<hbm>>
        tpu.wait_dma2 semaphore(%run_scoped3A : memref<!tpu.dma_semaphore, #tpu.memory_space<semaphore_mem>>) src(%arg30 : memref<8x128xf32, #tpu.memory_space<vmem>>) dst(%dma_wait3A_74 : memref<8x128xf32, #tpu.memory_space<hbm>>)
        tpu.yield
      }) : () -> ()
      "tpu.region"() ({
        %run_scoped3A = tpu.sem_alloc : memref<!tpu.dma_semaphore, #tpu.memory_space<semaphore_mem>>
        tpu.enqueue_dma source(%arg9 : memref<8x128xf32, #tpu.memory_space<hbm>>) target(%arg30 : memref<8x128xf32, #tpu.memory_space<vmem>>) target_semaphore(%run_scoped3A : memref<!tpu.dma_semaphore, #tpu.memory_space<semaphore_mem>>)
        tpu.wait_dma2 semaphore(%run_scoped3A : memref<!tpu.dma_semaphore, #tpu.memory_space<semaphore_mem>>) src(%arg9 : memref<8x128xf32, #tpu.memory_space<hbm>>) dst(%arg30 : memref<8x128xf32, #tpu.memory_space<vmem>>)
        tpu.yield
      }) : () -> ()
      "tpu.region"() ({
        %run_scoped3A = tpu.sem_alloc : memref<!tpu.dma_semaphore, #tpu.memory_space<semaphore_mem>>
        %dma_start3A_64 = arith.constant 124992 : i32
        %dma_start3A_65 = arith.constant 0 : i32
        %dma_start3A_66 = tpu.memref_slice %arg13[%dma_start3A_64, %dma_start3A_65] : memref<125000x128xf32, #tpu.memory_space<hbm>> -> memref<8x128xf32, #tpu.memory_space<hbm>>
        %dma_start3A_67 = arith.constant 124992 : i32
        %dma_start3A_68 = arith.constant 0 : i32
        %dma_start3A_69 = tpu.memref_slice %arg13[%dma_start3A_67, %dma_start3A_68] : memref<125000x128xf32, #tpu.memory_space<hbm>> -> memref<8x128xf32, #tpu.memory_space<hbm>>
        tpu.enqueue_dma source(%arg30 : memref<8x128xf32, #tpu.memory_space<vmem>>) target(%dma_start3A_69 : memref<8x128xf32, #tpu.memory_space<hbm>>) target_semaphore(%run_scoped3A : memref<!tpu.dma_semaphore, #tpu.memory_space<semaphore_mem>>)
        %dma_wait3A = arith.constant 124992 : i32
        %dma_wait3A_70 = arith.constant 0 : i32
        %dma_wait3A_71 = tpu.memref_slice %arg13[%dma_wait3A, %dma_wait3A_70] : memref<125000x128xf32, #tpu.memory_space<hbm>> -> memref<8x128xf32, #tpu.memory_space<hbm>>
        %dma_wait3A_72 = arith.constant 124992 : i32
        %dma_wait3A_73 = arith.constant 0 : i32
        %dma_wait3A_74 = tpu.memref_slice %arg13[%dma_wait3A_72, %dma_wait3A_73] : memref<125000x128xf32, #tpu.memory_space<hbm>> -> memref<8x128xf32, #tpu.memory_space<hbm>>
        tpu.wait_dma2 semaphore(%run_scoped3A : memref<!tpu.dma_semaphore, #tpu.memory_space<semaphore_mem>>) src(%arg30 : memref<8x128xf32, #tpu.memory_space<vmem>>) dst(%dma_wait3A_74 : memref<8x128xf32, #tpu.memory_space<hbm>>)
        tpu.yield
      }) : () -> ()
    } else {
    }
    return
  }
}

#map = affine_map<(d0, d1) -> (0)>
#map1 = affine_map<(d0, d1) -> (0, 0)>
module attributes {stable_mosaic.version = 14 : i64} {
  func.func @emb_kernel(%arg0: i32, %arg1: i32, %arg2: memref<819200xi32, #tpu.memory_space<hbm>>, %arg3: memref<1000000x16xf32, #tpu.memory_space<hbm>>, %arg4: memref<1000000x16xf32, #tpu.memory_space<hbm>>, %arg5: memref<1000000x16xf32, #tpu.memory_space<hbm>>, %arg6: memref<1000000x16xf32, #tpu.memory_space<hbm>>, %arg7: memref<819200x64xf32, #tpu.memory_space<hbm>>, %arg8: memref<800xi32, #tpu.memory_space<vmem>>, %arg9: memref<800xi32, #tpu.memory_space<vmem>>, %arg10: memref<800x16xf32, #tpu.memory_space<vmem>>, %arg11: memref<800x16xf32, #tpu.memory_space<vmem>>, %arg12: memref<800x16xf32, #tpu.memory_space<vmem>>, %arg13: memref<800x16xf32, #tpu.memory_space<vmem>>, %arg14: memref<800x16xf32, #tpu.memory_space<vmem>>, %arg15: memref<800x16xf32, #tpu.memory_space<vmem>>, %arg16: memref<800x16xf32, #tpu.memory_space<vmem>>, %arg17: memref<800x16xf32, #tpu.memory_space<vmem>>, %arg18: memref<!tpu.dma_semaphore, #tpu.memory_space<semaphore_mem>>, %arg19: memref<!tpu.dma_semaphore, #tpu.memory_space<semaphore_mem>>) attributes {dimension_semantics = [#tpu.dimension_semantics<core_parallel>, #tpu.dimension_semantics<subcore_parallel>], iteration_bounds = array<i64: 2, 16>, scalar_prefetch = 0 : i64, scratch_operands = 12 : i64, tpu.core_type = #tpu.core_type<sc_vector_subcore>, window_params = [{transform_indices = #map}, {transform_indices = #map1}, {transform_indices = #map1}, {transform_indices = #map1}, {transform_indices = #map1}, {transform_indices = #map1}]} {
    %mul3A = arith.constant 2 : i32
    %mul3A_0 = arith.muli %arg1, %mul3A : i32
    %add3A = arith.addi %mul3A_0, %arg0 : i32
    %mul3A_1 = arith.constant 25600 : i32
    %mul3A_2 = arith.muli %add3A, %mul3A_1 : i32
    %add3A_3 = arith.constant 0 : i32
    %add3A_4 = arith.addi %mul3A_2, %add3A_3 : i32
    "tpu.region"() ({
      %run_scoped3A = tpu.sem_alloc : memref<!tpu.dma_semaphore, #tpu.memory_space<semaphore_mem>>
      %dma_start3A_20 = tpu.memref_slice %arg2[%add3A_4] : memref<819200xi32, #tpu.memory_space<hbm>> -> memref<800xi32, #tpu.memory_space<hbm>>
      %dma_start3A_21 = tpu.memref_slice %arg2[%add3A_4] : memref<819200xi32, #tpu.memory_space<hbm>> -> memref<800xi32, #tpu.memory_space<hbm>>
      tpu.enqueue_dma source(%dma_start3A_21 : memref<800xi32, #tpu.memory_space<hbm>>) target(%arg8 : memref<800xi32, #tpu.memory_space<vmem>>) target_semaphore(%run_scoped3A : memref<!tpu.dma_semaphore, #tpu.memory_space<semaphore_mem>>)
      %dma_wait3A = tpu.memref_slice %arg2[%add3A_4] : memref<819200xi32, #tpu.memory_space<hbm>> -> memref<800xi32, #tpu.memory_space<hbm>>
      %dma_wait3A_22 = tpu.memref_slice %arg2[%add3A_4] : memref<819200xi32, #tpu.memory_space<hbm>> -> memref<800xi32, #tpu.memory_space<hbm>>
      tpu.wait_dma2 semaphore(%run_scoped3A : memref<!tpu.dma_semaphore, #tpu.memory_space<semaphore_mem>>) src(%dma_wait3A_22 : memref<800xi32, #tpu.memory_space<hbm>>) dst(%arg8 : memref<800xi32, #tpu.memory_space<vmem>>)
      tpu.yield
    }) : () -> ()
    %dma_start3A = arith.constant 0 : i32
    %dma_start3A_5 = arith.constant 0 : i32
    %dma_start3A_6 = tpu.memref_slice %arg3[%dma_start3A, %dma_start3A_5] : memref<1000000x16xf32, #tpu.memory_space<hbm>> -> memref<1000000x16xf32, #tpu.memory_space<hbm>>
    tpu.enqueue_indirect_dma source(%dma_start3A_6 : memref<1000000x16xf32, #tpu.memory_space<hbm>>) target(%arg10 : memref<800x16xf32, #tpu.memory_space<vmem>>) offsets(%arg8 : memref<800xi32, #tpu.memory_space<vmem>>) semaphore(%arg18 : memref<!tpu.dma_semaphore, #tpu.memory_space<semaphore_mem>>)
    %dma_start3A_7 = arith.constant 0 : i32
    %dma_start3A_8 = arith.constant 0 : i32
    %dma_start3A_9 = tpu.memref_slice %arg4[%dma_start3A_7, %dma_start3A_8] : memref<1000000x16xf32, #tpu.memory_space<hbm>> -> memref<1000000x16xf32, #tpu.memory_space<hbm>>
    tpu.enqueue_indirect_dma source(%dma_start3A_9 : memref<1000000x16xf32, #tpu.memory_space<hbm>>) target(%arg11 : memref<800x16xf32, #tpu.memory_space<vmem>>) offsets(%arg8 : memref<800xi32, #tpu.memory_space<vmem>>) semaphore(%arg18 : memref<!tpu.dma_semaphore, #tpu.memory_space<semaphore_mem>>)
    %dma_start3A_10 = arith.constant 0 : i32
    %dma_start3A_11 = arith.constant 0 : i32
    %dma_start3A_12 = tpu.memref_slice %arg5[%dma_start3A_10, %dma_start3A_11] : memref<1000000x16xf32, #tpu.memory_space<hbm>> -> memref<1000000x16xf32, #tpu.memory_space<hbm>>
    tpu.enqueue_indirect_dma source(%dma_start3A_12 : memref<1000000x16xf32, #tpu.memory_space<hbm>>) target(%arg12 : memref<800x16xf32, #tpu.memory_space<vmem>>) offsets(%arg8 : memref<800xi32, #tpu.memory_space<vmem>>) semaphore(%arg18 : memref<!tpu.dma_semaphore, #tpu.memory_space<semaphore_mem>>)
    %dma_start3A_13 = arith.constant 0 : i32
    %dma_start3A_14 = arith.constant 0 : i32
    %dma_start3A_15 = tpu.memref_slice %arg6[%dma_start3A_13, %dma_start3A_14] : memref<1000000x16xf32, #tpu.memory_space<hbm>> -> memref<1000000x16xf32, #tpu.memory_space<hbm>>
    tpu.enqueue_indirect_dma source(%dma_start3A_15 : memref<1000000x16xf32, #tpu.memory_space<hbm>>) target(%arg13 : memref<800x16xf32, #tpu.memory_space<vmem>>) offsets(%arg8 : memref<800xi32, #tpu.memory_space<vmem>>) semaphore(%arg18 : memref<!tpu.dma_semaphore, #tpu.memory_space<semaphore_mem>>)
    %scan3A = arith.constant 0 : i32
    %scan3A_16 = arith.constant 32 : i32
    %scan3A_17 = arith.addi %scan3A, %scan3A_16 : i32
    %scan3A_18 = arith.constant 1 : i32
    scf.for %scan3A_20 = %scan3A to %scan3A_17 step %scan3A_18  : i32 {
      %jit3A = arith.constant 2 : i32
      %eq3A = arith.constant 0 : i32
      %eq3A_21 = arith.cmpi eq, %jit3A, %eq3A : i32
      %jit3A_22 = arith.constant 1 : i32
      %select_n3A = arith.select %eq3A_21, %jit3A_22, %jit3A : i32
      %rem3A = arith.remsi %scan3A_20, %select_n3A : i32
      %ne3A = arith.constant 0 : i32
      %ne3A_23 = arith.cmpi ne, %rem3A, %ne3A : i32
      %lt3A = arith.constant 0 : i32
      %lt3A_24 = arith.cmpi slt, %rem3A, %lt3A : i32
      %lt3A_25 = arith.constant 0 : i32
      %lt3A_26 = arith.cmpi slt, %select_n3A, %lt3A_25 : i32
      %ne3A_27 = arith.xori %lt3A_24, %lt3A_26 : i1
      %and3A = arith.andi %ne3A_27, %ne3A_23 : i1
      %add3A_28 = arith.addi %rem3A, %select_n3A : i32
      %select_n3A_29 = arith.select %and3A, %add3A_28, %rem3A : i32
      %eq3A_30 = arith.constant 0 : i32
      %eq3A_31 = arith.cmpi eq, %select_n3A_29, %eq3A_30 : i32
      %convert_element_type3A = arith.extui %eq3A_31 : i1 to i32
      %cond3A = arith.constant 0 : i32
      %cond3A_32 = arith.cmpi ne, %convert_element_type3A, %cond3A : i32
      scf.if %cond3A_32 {
        %add3A_54 = arith.constant 1 : i32
        %add3A_55 = arith.addi %scan3A_20, %add3A_54 : i32
        %lt3A_56 = arith.constant 32 : i32
        %lt3A_57 = arith.cmpi slt, %add3A_55, %lt3A_56 : i32
        %convert_element_type3A_58 = arith.extui %lt3A_57 : i1 to i32
        %cond3A_59 = arith.constant 0 : i32
        %cond3A_60 = arith.cmpi ne, %convert_element_type3A_58, %cond3A_59 : i32
        scf.if %cond3A_60 {
          %add3A_75 = arith.constant 1 : i32
          %add3A_76 = arith.addi %scan3A_20, %add3A_75 : i32
          %mul3A_77 = arith.constant 800 : i32
          %mul3A_78 = arith.muli %add3A_76, %mul3A_77 : i32
          %add3A_79 = arith.addi %mul3A_2, %mul3A_78 : i32
          "tpu.region"() ({
            %run_scoped3A = tpu.sem_alloc : memref<!tpu.dma_semaphore, #tpu.memory_space<semaphore_mem>>
            %dma_start3A_92 = tpu.memref_slice %arg2[%add3A_79] : memref<819200xi32, #tpu.memory_space<hbm>> -> memref<800xi32, #tpu.memory_space<hbm>>
            %dma_start3A_93 = tpu.memref_slice %arg2[%add3A_79] : memref<819200xi32, #tpu.memory_space<hbm>> -> memref<800xi32, #tpu.memory_space<hbm>>
            tpu.enqueue_dma source(%dma_start3A_93 : memref<800xi32, #tpu.memory_space<hbm>>) target(%arg9 : memref<800xi32, #tpu.memory_space<vmem>>) target_semaphore(%run_scoped3A : memref<!tpu.dma_semaphore, #tpu.memory_space<semaphore_mem>>)
            %dma_wait3A_94 = tpu.memref_slice %arg2[%add3A_79] : memref<819200xi32, #tpu.memory_space<hbm>> -> memref<800xi32, #tpu.memory_space<hbm>>
            %dma_wait3A_95 = tpu.memref_slice %arg2[%add3A_79] : memref<819200xi32, #tpu.memory_space<hbm>> -> memref<800xi32, #tpu.memory_space<hbm>>
            tpu.wait_dma2 semaphore(%run_scoped3A : memref<!tpu.dma_semaphore, #tpu.memory_space<semaphore_mem>>) src(%dma_wait3A_95 : memref<800xi32, #tpu.memory_space<hbm>>) dst(%arg9 : memref<800xi32, #tpu.memory_space<vmem>>)
            tpu.yield
          }) : () -> ()
          %dma_start3A_80 = arith.constant 0 : i32
          %dma_start3A_81 = arith.constant 0 : i32
          %dma_start3A_82 = tpu.memref_slice %arg3[%dma_start3A_80, %dma_start3A_81] : memref<1000000x16xf32, #tpu.memory_space<hbm>> -> memref<1000000x16xf32, #tpu.memory_space<hbm>>
          tpu.enqueue_indirect_dma source(%dma_start3A_82 : memref<1000000x16xf32, #tpu.memory_space<hbm>>) target(%arg14 : memref<800x16xf32, #tpu.memory_space<vmem>>) offsets(%arg9 : memref<800xi32, #tpu.memory_space<vmem>>) semaphore(%arg19 : memref<!tpu.dma_semaphore, #tpu.memory_space<semaphore_mem>>)
          %dma_start3A_83 = arith.constant 0 : i32
          %dma_start3A_84 = arith.constant 0 : i32
          %dma_start3A_85 = tpu.memref_slice %arg4[%dma_start3A_83, %dma_start3A_84] : memref<1000000x16xf32, #tpu.memory_space<hbm>> -> memref<1000000x16xf32, #tpu.memory_space<hbm>>
          tpu.enqueue_indirect_dma source(%dma_start3A_85 : memref<1000000x16xf32, #tpu.memory_space<hbm>>) target(%arg15 : memref<800x16xf32, #tpu.memory_space<vmem>>) offsets(%arg9 : memref<800xi32, #tpu.memory_space<vmem>>) semaphore(%arg19 : memref<!tpu.dma_semaphore, #tpu.memory_space<semaphore_mem>>)
          %dma_start3A_86 = arith.constant 0 : i32
          %dma_start3A_87 = arith.constant 0 : i32
          %dma_start3A_88 = tpu.memref_slice %arg5[%dma_start3A_86, %dma_start3A_87] : memref<1000000x16xf32, #tpu.memory_space<hbm>> -> memref<1000000x16xf32, #tpu.memory_space<hbm>>
          tpu.enqueue_indirect_dma source(%dma_start3A_88 : memref<1000000x16xf32, #tpu.memory_space<hbm>>) target(%arg16 : memref<800x16xf32, #tpu.memory_space<vmem>>) offsets(%arg9 : memref<800xi32, #tpu.memory_space<vmem>>) semaphore(%arg19 : memref<!tpu.dma_semaphore, #tpu.memory_space<semaphore_mem>>)
          %dma_start3A_89 = arith.constant 0 : i32
          %dma_start3A_90 = arith.constant 0 : i32
          %dma_start3A_91 = tpu.memref_slice %arg6[%dma_start3A_89, %dma_start3A_90] : memref<1000000x16xf32, #tpu.memory_space<hbm>> -> memref<1000000x16xf32, #tpu.memory_space<hbm>>
          tpu.enqueue_indirect_dma source(%dma_start3A_91 : memref<1000000x16xf32, #tpu.memory_space<hbm>>) target(%arg17 : memref<800x16xf32, #tpu.memory_space<vmem>>) offsets(%arg9 : memref<800xi32, #tpu.memory_space<vmem>>) semaphore(%arg19 : memref<!tpu.dma_semaphore, #tpu.memory_space<semaphore_mem>>)
        } else {
        }
        %mul3A_61 = arith.constant 800 : i32
        %mul3A_62 = arith.muli %scan3A_20, %mul3A_61 : i32
        %add3A_63 = arith.addi %mul3A_2, %mul3A_62 : i32
        %dma_wait3A = arith.constant 0 : i32
        %dma_wait3A_64 = arith.constant 0 : i32
        %dma_wait3A_65 = tpu.memref_slice %arg3[%dma_wait3A, %dma_wait3A_64] : memref<1000000x16xf32, #tpu.memory_space<hbm>> -> memref<1000000x16xf32, #tpu.memory_space<hbm>>
        tpu.wait_indirect_dma semaphore(%arg18 : memref<!tpu.dma_semaphore, #tpu.memory_space<semaphore_mem>>) src(%dma_wait3A_65 : memref<1000000x16xf32, #tpu.memory_space<hbm>>) dst(%arg10 : memref<800x16xf32, #tpu.memory_space<vmem>>)
        %dma_wait3A_66 = arith.constant 0 : i32
        %dma_wait3A_67 = arith.constant 0 : i32
        %dma_wait3A_68 = tpu.memref_slice %arg4[%dma_wait3A_66, %dma_wait3A_67] : memref<1000000x16xf32, #tpu.memory_space<hbm>> -> memref<1000000x16xf32, #tpu.memory_space<hbm>>
        tpu.wait_indirect_dma semaphore(%arg18 : memref<!tpu.dma_semaphore, #tpu.memory_space<semaphore_mem>>) src(%dma_wait3A_68 : memref<1000000x16xf32, #tpu.memory_space<hbm>>) dst(%arg11 : memref<800x16xf32, #tpu.memory_space<vmem>>)
        %dma_wait3A_69 = arith.constant 0 : i32
        %dma_wait3A_70 = arith.constant 0 : i32
        %dma_wait3A_71 = tpu.memref_slice %arg5[%dma_wait3A_69, %dma_wait3A_70] : memref<1000000x16xf32, #tpu.memory_space<hbm>> -> memref<1000000x16xf32, #tpu.memory_space<hbm>>
        tpu.wait_indirect_dma semaphore(%arg18 : memref<!tpu.dma_semaphore, #tpu.memory_space<semaphore_mem>>) src(%dma_wait3A_71 : memref<1000000x16xf32, #tpu.memory_space<hbm>>) dst(%arg12 : memref<800x16xf32, #tpu.memory_space<vmem>>)
        %dma_wait3A_72 = arith.constant 0 : i32
        %dma_wait3A_73 = arith.constant 0 : i32
        %dma_wait3A_74 = tpu.memref_slice %arg6[%dma_wait3A_72, %dma_wait3A_73] : memref<1000000x16xf32, #tpu.memory_space<hbm>> -> memref<1000000x16xf32, #tpu.memory_space<hbm>>
        tpu.wait_indirect_dma semaphore(%arg18 : memref<!tpu.dma_semaphore, #tpu.memory_space<semaphore_mem>>) src(%dma_wait3A_74 : memref<1000000x16xf32, #tpu.memory_space<hbm>>) dst(%arg13 : memref<800x16xf32, #tpu.memory_space<vmem>>)
        "tpu.region"() ({
          %run_scoped3A = tpu.sem_alloc : memref<!tpu.dma_semaphore, #tpu.memory_space<semaphore_mem>>
          %dma_start3A_75 = arith.constant 0 : i32
          %dma_start3A_76 = tpu.memref_slice %arg7[%add3A_63, %dma_start3A_75] : memref<819200x64xf32, #tpu.memory_space<hbm>> -> memref<800x16xf32, #tpu.memory_space<hbm>>
          %dma_start3A_77 = arith.constant 0 : i32
          %dma_start3A_78 = tpu.memref_slice %arg7[%add3A_63, %dma_start3A_77] : memref<819200x64xf32, #tpu.memory_space<hbm>> -> memref<800x16xf32, #tpu.memory_space<hbm>>
          tpu.enqueue_dma source(%arg10 : memref<800x16xf32, #tpu.memory_space<vmem>>) target(%dma_start3A_78 : memref<800x16xf32, #tpu.memory_space<hbm>>) target_semaphore(%run_scoped3A : memref<!tpu.dma_semaphore, #tpu.memory_space<semaphore_mem>>)
          %dma_wait3A_79 = arith.constant 0 : i32
          %dma_wait3A_80 = tpu.memref_slice %arg7[%add3A_63, %dma_wait3A_79] : memref<819200x64xf32, #tpu.memory_space<hbm>> -> memref<800x16xf32, #tpu.memory_space<hbm>>
          %dma_wait3A_81 = arith.constant 0 : i32
          %dma_wait3A_82 = tpu.memref_slice %arg7[%add3A_63, %dma_wait3A_81] : memref<819200x64xf32, #tpu.memory_space<hbm>> -> memref<800x16xf32, #tpu.memory_space<hbm>>
          tpu.wait_dma2 semaphore(%run_scoped3A : memref<!tpu.dma_semaphore, #tpu.memory_space<semaphore_mem>>) src(%arg10 : memref<800x16xf32, #tpu.memory_space<vmem>>) dst(%dma_wait3A_82 : memref<800x16xf32, #tpu.memory_space<hbm>>)
          tpu.yield
        }) : () -> ()
        "tpu.region"() ({
          %run_scoped3A = tpu.sem_alloc : memref<!tpu.dma_semaphore, #tpu.memory_space<semaphore_mem>>
          %dma_start3A_75 = arith.constant 16 : i32
          %dma_start3A_76 = tpu.memref_slice %arg7[%add3A_63, %dma_start3A_75] : memref<819200x64xf32, #tpu.memory_space<hbm>> -> memref<800x16xf32, #tpu.memory_space<hbm>>
          %dma_start3A_77 = arith.constant 16 : i32
          %dma_start3A_78 = tpu.memref_slice %arg7[%add3A_63, %dma_start3A_77] : memref<819200x64xf32, #tpu.memory_space<hbm>> -> memref<800x16xf32, #tpu.memory_space<hbm>>
          tpu.enqueue_dma source(%arg11 : memref<800x16xf32, #tpu.memory_space<vmem>>) target(%dma_start3A_78 : memref<800x16xf32, #tpu.memory_space<hbm>>) target_semaphore(%run_scoped3A : memref<!tpu.dma_semaphore, #tpu.memory_space<semaphore_mem>>)
          %dma_wait3A_79 = arith.constant 16 : i32
          %dma_wait3A_80 = tpu.memref_slice %arg7[%add3A_63, %dma_wait3A_79] : memref<819200x64xf32, #tpu.memory_space<hbm>> -> memref<800x16xf32, #tpu.memory_space<hbm>>
          %dma_wait3A_81 = arith.constant 16 : i32
          %dma_wait3A_82 = tpu.memref_slice %arg7[%add3A_63, %dma_wait3A_81] : memref<819200x64xf32, #tpu.memory_space<hbm>> -> memref<800x16xf32, #tpu.memory_space<hbm>>
          tpu.wait_dma2 semaphore(%run_scoped3A : memref<!tpu.dma_semaphore, #tpu.memory_space<semaphore_mem>>) src(%arg11 : memref<800x16xf32, #tpu.memory_space<vmem>>) dst(%dma_wait3A_82 : memref<800x16xf32, #tpu.memory_space<hbm>>)
          tpu.yield
        }) : () -> ()
        "tpu.region"() ({
          %run_scoped3A = tpu.sem_alloc : memref<!tpu.dma_semaphore, #tpu.memory_space<semaphore_mem>>
          %dma_start3A_75 = arith.constant 32 : i32
          %dma_start3A_76 = tpu.memref_slice %arg7[%add3A_63, %dma_start3A_75] : memref<819200x64xf32, #tpu.memory_space<hbm>> -> memref<800x16xf32, #tpu.memory_space<hbm>>
          %dma_start3A_77 = arith.constant 32 : i32
          %dma_start3A_78 = tpu.memref_slice %arg7[%add3A_63, %dma_start3A_77] : memref<819200x64xf32, #tpu.memory_space<hbm>> -> memref<800x16xf32, #tpu.memory_space<hbm>>
          tpu.enqueue_dma source(%arg12 : memref<800x16xf32, #tpu.memory_space<vmem>>) target(%dma_start3A_78 : memref<800x16xf32, #tpu.memory_space<hbm>>) target_semaphore(%run_scoped3A : memref<!tpu.dma_semaphore, #tpu.memory_space<semaphore_mem>>)
          %dma_wait3A_79 = arith.constant 32 : i32
          %dma_wait3A_80 = tpu.memref_slice %arg7[%add3A_63, %dma_wait3A_79] : memref<819200x64xf32, #tpu.memory_space<hbm>> -> memref<800x16xf32, #tpu.memory_space<hbm>>
          %dma_wait3A_81 = arith.constant 32 : i32
          %dma_wait3A_82 = tpu.memref_slice %arg7[%add3A_63, %dma_wait3A_81] : memref<819200x64xf32, #tpu.memory_space<hbm>> -> memref<800x16xf32, #tpu.memory_space<hbm>>
          tpu.wait_dma2 semaphore(%run_scoped3A : memref<!tpu.dma_semaphore, #tpu.memory_space<semaphore_mem>>) src(%arg12 : memref<800x16xf32, #tpu.memory_space<vmem>>) dst(%dma_wait3A_82 : memref<800x16xf32, #tpu.memory_space<hbm>>)
          tpu.yield
        }) : () -> ()
        "tpu.region"() ({
          %run_scoped3A = tpu.sem_alloc : memref<!tpu.dma_semaphore, #tpu.memory_space<semaphore_mem>>
          %dma_start3A_75 = arith.constant 48 : i32
          %dma_start3A_76 = tpu.memref_slice %arg7[%add3A_63, %dma_start3A_75] : memref<819200x64xf32, #tpu.memory_space<hbm>> -> memref<800x16xf32, #tpu.memory_space<hbm>>
          %dma_start3A_77 = arith.constant 48 : i32
          %dma_start3A_78 = tpu.memref_slice %arg7[%add3A_63, %dma_start3A_77] : memref<819200x64xf32, #tpu.memory_space<hbm>> -> memref<800x16xf32, #tpu.memory_space<hbm>>
          tpu.enqueue_dma source(%arg13 : memref<800x16xf32, #tpu.memory_space<vmem>>) target(%dma_start3A_78 : memref<800x16xf32, #tpu.memory_space<hbm>>) target_semaphore(%run_scoped3A : memref<!tpu.dma_semaphore, #tpu.memory_space<semaphore_mem>>)
          %dma_wait3A_79 = arith.constant 48 : i32
          %dma_wait3A_80 = tpu.memref_slice %arg7[%add3A_63, %dma_wait3A_79] : memref<819200x64xf32, #tpu.memory_space<hbm>> -> memref<800x16xf32, #tpu.memory_space<hbm>>
          %dma_wait3A_81 = arith.constant 48 : i32
          %dma_wait3A_82 = tpu.memref_slice %arg7[%add3A_63, %dma_wait3A_81] : memref<819200x64xf32, #tpu.memory_space<hbm>> -> memref<800x16xf32, #tpu.memory_space<hbm>>
          tpu.wait_dma2 semaphore(%run_scoped3A : memref<!tpu.dma_semaphore, #tpu.memory_space<semaphore_mem>>) src(%arg13 : memref<800x16xf32, #tpu.memory_space<vmem>>) dst(%dma_wait3A_82 : memref<800x16xf32, #tpu.memory_space<hbm>>)
          tpu.yield
        }) : () -> ()
      } else {
      }
      %jit3A_33 = arith.constant 2 : i32
      %eq3A_34 = arith.constant 0 : i32
      %eq3A_35 = arith.cmpi eq, %jit3A_33, %eq3A_34 : i32
      %jit3A_36 = arith.constant 1 : i32
      %select_n3A_37 = arith.select %eq3A_35, %jit3A_36, %jit3A_33 : i32
      %rem3A_38 = arith.remsi %scan3A_20, %select_n3A_37 : i32
      %ne3A_39 = arith.constant 0 : i32
      %ne3A_40 = arith.cmpi ne, %rem3A_38, %ne3A_39 : i32
      %lt3A_41 = arith.constant 0 : i32
      %lt3A_42 = arith.cmpi slt, %rem3A_38, %lt3A_41 : i32
      %lt3A_43 = arith.constant 0 : i32
      %lt3A_44 = arith.cmpi slt, %select_n3A_37, %lt3A_43 : i32
      %ne3A_45 = arith.xori %lt3A_42, %lt3A_44 : i1
      %and3A_46 = arith.andi %ne3A_45, %ne3A_40 : i1
      %add3A_47 = arith.addi %rem3A_38, %select_n3A_37 : i32
      %select_n3A_48 = arith.select %and3A_46, %add3A_47, %rem3A_38 : i32
      %eq3A_49 = arith.constant 1 : i32
      %eq3A_50 = arith.cmpi eq, %select_n3A_48, %eq3A_49 : i32
      %convert_element_type3A_51 = arith.extui %eq3A_50 : i1 to i32
      %cond3A_52 = arith.constant 0 : i32
      %cond3A_53 = arith.cmpi ne, %convert_element_type3A_51, %cond3A_52 : i32
      scf.if %cond3A_53 {
        %add3A_54 = arith.constant 1 : i32
        %add3A_55 = arith.addi %scan3A_20, %add3A_54 : i32
        %lt3A_56 = arith.constant 32 : i32
        %lt3A_57 = arith.cmpi slt, %add3A_55, %lt3A_56 : i32
        %convert_element_type3A_58 = arith.extui %lt3A_57 : i1 to i32
        %cond3A_59 = arith.constant 0 : i32
        %cond3A_60 = arith.cmpi ne, %convert_element_type3A_58, %cond3A_59 : i32
        scf.if %cond3A_60 {
          %add3A_75 = arith.constant 1 : i32
          %add3A_76 = arith.addi %scan3A_20, %add3A_75 : i32
          %mul3A_77 = arith.constant 800 : i32
          %mul3A_78 = arith.muli %add3A_76, %mul3A_77 : i32
          %add3A_79 = arith.addi %mul3A_2, %mul3A_78 : i32
          "tpu.region"() ({
            %run_scoped3A = tpu.sem_alloc : memref<!tpu.dma_semaphore, #tpu.memory_space<semaphore_mem>>
            %dma_start3A_92 = tpu.memref_slice %arg2[%add3A_79] : memref<819200xi32, #tpu.memory_space<hbm>> -> memref<800xi32, #tpu.memory_space<hbm>>
            %dma_start3A_93 = tpu.memref_slice %arg2[%add3A_79] : memref<819200xi32, #tpu.memory_space<hbm>> -> memref<800xi32, #tpu.memory_space<hbm>>
            tpu.enqueue_dma source(%dma_start3A_93 : memref<800xi32, #tpu.memory_space<hbm>>) target(%arg8 : memref<800xi32, #tpu.memory_space<vmem>>) target_semaphore(%run_scoped3A : memref<!tpu.dma_semaphore, #tpu.memory_space<semaphore_mem>>)
            %dma_wait3A_94 = tpu.memref_slice %arg2[%add3A_79] : memref<819200xi32, #tpu.memory_space<hbm>> -> memref<800xi32, #tpu.memory_space<hbm>>
            %dma_wait3A_95 = tpu.memref_slice %arg2[%add3A_79] : memref<819200xi32, #tpu.memory_space<hbm>> -> memref<800xi32, #tpu.memory_space<hbm>>
            tpu.wait_dma2 semaphore(%run_scoped3A : memref<!tpu.dma_semaphore, #tpu.memory_space<semaphore_mem>>) src(%dma_wait3A_95 : memref<800xi32, #tpu.memory_space<hbm>>) dst(%arg8 : memref<800xi32, #tpu.memory_space<vmem>>)
            tpu.yield
          }) : () -> ()
          %dma_start3A_80 = arith.constant 0 : i32
          %dma_start3A_81 = arith.constant 0 : i32
          %dma_start3A_82 = tpu.memref_slice %arg3[%dma_start3A_80, %dma_start3A_81] : memref<1000000x16xf32, #tpu.memory_space<hbm>> -> memref<1000000x16xf32, #tpu.memory_space<hbm>>
          tpu.enqueue_indirect_dma source(%dma_start3A_82 : memref<1000000x16xf32, #tpu.memory_space<hbm>>) target(%arg10 : memref<800x16xf32, #tpu.memory_space<vmem>>) offsets(%arg8 : memref<800xi32, #tpu.memory_space<vmem>>) semaphore(%arg18 : memref<!tpu.dma_semaphore, #tpu.memory_space<semaphore_mem>>)
          %dma_start3A_83 = arith.constant 0 : i32
          %dma_start3A_84 = arith.constant 0 : i32
          %dma_start3A_85 = tpu.memref_slice %arg4[%dma_start3A_83, %dma_start3A_84] : memref<1000000x16xf32, #tpu.memory_space<hbm>> -> memref<1000000x16xf32, #tpu.memory_space<hbm>>
          tpu.enqueue_indirect_dma source(%dma_start3A_85 : memref<1000000x16xf32, #tpu.memory_space<hbm>>) target(%arg11 : memref<800x16xf32, #tpu.memory_space<vmem>>) offsets(%arg8 : memref<800xi32, #tpu.memory_space<vmem>>) semaphore(%arg18 : memref<!tpu.dma_semaphore, #tpu.memory_space<semaphore_mem>>)
          %dma_start3A_86 = arith.constant 0 : i32
          %dma_start3A_87 = arith.constant 0 : i32
          %dma_start3A_88 = tpu.memref_slice %arg5[%dma_start3A_86, %dma_start3A_87] : memref<1000000x16xf32, #tpu.memory_space<hbm>> -> memref<1000000x16xf32, #tpu.memory_space<hbm>>
          tpu.enqueue_indirect_dma source(%dma_start3A_88 : memref<1000000x16xf32, #tpu.memory_space<hbm>>) target(%arg12 : memref<800x16xf32, #tpu.memory_space<vmem>>) offsets(%arg8 : memref<800xi32, #tpu.memory_space<vmem>>) semaphore(%arg18 : memref<!tpu.dma_semaphore, #tpu.memory_space<semaphore_mem>>)
          %dma_start3A_89 = arith.constant 0 : i32
          %dma_start3A_90 = arith.constant 0 : i32
          %dma_start3A_91 = tpu.memref_slice %arg6[%dma_start3A_89, %dma_start3A_90] : memref<1000000x16xf32, #tpu.memory_space<hbm>> -> memref<1000000x16xf32, #tpu.memory_space<hbm>>
          tpu.enqueue_indirect_dma source(%dma_start3A_91 : memref<1000000x16xf32, #tpu.memory_space<hbm>>) target(%arg13 : memref<800x16xf32, #tpu.memory_space<vmem>>) offsets(%arg8 : memref<800xi32, #tpu.memory_space<vmem>>) semaphore(%arg18 : memref<!tpu.dma_semaphore, #tpu.memory_space<semaphore_mem>>)
        } else {
        }
        %mul3A_61 = arith.constant 800 : i32
        %mul3A_62 = arith.muli %scan3A_20, %mul3A_61 : i32
        %add3A_63 = arith.addi %mul3A_2, %mul3A_62 : i32
        %dma_wait3A = arith.constant 0 : i32
        %dma_wait3A_64 = arith.constant 0 : i32
        %dma_wait3A_65 = tpu.memref_slice %arg3[%dma_wait3A, %dma_wait3A_64] : memref<1000000x16xf32, #tpu.memory_space<hbm>> -> memref<1000000x16xf32, #tpu.memory_space<hbm>>
        tpu.wait_indirect_dma semaphore(%arg19 : memref<!tpu.dma_semaphore, #tpu.memory_space<semaphore_mem>>) src(%dma_wait3A_65 : memref<1000000x16xf32, #tpu.memory_space<hbm>>) dst(%arg14 : memref<800x16xf32, #tpu.memory_space<vmem>>)
        %dma_wait3A_66 = arith.constant 0 : i32
        %dma_wait3A_67 = arith.constant 0 : i32
        %dma_wait3A_68 = tpu.memref_slice %arg4[%dma_wait3A_66, %dma_wait3A_67] : memref<1000000x16xf32, #tpu.memory_space<hbm>> -> memref<1000000x16xf32, #tpu.memory_space<hbm>>
        tpu.wait_indirect_dma semaphore(%arg19 : memref<!tpu.dma_semaphore, #tpu.memory_space<semaphore_mem>>) src(%dma_wait3A_68 : memref<1000000x16xf32, #tpu.memory_space<hbm>>) dst(%arg15 : memref<800x16xf32, #tpu.memory_space<vmem>>)
        %dma_wait3A_69 = arith.constant 0 : i32
        %dma_wait3A_70 = arith.constant 0 : i32
        %dma_wait3A_71 = tpu.memref_slice %arg5[%dma_wait3A_69, %dma_wait3A_70] : memref<1000000x16xf32, #tpu.memory_space<hbm>> -> memref<1000000x16xf32, #tpu.memory_space<hbm>>
        tpu.wait_indirect_dma semaphore(%arg19 : memref<!tpu.dma_semaphore, #tpu.memory_space<semaphore_mem>>) src(%dma_wait3A_71 : memref<1000000x16xf32, #tpu.memory_space<hbm>>) dst(%arg16 : memref<800x16xf32, #tpu.memory_space<vmem>>)
        %dma_wait3A_72 = arith.constant 0 : i32
        %dma_wait3A_73 = arith.constant 0 : i32
        %dma_wait3A_74 = tpu.memref_slice %arg6[%dma_wait3A_72, %dma_wait3A_73] : memref<1000000x16xf32, #tpu.memory_space<hbm>> -> memref<1000000x16xf32, #tpu.memory_space<hbm>>
        tpu.wait_indirect_dma semaphore(%arg19 : memref<!tpu.dma_semaphore, #tpu.memory_space<semaphore_mem>>) src(%dma_wait3A_74 : memref<1000000x16xf32, #tpu.memory_space<hbm>>) dst(%arg17 : memref<800x16xf32, #tpu.memory_space<vmem>>)
        "tpu.region"() ({
          %run_scoped3A = tpu.sem_alloc : memref<!tpu.dma_semaphore, #tpu.memory_space<semaphore_mem>>
          %dma_start3A_75 = arith.constant 0 : i32
          %dma_start3A_76 = tpu.memref_slice %arg7[%add3A_63, %dma_start3A_75] : memref<819200x64xf32, #tpu.memory_space<hbm>> -> memref<800x16xf32, #tpu.memory_space<hbm>>
          %dma_start3A_77 = arith.constant 0 : i32
          %dma_start3A_78 = tpu.memref_slice %arg7[%add3A_63, %dma_start3A_77] : memref<819200x64xf32, #tpu.memory_space<hbm>> -> memref<800x16xf32, #tpu.memory_space<hbm>>
          tpu.enqueue_dma source(%arg14 : memref<800x16xf32, #tpu.memory_space<vmem>>) target(%dma_start3A_78 : memref<800x16xf32, #tpu.memory_space<hbm>>) target_semaphore(%run_scoped3A : memref<!tpu.dma_semaphore, #tpu.memory_space<semaphore_mem>>)
          %dma_wait3A_79 = arith.constant 0 : i32
          %dma_wait3A_80 = tpu.memref_slice %arg7[%add3A_63, %dma_wait3A_79] : memref<819200x64xf32, #tpu.memory_space<hbm>> -> memref<800x16xf32, #tpu.memory_space<hbm>>
          %dma_wait3A_81 = arith.constant 0 : i32
          %dma_wait3A_82 = tpu.memref_slice %arg7[%add3A_63, %dma_wait3A_81] : memref<819200x64xf32, #tpu.memory_space<hbm>> -> memref<800x16xf32, #tpu.memory_space<hbm>>
          tpu.wait_dma2 semaphore(%run_scoped3A : memref<!tpu.dma_semaphore, #tpu.memory_space<semaphore_mem>>) src(%arg14 : memref<800x16xf32, #tpu.memory_space<vmem>>) dst(%dma_wait3A_82 : memref<800x16xf32, #tpu.memory_space<hbm>>)
          tpu.yield
        }) : () -> ()
        "tpu.region"() ({
          %run_scoped3A = tpu.sem_alloc : memref<!tpu.dma_semaphore, #tpu.memory_space<semaphore_mem>>
          %dma_start3A_75 = arith.constant 16 : i32
          %dma_start3A_76 = tpu.memref_slice %arg7[%add3A_63, %dma_start3A_75] : memref<819200x64xf32, #tpu.memory_space<hbm>> -> memref<800x16xf32, #tpu.memory_space<hbm>>
          %dma_start3A_77 = arith.constant 16 : i32
          %dma_start3A_78 = tpu.memref_slice %arg7[%add3A_63, %dma_start3A_77] : memref<819200x64xf32, #tpu.memory_space<hbm>> -> memref<800x16xf32, #tpu.memory_space<hbm>>
          tpu.enqueue_dma source(%arg15 : memref<800x16xf32, #tpu.memory_space<vmem>>) target(%dma_start3A_78 : memref<800x16xf32, #tpu.memory_space<hbm>>) target_semaphore(%run_scoped3A : memref<!tpu.dma_semaphore, #tpu.memory_space<semaphore_mem>>)
          %dma_wait3A_79 = arith.constant 16 : i32
          %dma_wait3A_80 = tpu.memref_slice %arg7[%add3A_63, %dma_wait3A_79] : memref<819200x64xf32, #tpu.memory_space<hbm>> -> memref<800x16xf32, #tpu.memory_space<hbm>>
          %dma_wait3A_81 = arith.constant 16 : i32
          %dma_wait3A_82 = tpu.memref_slice %arg7[%add3A_63, %dma_wait3A_81] : memref<819200x64xf32, #tpu.memory_space<hbm>> -> memref<800x16xf32, #tpu.memory_space<hbm>>
          tpu.wait_dma2 semaphore(%run_scoped3A : memref<!tpu.dma_semaphore, #tpu.memory_space<semaphore_mem>>) src(%arg15 : memref<800x16xf32, #tpu.memory_space<vmem>>) dst(%dma_wait3A_82 : memref<800x16xf32, #tpu.memory_space<hbm>>)
          tpu.yield
        }) : () -> ()
        "tpu.region"() ({
          %run_scoped3A = tpu.sem_alloc : memref<!tpu.dma_semaphore, #tpu.memory_space<semaphore_mem>>
          %dma_start3A_75 = arith.constant 32 : i32
          %dma_start3A_76 = tpu.memref_slice %arg7[%add3A_63, %dma_start3A_75] : memref<819200x64xf32, #tpu.memory_space<hbm>> -> memref<800x16xf32, #tpu.memory_space<hbm>>
          %dma_start3A_77 = arith.constant 32 : i32
          %dma_start3A_78 = tpu.memref_slice %arg7[%add3A_63, %dma_start3A_77] : memref<819200x64xf32, #tpu.memory_space<hbm>> -> memref<800x16xf32, #tpu.memory_space<hbm>>
          tpu.enqueue_dma source(%arg16 : memref<800x16xf32, #tpu.memory_space<vmem>>) target(%dma_start3A_78 : memref<800x16xf32, #tpu.memory_space<hbm>>) target_semaphore(%run_scoped3A : memref<!tpu.dma_semaphore, #tpu.memory_space<semaphore_mem>>)
          %dma_wait3A_79 = arith.constant 32 : i32
          %dma_wait3A_80 = tpu.memref_slice %arg7[%add3A_63, %dma_wait3A_79] : memref<819200x64xf32, #tpu.memory_space<hbm>> -> memref<800x16xf32, #tpu.memory_space<hbm>>
          %dma_wait3A_81 = arith.constant 32 : i32
          %dma_wait3A_82 = tpu.memref_slice %arg7[%add3A_63, %dma_wait3A_81] : memref<819200x64xf32, #tpu.memory_space<hbm>> -> memref<800x16xf32, #tpu.memory_space<hbm>>
          tpu.wait_dma2 semaphore(%run_scoped3A : memref<!tpu.dma_semaphore, #tpu.memory_space<semaphore_mem>>) src(%arg16 : memref<800x16xf32, #tpu.memory_space<vmem>>) dst(%dma_wait3A_82 : memref<800x16xf32, #tpu.memory_space<hbm>>)
          tpu.yield
        }) : () -> ()
        "tpu.region"() ({
          %run_scoped3A = tpu.sem_alloc : memref<!tpu.dma_semaphore, #tpu.memory_space<semaphore_mem>>
          %dma_start3A_75 = arith.constant 48 : i32
          %dma_start3A_76 = tpu.memref_slice %arg7[%add3A_63, %dma_start3A_75] : memref<819200x64xf32, #tpu.memory_space<hbm>> -> memref<800x16xf32, #tpu.memory_space<hbm>>
          %dma_start3A_77 = arith.constant 48 : i32
          %dma_start3A_78 = tpu.memref_slice %arg7[%add3A_63, %dma_start3A_77] : memref<819200x64xf32, #tpu.memory_space<hbm>> -> memref<800x16xf32, #tpu.memory_space<hbm>>
          tpu.enqueue_dma source(%arg17 : memref<800x16xf32, #tpu.memory_space<vmem>>) target(%dma_start3A_78 : memref<800x16xf32, #tpu.memory_space<hbm>>) target_semaphore(%run_scoped3A : memref<!tpu.dma_semaphore, #tpu.memory_space<semaphore_mem>>)
          %dma_wait3A_79 = arith.constant 48 : i32
          %dma_wait3A_80 = tpu.memref_slice %arg7[%add3A_63, %dma_wait3A_79] : memref<819200x64xf32, #tpu.memory_space<hbm>> -> memref<800x16xf32, #tpu.memory_space<hbm>>
          %dma_wait3A_81 = arith.constant 48 : i32
          %dma_wait3A_82 = tpu.memref_slice %arg7[%add3A_63, %dma_wait3A_81] : memref<819200x64xf32, #tpu.memory_space<hbm>> -> memref<800x16xf32, #tpu.memory_space<hbm>>
          tpu.wait_dma2 semaphore(%run_scoped3A : memref<!tpu.dma_semaphore, #tpu.memory_space<semaphore_mem>>) src(%arg17 : memref<800x16xf32, #tpu.memory_space<vmem>>) dst(%dma_wait3A_82 : memref<800x16xf32, #tpu.memory_space<hbm>>)
          tpu.yield
        }) : () -> ()
      } else {
      }
    }
    %scan3A_19 = arith.constant 32 : i32
    return
  }
}

</mosaic_0001>

<sc_bundles>
// kernel: kernel.4.cloned.1.call-start
scs
__scs_entry_jumppad:
0x0: {  	(pc) =	sbr.rel $0x88, $3  }
0x1: {  	(tag) =	ssettag $0x0;
	lr =	simm.s32 $0x1  }
0x2: {  	[smem:$0x3F9C] =	sst lr;
	_ =	strace $0xD0000000  }
0x3: {  	_ = 	snop  }
0x4: {  	_ = 	snop  }
0x5: {  	_ = 	snop  }
0x6: {  	_ = 	snop  }
0x7: {  	_ = 	snop  }
__scs_overlays_trampoline_lowered:
0x8: {  	[smem:$0x3FAB] =	sst s0  }
0x9: {  	[smem:$0x3FAC] =	sst s1  }
0xa: {  	[smem:$0x3FAD] =	sst s2  }
0xb: {  	[smem:$0x3FAE] =	sst s3  }
0xc: {  	[smem:$0x3FAF] =	sst s4  }
0xd: {  	[smem:$0x3FB0] =	sst s5  }
0xe: {  	[smem:$0x3FB1] =	sst s6  }
0xf: {  	[smem:$0x3FB2] =	sst s7  }
0x10: {  	[smem:$0x3FB3] =	sst s8  }
0x11: {  	[smem:$0x3FB4] =	sst s9;
	s0 =	simm.s32 @!p0 $0x0  }
0x12: {  	s1 =	sld [smem:$0x3F9A];
	s0 =	simm.s32 @p0 $0x1  }
0x13: {  	[smem:$0x3FB5] =	sst s0;
	s0 =	simm.s32 @!p1 $0x0  }
0x14: {  	s2 =	sld [smem:$0x3F99];
	s0 =	simm.s32 @p1 $0x1  }
0x15: {  	[smem:$0x3FB6] =	sst s0;
	s0 =	simm.s32 @!p2 $0x0  }
0x16: {  	s3 =	sld [smem:$0x3FDB];
	s0 =	simm.s32 @p2 $0x1  }
0x17: {  	s4 =	simm.s32 $0x1BF5;
	[smem:$0x3FB8] =	sst s0  }
0x18: {  	s0 =	sld [smem:$0x3F9B];
	_ =	swait.ge [sflag:s4], $0x0  }
0x19: {  	s7 =	sld [smem:$0x3F9C]  }
0x1a: {  	s8 =	sadd.s32 $0xFFFFE003, lr  }
0x1b: {  	s9 =	sadd.s32 $0xFFFFFEF7, lr;
	s5 =	simm.s32 $0xFFFFFFFF;
	p2 =	slt.u32 s8, $0xFFFFF086  }
0x1c: {  	p1 =	slt.u32 s9, $0xF7A;
	s5 =	simm.s32 @!p2 $0x0  }
0x1d: {  	s5 =	simm.s32 @p1 $0x1;
	p0 =	seq.s32 s7, s2  }
0x1e: {  	s7 =	smul.u32 @!p0 $0xF7A, s2;
	p2 =	seq.s32 @!p0 s5, $0x0  }
0x1f: {  	s9 =	smul.u32 $0xF7A, s1;
	s8 =	simm.s32 @!p0 $0x1BF5;
	p2 =	por !p2, p0  }
0x20: {  	[sflag:s8] =	ssyncset.s32 @!p0 $0xFFFFF086;
	s6 =	sadd.s32 @!p0 s3, s7;
	s7 =	simm.s32 @!p0 $0x108  }
0x21: {  	s3 =	sadd.s32 s3, s9;
	s6 =	sadd.s32 @!p0 $0x88, s6;
	s7 =	simm.s32 @p2 $0x1082  }
0x22: {  	[simem:s7], [sflag:s8] =	dma.local @!p0 [hbm:s6], $0xF7A  }
0x23: {  	s9 =	sor.u32 $0xD0000000, s2;
	s6 =	simm.s32 $0x108;
	_ =	swait.ge @!p0 [sflag:s8], $0x0  }
0x24: {  	s3 =	sadd.s32 $0x88, s3;
	s6 =	simm.s32 @!p1 $0x1082;
	[sflag:s4] =	ssyncset.s32 $0xFFFFF086  }
0x25: {  	[simem:s6], [sflag:s4] =	dma.local [hbm:s3], $0xF7A  }
0x26: {  	[smem:$0x3F9C] =	sst s1;
	(tag) =	ssettag s2;
	_ =	strace s9  }
0x27: {  	s1 =	sld [smem:$0x3FAC]  }
0x28: {  	s2 =	sld [smem:$0x3FAD]  }
0x29: {  	s4 =	sld [smem:$0x3FAF]  }
0x2a: {  	p0 =	seq.s32 s5, $0x0;
	s5 =	sld [smem:$0x3FB0]  }
0x2b: {  	s6 =	sld [smem:$0x3FB1]  }
0x2c: {  	s7 =	sld [smem:$0x3FB2]  }
0x2d: {  	s3 =	simm.s32 $0x108;
	s8 =	sld [smem:$0x3FB3]  }
0x2e: {  	s3 =	simm.s32 @!p0 $0x1082;
	s9 =	sld [smem:$0x3FB4]  }
0x2f: {  	lr =	sadd.s32 s0, s3;
	s0 =	sld [smem:$0x3FAB]  }
0x30: {  	s3 =	sld [smem:$0x3FAE]  }
0x31: {  	[smem:$0x3FB7] =	sst s10  }
0x32: {  	s10 =	sld [smem:$0x3FB5];
	_ =	sdelay $0x3  }
0x33: {  	p0 =	seq.s32 s10, $0x1;
	s10 =	sld [smem:$0x3FB7];
	_ =	sdelay $0x3  }
0x34: {  	[smem:$0x3FB7] =	sst s10  }
0x35: {  	s10 =	sld [smem:$0x3FB6];
	_ =	sdelay $0x3  }
0x36: {  	p1 =	seq.s32 s10, $0x1;
	s10 =	sld [smem:$0x3FB7];
	_ =	sdelay $0x3  }
0x37: {  	[smem:$0x3FB7] =	sst s10  }
0x38: {  	s10 =	sld [smem:$0x3FB8]  }
0x39: {  	_ = 	snop;
	(pc) =	sbr.ind lr, $3  }
0x3a: {  	_ = 	snop  }
0x3b: {  	_ = 	snop  }
0x3c: {  	p2 =	seq.s32 s10, $0x1;
	s10 =	sld [smem:$0x3FB7]  }
0x3d: {  	_ =	shalt  }
0x3e: {  	_ =	shalt  }
0x3f: {  	_ =	shalt  }
0x40: {  	_ =	shalt  }
0x41: {  	_ =	shalt  }
0x42: {  	_ =	shalt  }
0x43: {  	_ =	shalt  }
0x44: {  	_ =	shalt  }
0x45: {  	_ =	shalt  }
0x46: {  	_ =	shalt  }
0x47: {  	_ =	shalt  }
0x48: {  	_ =	shalt  }
0x49: {  	_ =	shalt  }
0x4a: {  	_ =	shalt  }
0x4b: {  	_ =	shalt  }
0x4c: {  	_ =	shalt  }
0x4d: {  	_ =	shalt  }
0x4e: {  	_ =	shalt  }
0x4f: {  	_ =	shalt  }
0x50: {  	_ =	shalt  }
0x51: {  	_ =	shalt  }
0x52: {  	_ =	shalt  }
0x53: {  	_ =	shalt  }
0x54: {  	_ =	shalt  }
0x55: {  	_ =	shalt  }
0x56: {  	_ =	shalt  }
0x57: {  	_ =	shalt  }
0x58: {  	_ =	shalt  }
0x59: {  	_ =	shalt  }
0x5a: {  	_ =	shalt  }
0x5b: {  	_ =	shalt  }
0x5c: {  	_ =	shalt  }
0x5d: {  	_ =	shalt  }
0x5e: {  	_ =	shalt  }
0x5f: {  	_ =	shalt  }
0x60: {  	_ =	shalt  }
0x61: {  	_ =	shalt  }
0x62: {  	_ =	shalt  }
0x63: {  	_ =	shalt  }
0x64: {  	_ =	shalt  }
0x65: {  	_ =	shalt  }
0x66: {  	_ =	shalt  }
0x67: {  	_ =	shalt  }
0x68: {  	_ =	shalt  }
0x69: {  	_ =	shalt  }
0x6a: {  	_ =	shalt  }
0x6b: {  	_ =	shalt  }
0x6c: {  	_ =	shalt  }
0x6d: {  	_ =	shalt  }
0x6e: {  	_ =	shalt  }
0x6f: {  	_ =	shalt  }
0x70: {  	_ =	shalt  }
0x71: {  	_ =	shalt  }
0x72: {  	_ =	shalt  }
0x73: {  	_ =	shalt  }
0x74: {  	_ =	shalt  }
0x75: {  	_ =	shalt  }
0x76: {  	_ =	shalt  }
0x77: {  	_ =	shalt  }
0x78: {  	_ =	shalt  }
0x79: {  	_ =	shalt  }
0x7a: {  	_ =	shalt  }
0x7b: {  	_ =	shalt  }
0x7c: {  	_ =	shalt  }
0x7d: {  	_ =	shalt  }
0x7e: {  	_ =	shalt  }
0x7f: {  	_ =	shalt  }
0x80: {  	_ =	shalt  }
0x81: {  	_ =	shalt  }
0x82: {  	_ =	shalt  }
0x83: {  	_ =	shalt  }
0x84: {  	_ =	shalt  }
0x85: {  	_ =	shalt  }
0x86: {  	_ =	shalt  }
0x87: {  	_ =	shalt  }
.Lfunc_end0:
.L_simem_size_0:
called_computation.1_lowered:
.L_overlay_start_0:
0x88: {  	s2 =	sld [smem:$0x3FD9]  }
0x89: {  	s3 =	sld [smem:$0x3FFE];
	_ =	sdelay $0x1  }
0x8a: {  	s1 =	srdreg.scid  }
0x8b: {  	s0 =	sand.u32 $0x1, s1  }
0x8c: {  	s17 =	sshll.u32 s0, $0xA;
	s2 =	sadd.s32 s3, s2  }
0x8d: {  	s2 =	sadd.s32 s2, s17  }
0x8e: {  	[smem:$0x3FC3] =	sst s2  }
0x8f: {  	_ = 	snop  }
0x90: {  	s2 =	sld [smem:$0x3FC8]  }
0x91: {  	s18 =	sld [smem:$0x3FC7]  }
0x92: {  	s4 =	sld [smem:$0x3FC6]  }
0x93: {  	s5 =	sld [smem:$0x3FC5]  }
0x94: {  	s6 =	sld [smem:$0x3FD0];
	(tm) =	ssettm $0x1  }
0x95: {  	s7 =	sld [smem:$0x3FFB];
	_ =	sdelay $0x3  }
0x96: {  	_ =	strace s7  }
0x97: {  	s7 =	sld [smem:$0x3FFC];
	_ =	sdelay $0x3  }
0x98: {  	_ =	strace s7  }
0x99: {  	s7 =	sld [smem:$0x3FFD];
	_ =	sdelay $0x3  }
0x9a: {  	_ =	strace s7  }
0x9b: {  	_ =	strace $0x8FFFFFFF  }
0x9c: {  	s19 =	sld [smem:$0x3FDB];
	_ =	sdelay $0x1  }
0x9d: {  	s8 =	simm.s32 $_scs_section_size  }
0x9e: {  	s9 =	simm.s32 $_size__tile_overlayer_lowered;
	s10 =	simm.s32 $_tile_overlayer_lowered  }
0x9f: {  	s22 =	simm.s32 $0x1BFF;
	s21 =	sshll.u32 s10, $0x1;
	s7 =	sadd.s32 s8, s19  }
0xa0: {  	s11 =	simm.s32 $0x0;
	s20 =	sshll.u32 s9, $0x1;
	s9 =	sadd.s32 s21, s7  }
0xa1: {  	[timem:s11], [sflag:s22] =	dma.local [hbm:s9], s20  }
0xa2: {  	_ =	swait.ge [sflag:s22], s20  }
0xa3: {  	s8 =	ssub.s32 $0x0, s20;
	[sflag:s22] =	ssyncset.done $0x0  }
0xa4: {  	[sflag:s22] =	ssyncadd.s32 s8;
	_ =	sdelay $0x1  }
0xa5: {  	s23 =	simm.s32 $0x1B8B  }
0xa6: {  	_ =	swait.ge [sflag:s23], $0x1  }
0xa7: {  	[sflag:s23] =	ssyncset.done $0x0  }
0xa8: {  	s25 =	simm.s32 $0x1B8E;
	s24 =	sld [smem:$0x3FFE];
	[sflag:s23] =	ssyncadd.s32 $0xFFFFFFFF  }
0xa9: {  	s26 =	simm.s32 $execute0_lowered;
	[smem:$0x3FD2] =	sst s25  }
0xaa: {  	s9 =	sshll.u32 s26, $0x1;
	_ =	strace $0x80000046;
	[dreg:$0x1] =	wrdreg $0xFFFFFFFF  }
0xab: {  	s28 =	simm.s32 $_size_execute0_lowered;
	s7 =	sadd.s32 s7, s9;
	[dreg:$0x0] =	wrdreg $0x0  }
0xac: {  	s9 =	sshll.u32 s28, $0x1;
	[dreg:$0x2] =	wrdreg s7  }
0xad: {  	[dreg:$0x3] =	wrdreg s9  }
0xae: {  	[dreg:$0x4] =	wrdreg $0xC0  }
0xaf: {  	_ =	task [dreg:s11], $0x5FFFF  }
0xb0: {  	[dreg:$0x1] =	wrdreg $0xFFFFFFFF  }
0xb1: {  	[dreg:$0x0] =	wrdreg $0x60  }
0xb2: {  	[dreg:$0x2] =	wrdreg s2  }
0xb3: {  	[dreg:$0x3] =	wrdreg s18  }
0xb4: {  	[dreg:$0x4] =	wrdreg s4  }
0xb5: {  	[dreg:$0x5] =	wrdreg s5  }
0xb6: {  	[dreg:$0x6] =	wrdreg s6  }
0xb7: {  	[dreg:$0x7] =	wrdreg s24  }
0xb8: {  	[dreg:$0x8] =	wrdreg $0x9  }
0xb9: {  	_ =	task.clear_ibuf [dreg:s11], $0x9FFFF;
	_ =	strace $0x90000046  }
0xba: {  	s29 =	simm.s32 $0x9;
	_ =	strace $0x80000048  }
0xbb: {  	_ =	swait.ge [sflag:s29], $0x1  }
0xbc: {  	[sflag:s29] =	ssyncadd.s32 $0xFFFFFFFF  }
0xbd: {  	_ =	strace $0x90000048  }
0xbe: {  	_ =	sfence  }
0xbf: {  	s30 =	sld [smem:$0x0];
	_ =	sdelay $0x2  }
0xc0: {  	s31 =	sshll.u32 s1, $0xD;
	s1 =	sshrl.u32 s1, $0x2  }
0xc1: {  	s3 =	sand.u32 $0x4000, s31;
	s1 =	sadd.s32 s1, s30  }
0xc2: {  	s0 =	sor.u32 s3, s0;
	s1 =	sshll.u32 s1, $0x11  }
0xc3: {  	s0 =	sor.u32 s1, s0  }
0xc4: {  	s0 =	sadd.s32 $0x8F2B, s0  }
0xc5: {  	[sflag:s0] =	ssyncadd.remote.s32 $0x1  }
0xc6: {  	_ =	sfence.sel $0xFFFF  }
0xc7: {  	[dreg:$0x0] =	wrdreg $0xFFFFFFFF;
	(pc) =	sbr.abs _section_cstart, $3  }
0xc8: {  	[dreg:$0x1] =	wrdreg $0xFFFFFFFF  }
0xc9: {  	_ =	task.clear_ibuf [dreg:s11], $0x2FFFF;
	_ =	strace $0x9FFFFFFF  }
0xca: {  	(tm) =	ssettm $0x7FFFFFFF  }
0xcb: {  	_ =	shalt  }
tec
execute0_lowered:
.L_overlay_start_1:
0x0: {  	(tag) =	ssettag $0x1  }
0x1: {  	s29 =	rddreg [dreg:$0x0]  }
0x2: {  	s30 =	rddreg [dreg:$0x1]  }
0x3: {  	s1 =	rddreg [dreg:$0x2]  }
0x4: {  	s2 =	rddreg [dreg:$0x3]  }
0x5: {  	s0 =	rddreg [dreg:$0x5]  }
0x6: {  	s6 =	simm.s32 $0x0;
	s5 =	srdreg.scid;
	s16 =	stileid.u32  }
0x7: {  	s31 =	simm.s32 $0x1;
	[smem:$0x7FF] =	sst s6;
	s3 =	sadd.s32 $0x1600, s0  }
0x8: {  	s15 =	sadd.s32 $0x1400, s0;
	s4 =	sadd.s32 $0x1200, s0;
	s5 =	sand.u32 $0x1, s5  }
0x9: {  	s7 =	sshll.u32 s16, $0x1;
	s11 =	sadd.s32 $0x1800, s0;
	s12 =	sadd.s32 $0x1E9E00, s0  }
0xa: {  	s13 =	sadd.s32 $0x3D2400, s0;
	_ =	strace $0x80000047;
	[dreg:$0x7] =	wrdreg s3  }
0xb: {  	s14 =	sadd.s32 $0x5BAA00, s0;
	p0 =	slt.u32 s16, $0x2;
	[dreg:$0x8] =	wrdreg s15  }
0xc: {  	s16 =	simm.s32 $0xF5;
	s20 =	sadd.s32 $0x1E9C00, s0;
	[dreg:$0x9] =	wrdreg s4  }
0xd: {  	s21 =	sadd.s32 $0x3D2200, s0;
	s22 =	sadd.s32 $0x5BA800, s0;
	[dreg:$0xf] =	wrdreg s20  }
0xe: {  	s0 =	sadd.s32 $0x7A2E00, s0;
	s7 =	sor.u32 s5, s7;
	[dreg:$0x10] =	wrdreg s21  }
0xf: {  	v0 =	vimm.s32 $0xB80;
	vm0 =	vcmask $0x300;
	s5 =	ssub.s32 $0x2, s5;
	s16 =	simm.s32 @!p0 $0xF4;
	[dreg:$0x12] =	wrdreg s22  }
0x10: {  	vm14 =	vcmask $0x704;
	v0 =	vsel vm0, $0x0, v0;
	s4 =	simm.s32 $0x4;
	[dreg:$0x13] =	wrdreg s0;
	s22 =	simm.s32 $0x5000  }
0x11: {  	vm15 =	vcmask $0xB08;
	v0 =	vsel vm14, $0x80, v0;
	s8 =	smul.u32 $0xF4, s7;
	s9 =	sshrl.u32 s5, $0x1;
	s19 =	sand.u32 $0x1, s16  }
0x12: {  	vm4 =	vcmask $0xF0C;
	s10 =	smin.u32 s7, $0x4;
	v0 =	vsel vm15, $0x100, v0;
	s5 =	ssub.s32 s5, s9;
	p0 =	seq.s32 s19, $0x1  }
0x13: {  	vm5 =	vcmask $0x1310;
	s9 =	simm.s32 $0x3;
	v0 =	vsel vm4, $0x180, v0;
	s15 =	sadd.s32 s10, s8;
	s4 =	simm.s32 @!p0 $0x3  }
0x14: {  	vm6 =	vcmask $0x1714;
	s9 =	simm.s32 @!p0 $0x4;
	p0 =	sne.s32 s7, $0x0;
	v0 =	vsel vm5, $0x200, v0;
	[dreg:$0xc] =	wrdreg s4  }
0x15: {  	vm7 =	vcmask $0x1B18;
	s23 =	smax.u32 s5, $0x1;
	s8 =	sshll.u32 s15, $0x7;
	[dreg:$0xd] =	wrdreg s9;
	v0 =	vsel vm6, $0x280, v0  }
0x16: {  	vm8 =	vcmask $0x1F1C;
	s5 =	simm.s32 $0x1000;
	[dreg:$0x14] =	wrdreg s23;
	s17 =	sadd.s32 s29, s8;
	v0 =	vsel vm7, $0x300, v0  }
0x17: {  	vm9 =	vcmask $0x2320;
	s7 =	simm.s32 $0x2000;
	s18 =	sadd.s32 s30, s8;
	[dreg:$0xa] =	wrdreg s17;
	v0 =	vsel vm8, $0x380, v0  }
0x18: {  	vm10 =	vcmask $0x2724;
	s10 =	simm.s32 $0x4000;
	s1 =	sadd.s32 s1, s8;
	[dreg:$0xb] =	wrdreg s18;
	v0 =	vsel vm9, $0x800, v0  }
0x19: {  	vm11 =	vcmask $0x2B28;
	s4 =	smov.u32 s2;
	s2 =	sadd.s32 s2, s8;
	[dreg:$0xe] =	wrdreg s1;
	v0 =	vsel vm10, $0x880, v0  }
.Ltmp0:
0x1a: {  	vm12 =	vcmask $0x2F2C;
	s24 =	sadd.s32 $0xF4280, s17;
	[dreg:$0x11] =	wrdreg s2;
	v0 =	vsel vm11, $0x900, v0;
	(pc) =	sbr.rel .LBB2_1-.Ltmp0, $4  }
0x1b: {  	vm13 =	vcmask $0x3330;
	s9 =	simm.s32 $0x2;
	s25 =	sadd.s32 $0xF4280, s18;
	[dreg:$0x15] =	wrdreg s24;
	v0 =	vsel vm12, $0x980, v0  }
0x1c: {  	vm14 =	vcmask $0x3734;
	s23 =	simm.s32 $0x6000;
	s26 =	sadd.s32 $0xF4280, s1;
	[dreg:$0x16] =	wrdreg s25;
	v0 =	vsel vm13, $0xA00, v0  }
0x1d: {  	vm15 =	vcmask $0x3B38;
	s8 =	simm.s32 $0x3000;
	s28 =	sadd.s32 $0xF4280, s2;
	[dreg:$0x17] =	wrdreg s26;
	v0 =	vsel vm14, $0xA80, v0  }
0x1e: {  	s1 =	simm.s32 $0x0;
	[dreg:$0x18] =	wrdreg s28;
	s25 =	simm.s32 $0x7000;
	v0 =	vsel vm15, $0xB00, v0  }
.LBB2_10:
0x1f: {  	s0 =	rddreg [dreg:$0xc]  }
0x20: {  	_ =	swait.ge [sflag:s0], $0x800  }
0x21: {  	[sflag:s0] =	ssyncset.done $0x0  }
0x22: {  	[sflag:s0] =	ssyncadd.s32 $0xFFFFF800  }
0x23: {  	_ =	swait.ge [sflag:s0], $0x800  }
0x24: {  	[sflag:s0] =	ssyncset.done $0x0  }
0x25: {  	[sflag:s0] =	ssyncadd.s32 $0xFFFFF800  }
0x26: {  	_ =	swait.ge [sflag:s0], $0x800  }
0x27: {  	[sflag:s0] =	ssyncset.done $0x0  }
0x28: {  	[sflag:s0] =	ssyncadd.s32 $0xFFFFF800  }
0x29: {  	_ =	swait.ge [sflag:s0], $0x800  }
0x2a: {  	[sflag:s0] =	ssyncset.done $0x0  }
0x2b: {  	s24 =	rddreg [dreg:$0xd];
	[sflag:s0] =	ssyncadd.s32 $0xFFFFF800  }
0x2c: {  	_ =	swait.ge [sflag:s24], $0x800  }
0x2d: {  	[sflag:s24] =	ssyncset.done $0x0  }
0x2e: {  	[sflag:s24] =	ssyncadd.s32 $0xFFFFF800  }
0x2f: {  	_ =	swait.ge [sflag:s24], $0x800  }
0x30: {  	[sflag:s24] =	ssyncset.done $0x0  }
0x31: {  	[sflag:s24] =	ssyncadd.s32 $0xFFFFF800  }
0x32: {  	_ =	swait.ge [sflag:s24], $0x800  }
0x33: {  	[sflag:s24] =	ssyncset.done $0x0  }
0x34: {  	[sflag:s24] =	ssyncadd.s32 $0xFFFFF800  }
0x35: {  	_ =	swait.ge [sflag:s24], $0x800  }
0x36: {  	[sflag:s24] =	ssyncset.done $0x0  }
0x37: {  	s1 =	simm.s32 @!p0 $0xC000;
	[sflag:s24] =	ssyncadd.s32 $0xFFFFF800  }
0x38: {  	s17 =	simm.s32 @!p0 $0x5;
	s0 =	simm.s32 @!p0 $0x0;
	s2 =	rddreg [dreg:$0x4]  }
0x39: {  	[tilespmem:s1], [sflag:$0x5] =	stream.linear.gather @!p0 [hbm4b:s2+s0], $0x400, $0x38;
	[tilespmem:$0xC400] =	vst v63  }
0x3a: {  	_ =	swait.ge @!p0 [sflag:s17], $0x400  }
0x3b: {  	[sflag:s17] =	ssyncset.done @!p0 $0x0  }
0x3c: {  	s2 =	rddreg [dreg:$0xf];
	[sflag:s17] =	ssyncadd.s32 @!p0 $0xFFFFFC00  }
0x3d: {  	[hbm4b:s2+s0] =	stream.linear.scatter @!p0 [tilespmem:s1], [sflag:$0x5], $0x400, $0x38;
	[tilespmem:$0xC400] =	vst v63  }
0x3e: {  	_ =	swait.ge @!p0 [sflag:s17], $0x400  }
0x3f: {  	[sflag:s17] =	ssyncset.done @!p0 $0x0  }
0x40: {  	s2 =	rddreg [dreg:$0x7];
	[sflag:s17] =	ssyncadd.s32 @!p0 $0xFFFFFC00  }
0x41: {  	[tilespmem:s1], [sflag:$0x5] =	stream.linear.gather @!p0 [hbm4b:s2+s0], $0x400, $0x38;
	[tilespmem:$0xC400] =	vst v63  }
0x42: {  	_ =	swait.ge @!p0 [sflag:s17], $0x400  }
0x43: {  	[sflag:s17] =	ssyncset.done @!p0 $0x0  }
0x44: {  	s2 =	rddreg [dreg:$0x10];
	[sflag:s17] =	ssyncadd.s32 @!p0 $0xFFFFFC00  }
0x45: {  	[hbm4b:s2+s0] =	stream.linear.scatter @!p0 [tilespmem:s1], [sflag:$0x5], $0x400, $0x38;
	[tilespmem:$0xC400] =	vst v63  }
0x46: {  	_ =	swait.ge @!p0 [sflag:s17], $0x400  }
0x47: {  	[sflag:s17] =	ssyncset.done @!p0 $0x0  }
0x48: {  	s2 =	rddreg [dreg:$0x8];
	[sflag:s17] =	ssyncadd.s32 @!p0 $0xFFFFFC00  }
0x49: {  	[tilespmem:s1], [sflag:$0x5] =	stream.linear.gather @!p0 [hbm4b:s2+s0], $0x400, $0x38;
	[tilespmem:$0xC400] =	vst v63  }
0x4a: {  	_ =	swait.ge @!p0 [sflag:s17], $0x400  }
0x4b: {  	[sflag:s17] =	ssyncset.done @!p0 $0x0  }
0x4c: {  	s2 =	rddreg [dreg:$0x12];
	[sflag:s17] =	ssyncadd.s32 @!p0 $0xFFFFFC00  }
0x4d: {  	[hbm4b:s2+s0] =	stream.linear.scatter @!p0 [tilespmem:s1], [sflag:$0x5], $0x400, $0x38;
	[tilespmem:$0xC400] =	vst v63  }
0x4e: {  	_ =	swait.ge @!p0 [sflag:s17], $0x400  }
0x4f: {  	[sflag:s17] =	ssyncset.done @!p0 $0x0  }
0x50: {  	s2 =	rddreg [dreg:$0x9];
	[sflag:s17] =	ssyncadd.s32 @!p0 $0xFFFFFC00  }
0x51: {  	[tilespmem:s1], [sflag:$0x5] =	stream.linear.gather @!p0 [hbm4b:s2+s0], $0x400, $0x38;
	[tilespmem:$0xC400] =	vst v63  }
0x52: {  	_ =	swait.ge @!p0 [sflag:s17], $0x400  }
0x53: {  	[sflag:s17] =	ssyncset.done @!p0 $0x0  }
0x54: {  	s2 =	rddreg [dreg:$0x13];
	[sflag:s17] =	ssyncadd.s32 @!p0 $0xFFFFFC00  }
0x55: {  	[hbm4b:s2+s0] =	stream.linear.scatter @!p0 [tilespmem:s1], [sflag:$0x5], $0x400, $0x38;
	[tilespmem:$0xC400] =	vst v63  }
0x56: {  	_ =	swait.ge @!p0 [sflag:s17], $0x400  }
0x57: {  	s26 =	rddreg [dreg:$0x19]  }
0x58: {  	s28 =	rddreg [dreg:$0x14];
	s1 =	sadd.s32 $0x1, s26  }
0x59: {  	p1 =	sne.s32 s1, s28  }
.Ltmp1:
0x5a: {  	_ = 	snop;
	(pc) =	sbr.rel @!p1 .LBB2_11-.Ltmp1, $3  }
0x5b: {  	_ =	sdelay $0x1  }
0x5c: {  	[sflag:s17] =	ssyncset.done @!p0 $0x0  }
0x5d: {  	[sflag:s17] =	ssyncadd.s32 @!p0 $0xFFFFFC00  }
.LBB2_1:
0x5e: {  	[dreg:$0x19] =	wrdreg s1  }
0x5f: {  	s0 =	rddreg [dreg:$0xa]  }
0x60: {  	[tilespmem:s6], [sflag:$0x1] =	stream.linear.gather [hbm4b:s0+s6], $0x400, $0x38;
	[tilespmem:$0xC400] =	vst v63  }
0x61: {  	s1 =	rddreg [dreg:$0x15];
	s2 =	simm.s32 $0x800  }
0x62: {  	[tilespmem:s2], [sflag:$0x1] =	stream.linear.gather [hbm4b:s1+s6], $0x400, $0x38;
	[tilespmem:$0xC400] =	vst v63  }
0x63: {  	s3 =	rddreg [dreg:$0xb]  }
0x64: {  	[tilespmem:s5], [sflag:$0x1] =	stream.linear.gather [hbm4b:s3+s6], $0x400, $0x38;
	[tilespmem:$0xC400] =	vst v63  }
0x65: {  	s17 =	rddreg [dreg:$0x16];
	s18 =	simm.s32 $0x1800  }
0x66: {  	[tilespmem:s18], [sflag:$0x1] =	stream.linear.gather [hbm4b:s17+s6], $0x400, $0x38;
	[tilespmem:$0xC400] =	vst v63  }
0x67: {  	s19 =	rddreg [dreg:$0xe]  }
0x68: {  	[tilespmem:s7], [sflag:$0x1] =	stream.linear.gather [hbm4b:s19+s6], $0x400, $0x38;
	[tilespmem:$0xC400] =	vst v63  }
0x69: {  	s20 =	rddreg [dreg:$0x17];
	s21 =	simm.s32 $0x2800  }
0x6a: {  	[tilespmem:s21], [sflag:$0x1] =	stream.linear.gather [hbm4b:s20+s6], $0x400, $0x38;
	[tilespmem:$0xC400] =	vst v63  }
.Ltmp2:
0x6b: {  	_ = 	snop;
	(pc) =	sbr.rel .LBB2_2-.Ltmp2, $4  }
0x6c: {  	s24 =	rddreg [dreg:$0x11]  }
0x6d: {  	[tilespmem:s8], [sflag:$0x1] =	stream.linear.gather [hbm4b:s24+s6], $0x400, $0x38;
	[tilespmem:$0xC400] =	vst v63  }
0x6e: {  	s26 =	rddreg [dreg:$0x18];
	s28 =	simm.s32 $0x3800;
	s24 =	simm.s32 $0x0  }
0x6f: {  	[tilespmem:s28], [sflag:$0x1] =	stream.linear.gather [hbm4b:s26+s6], $0x400, $0x38;
	[tilespmem:$0xC400] =	vst v63  }
.LBB2_9:
0x70: {  	p1 =	sne.s32 s0, s16  }
.Ltmp3:
0x71: {  	_ = 	snop;
	(pc) =	sbr.rel @!p1 .LBB2_10-.Ltmp3, $2  }
0x72: {  	_ =	sdelay $0x2  }
0x73: {  	s24 =	smov.u32 s0  }
.LBB2_2:
0x74: {  	s17 =	sand.u32 $0x1, s24  }
0x75: {  	p1 =	seq.s32 s17, $0x1  }
.Ltmp4:
0x76: {  	_ = 	snop;
	(pc) =	sbr.rel @p1 .LBB2_6-.Ltmp4, $1  }
0x77: {  	_ =	sdelay $0x3  }
0x78: {  	s0 =	sor.u32 $0x1, s24  }
0x79: {  	p1 =	sge.u32 s0, s16  }
0x7a: {  	s18 =	sadd.s32 @!p1 s15, s0  }
0x7b: {  	s18 =	sshll.u32 @!p1 s18, $0x7  }
0x7c: {  	s18 =	sand.u32 @!p1 $0x1FFFFF80, s18  }
0x7d: {  	s20 =	simm.s32 @!p1 $0x0;
	s21 =	simm.s32 @!p1 $0x4000;
	s19 =	sadd.s32 @!p1 s29, s18  }
0x7e: {  	[tilespmem:s21], [sflag:$0x2] =	stream.linear.gather @!p1 [hbm4b:s19+s20], $0x400, $0x38;
	[tilespmem:$0xC400] =	vst v63  }
0x7f: {  	s19 =	sadd.s32 @!p1 $0xF4280, s19;
	s21 =	simm.s32 @!p1 $0x4800  }
0x80: {  	[tilespmem:s21], [sflag:$0x2] =	stream.linear.gather @!p1 [hbm4b:s19+s20], $0x400, $0x38;
	[tilespmem:$0xC400] =	vst v63  }
0x81: {  	s19 =	sadd.s32 @!p1 s30, s18;
	s21 =	simm.s32 @!p1 $0x5000  }
0x82: {  	[tilespmem:s21], [sflag:$0x2] =	stream.linear.gather @!p1 [hbm4b:s19+s20], $0x400, $0x38;
	[tilespmem:$0xC400] =	vst v63  }
0x83: {  	s1 =	rddreg [dreg:$0x2];
	s19 =	sadd.s32 @!p1 $0xF4280, s19;
	s21 =	simm.s32 @!p1 $0x5800  }
0x84: {  	[tilespmem:s21], [sflag:$0x2] =	stream.linear.gather @!p1 [hbm4b:s19+s20], $0x400, $0x38;
	[tilespmem:$0xC400] =	vst v63  }
0x85: {  	s19 =	sadd.s32 @!p1 s1, s18;
	s21 =	simm.s32 @!p1 $0x6000  }
0x86: {  	[tilespmem:s21], [sflag:$0x2] =	stream.linear.gather @!p1 [hbm4b:s19+s20], $0x400, $0x38;
	[tilespmem:$0xC400] =	vst v63  }
0x87: {  	s19 =	sadd.s32 @!p1 $0xF4280, s19;
	s21 =	simm.s32 @!p1 $0x6800  }
0x88: {  	[tilespmem:s21], [sflag:$0x2] =	stream.linear.gather @!p1 [hbm4b:s19+s20], $0x400, $0x38;
	[tilespmem:$0xC400] =	vst v63  }
0x89: {  	s18 =	sadd.s32 @!p1 s4, s18;
	s19 =	simm.s32 @!p1 $0x7000  }
0x8a: {  	[tilespmem:s19], [sflag:$0x2] =	stream.linear.gather @!p1 [hbm4b:s18+s20], $0x400, $0x38;
	[tilespmem:$0xC400] =	vst v63  }
0x8b: {  	s18 =	sadd.s32 @!p1 $0xF4280, s18;
	s19 =	simm.s32 @!p1 $0x7800  }
0x8c: {  	[tilespmem:s19], [sflag:$0x2] =	stream.linear.gather @!p1 [hbm4b:s18+s20], $0x400, $0x38;
	[tilespmem:$0xC400] =	vst v63  }
0x8d: {  	_ =	swait.ge [sflag:s31], $0x800  }
0x8e: {  	[sflag:s31] =	ssyncset.done $0x0  }
0x8f: {  	[sflag:s31] =	ssyncadd.s32 $0xFFFFF800  }
0x90: {  	_ =	swait.ge [sflag:s31], $0x800  }
0x91: {  	[sflag:s31] =	ssyncset.done $0x0  }
0x92: {  	[sflag:s31] =	ssyncadd.s32 $0xFFFFF800  }
0x93: {  	_ =	swait.ge [sflag:s31], $0x800  }
0x94: {  	[sflag:s31] =	ssyncset.done $0x0  }
0x95: {  	[sflag:s31] =	ssyncadd.s32 $0xFFFFF800  }
0x96: {  	_ =	swait.ge [sflag:s31], $0x800  }
0x97: {  	p1 =	slt.u32 s24, $0x2;
	[sflag:s31] =	ssyncset.done $0x0  }
0x98: {  	s18 =	simm.s32 @!p1 $0x3;
	[sflag:s31] =	ssyncadd.s32 $0xFFFFF800  }
0x99: {  	_ =	swait.ge @!p1 [sflag:s18], $0x800  }
0x9a: {  	[sflag:s18] =	ssyncset.done @!p1 $0x0  }
0x9b: {  	[sflag:s18] =	ssyncadd.s32 @!p1 $0xFFFFF800  }
0x9c: {  	_ =	swait.ge @!p1 [sflag:s18], $0x800  }
0x9d: {  	[sflag:s18] =	ssyncset.done @!p1 $0x0  }
0x9e: {  	[sflag:s18] =	ssyncadd.s32 @!p1 $0xFFFFF800  }
0x9f: {  	s21 =	simm.s32 $0x0;
	_ =	swait.ge @!p1 [sflag:s18], $0x800  }
0xa0: {  	s26 =	simm.s32 $0x1;
	v6 =	vor.u32 s21, v0;
	[sflag:s18] =	ssyncset.done @!p1 $0x0  }
0xa1: {  	v3 =	vor.u32 s26, v0;
	s1 =	simm.s32 $0x2;
	[sflag:s18] =	ssyncadd.s32 @!p1 $0xFFFFF800  }
0xa2: {  	v4 =	vor.u32 s1, v0;
	s20 =	simm.s32 $0x3;
	_ =	swait.ge @!p1 [sflag:s18], $0x800  }
0xa3: {  	s21 =	simm.s32 $0x4;
	v5 =	vor.u32 s20, v0;
	[sflag:s18] =	ssyncset.done @!p1 $0x0  }
0xa4: {  	s26 =	simm.s32 $0x5;
	v7 =	vor.u32 s21, v0;
	[sflag:s18] =	ssyncadd.s32 @!p1 $0xFFFFF800  }
0xa5: {  	v8 =	vor.u32 s26, v0;
	s1 =	simm.s32 $0x6;
	v2 =	vld.idx.msk [tilespmem:v6+s6+$0x0], $0xffff  }
0xa6: {  	v9 =	vor.u32 s1, v0;
	s19 =	simm.s32 $0x7;
	v1 =	vld.idx.msk [tilespmem:v3+s6+$0x0], $0xffff  }
0xa7: {  	v11 =	vor.u32 s19, v0;
	s20 =	simm.s32 $0x8;
	v10 =	vld.idx.msk [tilespmem:v4+s6+$0x0], $0xffff  }
0xa8: {  	s21 =	simm.s32 $0xF;
	v13 =	vor.u32 s20, v0;
	v12 =	vld.idx.msk [tilespmem:v5+s6+$0x0], $0xffff  }
0xa9: {  	s26 =	simm.s32 $0x9;
	v15 =	vor.u32 s21, v0;
	v14 =	vld.idx.msk [tilespmem:v7+s6+$0x0], $0xffff  }
0xaa: {  	v17 =	vor.u32 s26, v0;
	s1 =	simm.s32 $0xA;
	v16 =	vld.idx.msk [tilespmem:v8+s6+$0x0], $0xffff  }
0xab: {  	v19 =	vor.u32 s1, v0;
	s19 =	simm.s32 $0xB;
	v18 =	vld.idx.msk [tilespmem:v9+s6+$0x0], $0xffff  }
0xac: {  	v22 =	vor.u32 s19, v0;
	s20 =	simm.s32 $0xC;
	v20 =	vld.idx.msk [tilespmem:v11+s6+$0x0], $0xffff  }
0xad: {  	s21 =	simm.s32 $0xD;
	v24 =	vor.u32 s20, v0;
	v21 =	vld.idx.msk [tilespmem:v13+s6+$0x0], $0xffff  }
0xae: {  	s26 =	simm.s32 $0xE;
	v25 =	vor.u32 s21, v0;
	v23 =	vld.idx.msk [tilespmem:v15+s6+$0x0], $0xffff  }
0xaf: {  	v27 =	vor.u32 s26, v0;
	v26 =	vld.idx.msk [tilespmem:v17+s6+$0x0], $0xffff  }
0xb0: {  	v28 =	vld.idx.msk [tilespmem:v19+s6+$0x0], $0xffff  }
0xb1: {  	v29 =	vld.idx.msk [tilespmem:v22+s6+$0x0], $0xffff  }
0xb2: {  	s26 =	simm.s32 $0x8080;
	v30 =	vld.idx.msk [tilespmem:v24+s6+$0x0], $0xffff  }
0xb3: {  	v31 =	vld.idx.msk [tilespmem:v25+s6+$0x0], $0xffff;
	[tilespmem:s26+$0x70] =	vst v23  }
0xb4: {  	v32 =	vld.idx.msk [tilespmem:v27+s6+$0x0], $0xffff;
	[tilespmem:s26+$0xFFFFFF90] =	vst v1  }
0xb5: {  	[tilespmem:s26+$0xFFFFFFA0] =	vst v10;
	v1 =	vld.idx.msk [tilespmem:v15+s5+$0x0], $0xffff  }
0xb6: {  	[tilespmem:s26+$0xFFFFFFB0] =	vst v12;
	v23 =	vld.idx.msk [tilespmem:v3+s5+$0x0], $0xffff  }
0xb7: {  	[tilespmem:s26+$0xFFFFFFC0] =	vst v14;
	v10 =	vld.idx.msk [tilespmem:v4+s5+$0x0], $0xffff  }
0xb8: {  	[tilespmem:s26+$0xFFFFFFD0] =	vst v16;
	v12 =	vld.idx.msk [tilespmem:v5+s5+$0x0], $0xffff  }
0xb9: {  	[tilespmem:s26+$0xFFFFFFE0] =	vst v18;
	v14 =	vld.idx.msk [tilespmem:v7+s5+$0x0], $0xffff  }
0xba: {  	[tilespmem:s26+$0xFFFFFFF0] =	vst v20;
	v16 =	vld.idx.msk [tilespmem:v8+s5+$0x0], $0xffff  }
0xbb: {  	[tilespmem:s26+$0x0] =	vst v21;
	v18 =	vld.idx.msk [tilespmem:v9+s5+$0x0], $0xffff  }
0xbc: {  	[tilespmem:s26+$0x10] =	vst v26;
	v20 =	vld.idx.msk [tilespmem:v11+s5+$0x0], $0xffff  }
0xbd: {  	[tilespmem:s26+$0x20] =	vst v28;
	v21 =	vld.idx.msk [tilespmem:v13+s5+$0x0], $0xffff  }
0xbe: {  	[tilespmem:s26+$0x30] =	vst v29;
	v26 =	vld.idx.msk [tilespmem:v17+s5+$0x0], $0xffff  }
0xbf: {  	[tilespmem:s26+$0x40] =	vst v30;
	v28 =	vld.idx.msk [tilespmem:v19+s5+$0x0], $0xffff  }
0xc0: {  	[tilespmem:s26+$0x50] =	vst v31;
	v29 =	vld.idx.msk [tilespmem:v22+s5+$0x0], $0xffff  }
0xc1: {  	[tilespmem:s26+$0x60] =	vst v32;
	v30 =	vld.idx.msk [tilespmem:v24+s5+$0x0], $0xffff  }
0xc2: {  	s18 =	simm.s32 $0x8880;
	[tilespmem:s26+$0xFFFFFF80] =	vst v2;
	v31 =	vld.idx.msk [tilespmem:v25+s5+$0x0], $0xffff  }
0xc3: {  	v32 =	vld.idx.msk [tilespmem:v27+s5+$0x0], $0xffff;
	[tilespmem:s18+$0x70] =	vst v1  }
0xc4: {  	v33 =	vld.idx.msk [tilespmem:v6+s5+$0x0], $0xffff;
	[tilespmem:s18+$0xFFFFFF90] =	vst v23  }
0xc5: {  	[tilespmem:s18+$0xFFFFFFA0] =	vst v10;
	v1 =	vld.idx.msk [tilespmem:v15+s7+$0x0], $0xffff  }
0xc6: {  	[tilespmem:s18+$0xFFFFFFB0] =	vst v12;
	v23 =	vld.idx.msk [tilespmem:v3+s7+$0x0], $0xffff  }
0xc7: {  	[tilespmem:s18+$0xFFFFFFC0] =	vst v14;
	v10 =	vld.idx.msk [tilespmem:v4+s7+$0x0], $0xffff  }
0xc8: {  	[tilespmem:s18+$0xFFFFFFD0] =	vst v16;
	v12 =	vld.idx.msk [tilespmem:v5+s7+$0x0], $0xffff  }
0xc9: {  	[tilespmem:s18+$0xFFFFFFE0] =	vst v18;
	v14 =	vld.idx.msk [tilespmem:v7+s7+$0x0], $0xffff  }
0xca: {  	[tilespmem:s18+$0xFFFFFFF0] =	vst v20;
	v16 =	vld.idx.msk [tilespmem:v9+s7+$0x0], $0xffff  }
0xcb: {  	[tilespmem:s18+$0x0] =	vst v21;
	v18 =	vld.idx.msk [tilespmem:v11+s7+$0x0], $0xffff  }
0xcc: {  	[tilespmem:s18+$0x10] =	vst v26;
	v34 =	vld.idx.msk [tilespmem:v13+s7+$0x0], $0xffff  }
0xcd: {  	[tilespmem:s18+$0x20] =	vst v28;
	v26 =	vld.idx.msk [tilespmem:v17+s7+$0x0], $0xffff  }
0xce: {  	[tilespmem:s18+$0x30] =	vst v29;
	v28 =	vld.idx.msk [tilespmem:v19+s7+$0x0], $0xffff  }
0xcf: {  	[tilespmem:s18+$0x40] =	vst v30;
	v29 =	vld.idx.msk [tilespmem:v22+s7+$0x0], $0xffff  }
0xd0: {  	[tilespmem:s18+$0x50] =	vst v31;
	v30 =	vld.idx.msk [tilespmem:v24+s7+$0x0], $0xffff  }
0xd1: {  	[tilespmem:s18+$0x60] =	vst v32;
	v31 =	vld.idx.msk [tilespmem:v25+s7+$0x0], $0xffff  }
0xd2: {  	s21 =	simm.s32 $0x9080;
	[tilespmem:s18+$0xFFFFFF80] =	vst v33;
	v32 =	vld.idx.msk [tilespmem:v27+s7+$0x0], $0xffff  }
0xd3: {  	v33 =	vld.idx.msk [tilespmem:v6+s7+$0x0], $0xffff;
	[tilespmem:s21+$0x70] =	vst v1  }
0xd4: {  	[tilespmem:s21+$0xFFFFFF90] =	vst v23;
	v15 =	vld.idx.msk [tilespmem:v15+s8+$0x0], $0xffff  }
0xd5: {  	[tilespmem:s21+$0xFFFFFFA0] =	vst v10;
	v35 =	vld.idx.msk [tilespmem:v3+s8+$0x0], $0xffff  }
0xd6: {  	[tilespmem:s21+$0xFFFFFFB0] =	vst v12;
	v10 =	vld.idx.msk [tilespmem:v4+s8+$0x0], $0xffff  }
0xd7: {  	[tilespmem:s21+$0xFFFFFFC0] =	vst v14;
	v12 =	vld.idx.msk [tilespmem:v5+s8+$0x0], $0xffff  }
0xd8: {  	[tilespmem:s21+$0xFFFFFFE0] =	vst v16;
	v14 =	vld.idx.msk [tilespmem:v7+s8+$0x0], $0xffff  }
0xd9: {  	[tilespmem:s21+$0xFFFFFFF0] =	vst v18;
	v21 =	vld.idx.msk [tilespmem:v9+s8+$0x0], $0xffff  }
0xda: {  	[tilespmem:s21+$0x0] =	vst v34;
	v20 =	vld.idx.msk [tilespmem:v11+s8+$0x0], $0xffff  }
0xdb: {  	[tilespmem:s21+$0x10] =	vst v26;
	v18 =	vld.idx.msk [tilespmem:v13+s8+$0x0], $0xffff  }
0xdc: {  	[tilespmem:s21+$0x20] =	vst v28;
	v17 =	vld.idx.msk [tilespmem:v17+s8+$0x0], $0xffff  }
0xdd: {  	s20 =	simm.s32 $0x9880;
	[tilespmem:s21+$0x30] =	vst v29;
	v19 =	vld.idx.msk [tilespmem:v19+s8+$0x0], $0xffff  }
0xde: {  	[tilespmem:s20+$0x70] =	vst v15;
	v15 =	vld.idx.msk [tilespmem:v8+s7+$0x0], $0xffff  }
0xdf: {  	s28 =	simm.s32 $0x10;
	[tilespmem:s21+$0x40] =	vst v30;
	v22 =	vld.idx.msk [tilespmem:v22+s8+$0x0], $0xffff  }
0xe0: {  	s1 =	simm.s32 $0x11;
	v1 =	vor.u32 s28, v0;
	[tilespmem:s21+$0x50] =	vst v31;
	v24 =	vld.idx.msk [tilespmem:v24+s8+$0x0], $0xffff  }
0xe1: {  	[tilespmem:s21+$0x60] =	vst v32;
	v3 =	vor.u32 s1, v0;
	s1 =	simm.s32 $0x12;
	v26 =	vld.idx.msk [tilespmem:v25+s8+$0x0], $0xffff  }
0xe2: {  	[tilespmem:s21+$0xFFFFFF80] =	vst v33;
	v28 =	vld.idx.msk [tilespmem:v27+s8+$0x0], $0xffff;
	v4 =	vor.u32 s1, v0;
	s1 =	simm.s32 $0x13  }
0xe3: {  	v29 =	vld.idx.msk [tilespmem:v6+s8+$0x0], $0xffff;
	v5 =	vor.u32 s1, v0;
	s1 =	simm.s32 $0x14;
	[tilespmem:s21+$0xFFFFFFD0] =	vst v15  }
0xe4: {  	v6 =	vor.u32 s1, v0;
	s1 =	simm.s32 $0x15;
	v23 =	vld.idx.msk [tilespmem:v8+s8+$0x0], $0xffff  }
0xe5: {  	s2 =	smov.u32 s29;
	s29 =	simm.s32 $0x16;
	v2 =	vld.idx.msk [tilespmem:v1+s6+$0x0], $0xffff;
	v7 =	vor.u32 s1, v0;
	[tilespmem:s20+$0xFFFFFF90] =	vst v35  }
0xe6: {  	v25 =	vld.idx.msk [tilespmem:v3+s6+$0x0], $0xffff;
	[tilespmem:s20+$0xFFFFFFA0] =	vst v10;
	v8 =	vor.u32 s29, v0;
	s29 =	simm.s32 $0x17  }
0xe7: {  	s3 =	smov.u32 s30;
	s30 =	simm.s32 $0x18;
	[tilespmem:s20+$0xFFFFFFB0] =	vst v12;
	v27 =	vld.idx.msk [tilespmem:v4+s6+$0x0], $0xffff;
	v9 =	vor.u32 s29, v0  }
0xe8: {  	s19 =	sadd.s32 s15, s24;
	v10 =	vor.u32 s30, v0;
	s30 =	simm.s32 $0x1F;
	[tilespmem:s20+$0xFFFFFFC0] =	vst v14;
	v30 =	vld.idx.msk [tilespmem:v5+s6+$0x0], $0xffff;
	s29 =	simm.s32 $0x20  }
.LBB2_4:
0xe9: {  	p1 =	slt.u32 s29, $0x70;
	v31 =	vld.idx.msk [tilespmem:v6+s6+$0x0], $0xffff;
	s1 =	sadd.s32 $0x9, s28;
	v32 =	vor.u32 s30, v0;
	[tilespmem:s20+$0xFFFFFFD0] =	vst v23  }
0xea: {  	v23 =	vld.idx.msk [tilespmem:v7+s6+$0x0], $0xffff;
	v11 =	vor.u32 s1, v0;
	s1 =	sadd.s32 $0xA, s28;
	[tilespmem:s20+$0xFFFFFFE0] =	vst v21  }
0xeb: {  	v21 =	vld.idx.msk [tilespmem:v8+s6+$0x0], $0xffff;
	v13 =	vor.u32 s1, v0;
	s1 =	sadd.s32 $0xB, s28;
	[tilespmem:s20+$0xFFFFFFF0] =	vst v20  }
0xec: {  	v20 =	vld.idx.msk [tilespmem:v9+s6+$0x0], $0xffff;
	v14 =	vor.u32 s1, v0;
	s1 =	sadd.s32 $0xC, s28;
	[tilespmem:s20+$0x0] =	vst v18  }
0xed: {  	v18 =	vld.idx.msk [tilespmem:v10+s6+$0x0], $0xffff;
	v15 =	vor.u32 s1, v0;
	s1 =	sadd.s32 $0xD, s28;
	[tilespmem:s20+$0x10] =	vst v17  }
0xee: {  	v12 =	vor.u32 s1, v0;
	s1 =	sadd.s32 $0xE, s28;
	v17 =	vld.idx.msk [tilespmem:v32+s6+$0x0], $0xffff;
	[tilespmem:s20+$0x20] =	vst v19;
	s28 =	smov.u32 s29  }
0xef: {  	v19 =	vld.idx.msk [tilespmem:v11+s6+$0x0], $0xffff;
	v16 =	vor.u32 s1, v0;
	[tilespmem:s20+$0x30] =	vst v22  }
0xf0: {  	v22 =	vld.idx.msk [tilespmem:v13+s6+$0x0], $0xffff;
	[tilespmem:s20+$0x40] =	vst v24  }
0xf1: {  	v24 =	vld.idx.msk [tilespmem:v14+s6+$0x0], $0xffff;
	[tilespmem:s20+$0x50] =	vst v26  }
0xf2: {  	v26 =	vld.idx.msk [tilespmem:v15+s6+$0x0], $0xffff;
	[tilespmem:s20+$0x60] =	vst v28  }
0xf3: {  	s26 =	sadd.s32 $0x100, s26;
	v28 =	vld.idx.msk [tilespmem:v12+s6+$0x0], $0xffff;
	[tilespmem:s20+$0xFFFFFF80] =	vst v29  }
0xf4: {  	v29 =	vld.idx.msk [tilespmem:v16+s6+$0x0], $0xffff;
	[tilespmem:s26+$0x70] =	vst v17  }
0xf5: {  	[tilespmem:s26+$0xFFFFFF90] =	vst v25;
	v17 =	vld.idx.msk [tilespmem:v32+s5+$0x0], $0xffff  }
0xf6: {  	v25 =	vld.idx.msk [tilespmem:v3+s5+$0x0], $0xffff;
	[tilespmem:s26+$0xFFFFFFA0] =	vst v27  }
0xf7: {  	v27 =	vld.idx.msk [tilespmem:v4+s5+$0x0], $0xffff;
	[tilespmem:s26+$0xFFFFFFB0] =	vst v30  }
0xf8: {  	v30 =	vld.idx.msk [tilespmem:v5+s5+$0x0], $0xffff;
	[tilespmem:s26+$0xFFFFFFC0] =	vst v31  }
0xf9: {  	v31 =	vld.idx.msk [tilespmem:v6+s5+$0x0], $0xffff;
	[tilespmem:s26+$0xFFFFFFD0] =	vst v23  }
0xfa: {  	s18 =	sadd.s32 $0x100, s18;
	v23 =	vld.idx.msk [tilespmem:v7+s5+$0x0], $0xffff;
	[tilespmem:s26+$0xFFFFFFE0] =	vst v21  }
0xfb: {  	v21 =	vld.idx.msk [tilespmem:v8+s5+$0x0], $0xffff;
	[tilespmem:s18+$0x70] =	vst v17  }
0xfc: {  	[tilespmem:s26+$0xFFFFFFF0] =	vst v20;
	v17 =	vld.idx.msk [tilespmem:v32+s7+$0x0], $0xffff  }
0xfd: {  	v20 =	vld.idx.msk [tilespmem:v9+s5+$0x0], $0xffff;
	[tilespmem:s26+$0x0] =	vst v18  }
0xfe: {  	v18 =	vld.idx.msk [tilespmem:v10+s5+$0x0], $0xffff;
	[tilespmem:s26+$0x10] =	vst v19  }
0xff: {  	v19 =	vld.idx.msk [tilespmem:v11+s5+$0x0], $0xffff;
	[tilespmem:s26+$0x20] =	vst v22  }
0x100: {  	v22 =	vld.idx.msk [tilespmem:v13+s5+$0x0], $0xffff;
	[tilespmem:s26+$0x30] =	vst v24  }
0x101: {  	s21 =	sadd.s32 $0x100, s21;
	v24 =	vld.idx.msk [tilespmem:v14+s5+$0x0], $0xffff;
	[tilespmem:s26+$0x40] =	vst v26  }
0x102: {  	v26 =	vld.idx.msk [tilespmem:v15+s5+$0x0], $0xffff;
	[tilespmem:s21+$0x70] =	vst v17  }
0x103: {  	[tilespmem:s26+$0x50] =	vst v28;
	v17 =	vld.idx.msk [tilespmem:v32+s8+$0x0], $0xffff  }
0x104: {  	v28 =	vld.idx.msk [tilespmem:v12+s5+$0x0], $0xffff;
	[tilespmem:s26+$0x60] =	vst v29  }
0x105: {  	v32 =	vor.u32 s29, v0;
	[tilespmem:s26+$0xFFFFFF80] =	vst v2;
	v29 =	vld.idx.msk [tilespmem:v16+s5+$0x0], $0xffff  }
0x106: {  	v33 =	vld.idx.msk [tilespmem:v1+s5+$0x0], $0xffff;
	[tilespmem:s18+$0xFFFFFF90] =	vst v25  }
0x107: {  	v25 =	vld.idx.msk [tilespmem:v3+s7+$0x0], $0xffff;
	[tilespmem:s18+$0xFFFFFFA0] =	vst v27  }
0x108: {  	s20 =	sadd.s32 $0x100, s20;
	v27 =	vld.idx.msk [tilespmem:v4+s7+$0x0], $0xffff;
	[tilespmem:s18+$0xFFFFFFB0] =	vst v30  }
0x109: {  	v30 =	vld.idx.msk [tilespmem:v5+s7+$0x0], $0xffff;
	[tilespmem:s20+$0x70] =	vst v17  }
0x10a: {  	v2 =	vld.idx.msk [tilespmem:v32+s6+$0x0], $0xffff;
	[tilespmem:s18+$0xFFFFFFC0] =	vst v31  }
0x10b: {  	v17 =	vld.idx.msk [tilespmem:v6+s7+$0x0], $0xffff;
	[tilespmem:s18+$0xFFFFFFD0] =	vst v23  }
0x10c: {  	v23 =	vld.idx.msk [tilespmem:v7+s7+$0x0], $0xffff;
	[tilespmem:s18+$0xFFFFFFE0] =	vst v21  }
0x10d: {  	v21 =	vld.idx.msk [tilespmem:v8+s7+$0x0], $0xffff;
	[tilespmem:s18+$0xFFFFFFF0] =	vst v20  }
0x10e: {  	v20 =	vld.idx.msk [tilespmem:v9+s7+$0x0], $0xffff;
	[tilespmem:s18+$0x0] =	vst v18  }
0x10f: {  	v18 =	vld.idx.msk [tilespmem:v10+s7+$0x0], $0xffff;
	[tilespmem:s18+$0x10] =	vst v19  }
0x110: {  	v19 =	vld.idx.msk [tilespmem:v11+s7+$0x0], $0xffff;
	[tilespmem:s18+$0x20] =	vst v22  }
0x111: {  	v22 =	vld.idx.msk [tilespmem:v13+s7+$0x0], $0xffff;
	[tilespmem:s18+$0x30] =	vst v24  }
0x112: {  	v24 =	vld.idx.msk [tilespmem:v14+s7+$0x0], $0xffff;
	[tilespmem:s18+$0x40] =	vst v26  }
0x113: {  	v26 =	vld.idx.msk [tilespmem:v15+s7+$0x0], $0xffff;
	[tilespmem:s18+$0x50] =	vst v28  }
0x114: {  	v28 =	vld.idx.msk [tilespmem:v12+s7+$0x0], $0xffff;
	[tilespmem:s18+$0x60] =	vst v29  }
0x115: {  	[tilespmem:s18+$0xFFFFFF80] =	vst v33;
	v29 =	vld.idx.msk [tilespmem:v16+s7+$0x0], $0xffff  }
0x116: {  	v31 =	vld.idx.msk [tilespmem:v1+s7+$0x0], $0xffff;
	[tilespmem:s21+$0xFFFFFF90] =	vst v25  }
0x117: {  	v25 =	vld.idx.msk [tilespmem:v3+s8+$0x0], $0xffff;
	[tilespmem:s21+$0xFFFFFFA0] =	vst v27  }
0x118: {  	v27 =	vld.idx.msk [tilespmem:v4+s8+$0x0], $0xffff;
	[tilespmem:s21+$0xFFFFFFB0] =	vst v30  }
0x119: {  	v30 =	vld.idx.msk [tilespmem:v5+s8+$0x0], $0xffff;
	[tilespmem:s21+$0xFFFFFFC0] =	vst v17  }
0x11a: {  	v33 =	vld.idx.msk [tilespmem:v6+s8+$0x0], $0xffff;
	[tilespmem:s21+$0xFFFFFFD0] =	vst v23  }
0x11b: {  	v23 =	vld.idx.msk [tilespmem:v7+s8+$0x0], $0xffff;
	[tilespmem:s21+$0xFFFFFFE0] =	vst v21  }
0x11c: {  	v21 =	vld.idx.msk [tilespmem:v8+s8+$0x0], $0xffff;
	[tilespmem:s21+$0xFFFFFFF0] =	vst v20  }
0x11d: {  	v20 =	vld.idx.msk [tilespmem:v9+s8+$0x0], $0xffff;
	[tilespmem:s21+$0x0] =	vst v18  }
0x11e: {  	v18 =	vld.idx.msk [tilespmem:v10+s8+$0x0], $0xffff;
	[tilespmem:s21+$0x10] =	vst v19  }
0x11f: {  	v17 =	vld.idx.msk [tilespmem:v11+s8+$0x0], $0xffff;
	[tilespmem:s21+$0x20] =	vst v22  }
0x120: {  	s1 =	sadd.s32 $0x1, s29;
	v19 =	vld.idx.msk [tilespmem:v13+s8+$0x0], $0xffff;
	[tilespmem:s21+$0x30] =	vst v24  }
0x121: {  	v3 =	vor.u32 s1, v0;
	s1 =	sadd.s32 $0x2, s29;
	v22 =	vld.idx.msk [tilespmem:v14+s8+$0x0], $0xffff;
	[tilespmem:s21+$0x40] =	vst v26  }
0x122: {  	v4 =	vor.u32 s1, v0;
	s1 =	sadd.s32 $0x3, s29;
	v24 =	vld.idx.msk [tilespmem:v15+s8+$0x0], $0xffff;
	[tilespmem:s21+$0x50] =	vst v28  }
0x123: {  	v5 =	vor.u32 s1, v0;
	s1 =	sadd.s32 $0x4, s29;
	v26 =	vld.idx.msk [tilespmem:v12+s8+$0x0], $0xffff;
	[tilespmem:s21+$0x60] =	vst v29  }
.Ltmp5:
0x124: {  	v6 =	vor.u32 s1, v0;
	s1 =	sadd.s32 $0x5, s29;
	[tilespmem:s21+$0xFFFFFF80] =	vst v31;
	v28 =	vld.idx.msk [tilespmem:v16+s8+$0x0], $0xffff;
	(pc) =	sbr.rel @p1 .LBB2_4-.Ltmp5, $4  }
0x125: {  	v7 =	vor.u32 s1, v0;
	s1 =	sadd.s32 $0x6, s29;
	v29 =	vld.idx.msk [tilespmem:v1+s8+$0x0], $0xffff;
	[tilespmem:s20+$0xFFFFFF90] =	vst v25;
	v1 =	vmov v32  }
0x126: {  	v8 =	vor.u32 s1, v0;
	s1 =	sadd.s32 $0x7, s29;
	v25 =	vld.idx.msk [tilespmem:v3+s6+$0x0], $0xffff;
	[tilespmem:s20+$0xFFFFFFA0] =	vst v27  }
0x127: {  	v9 =	vor.u32 s1, v0;
	s1 =	sadd.s32 $0x8, s29;
	v27 =	vld.idx.msk [tilespmem:v4+s6+$0x0], $0xffff;
	[tilespmem:s20+$0xFFFFFFB0] =	vst v30  }
0x128: {  	s30 =	sadd.s32 $0xF, s28;
	s29 =	sadd.s32 $0x10, s29;
	v10 =	vor.u32 s1, v0;
	v30 =	vld.idx.msk [tilespmem:v5+s6+$0x0], $0xffff;
	[tilespmem:s20+$0xFFFFFFC0] =	vst v33  }
0x129: {  	[tilespmem:s20+$0xFFFFFFD0] =	vst v23  }
0x12a: {  	[tilespmem:s20+$0xFFFFFFE0] =	vst v21  }
0x12b: {  	[tilespmem:s20+$0xFFFFFFF0] =	vst v20  }
0x12c: {  	[tilespmem:s20+$0x0] =	vst v18  }
0x12d: {  	[tilespmem:s20+$0x10] =	vst v17  }
0x12e: {  	[tilespmem:s20+$0x20] =	vst v19  }
0x12f: {  	[tilespmem:s20+$0x30] =	vst v22  }
0x130: {  	[tilespmem:s20+$0x40] =	vst v24  }
0x131: {  	[tilespmem:s20+$0x50] =	vst v26  }
0x132: {  	[tilespmem:s20+$0x60] =	vst v28  }
0x133: {  	v13 =	vld.idx.msk [tilespmem:v6+s6+$0x0], $0xffff;
	s26 =	sadd.s32 $0x100, s26;
	[tilespmem:s20+$0xFFFFFF80] =	vst v29  }
0x134: {  	v14 =	vld.idx.msk [tilespmem:v7+s6+$0x0], $0xffff;
	[tilespmem:s26+$0xFFFFFF80] =	vst v2  }
0x135: {  	v58 =	vld.idx.msk [tilespmem:v8+s6+$0x0], $0xffff;
	[tilespmem:s26+$0xFFFFFF90] =	vst v25  }
0x136: {  	v11 =	vor.u32 s30, v0;
	v60 =	vld.idx.msk [tilespmem:v9+s6+$0x0], $0xffff;
	[tilespmem:s26+$0xFFFFFFA0] =	vst v27  }
0x137: {  	s1 =	sadd.s32 $0x9, s28;
	v61 =	vld.idx.msk [tilespmem:v10+s6+$0x0], $0xffff;
	[tilespmem:s26+$0xFFFFFFB0] =	vst v30  }
0x138: {  	v15 =	vor.u32 s1, v0;
	v42 =	vld.idx.msk [tilespmem:v1+s5+$0x0], $0xffff;
	[tilespmem:s26+$0xFFFFFFC0] =	vst v13  }
0x139: {  	v30 =	vld.idx.msk [tilespmem:v3+s5+$0x0], $0xffff;
	[tilespmem:s26+$0xFFFFFFD0] =	vst v14  }
0x13a: {  	v31 =	vld.idx.msk [tilespmem:v4+s5+$0x0], $0xffff;
	[tilespmem:s26+$0xFFFFFFE0] =	vst v58  }
0x13b: {  	v12 =	vld.idx.msk [tilespmem:v11+s6+$0x0], $0xffff;
	[tilespmem:s26+$0xFFFFFFF0] =	vst v60  }
0x13c: {  	s18 =	sadd.s32 $0x100, s18;
	[tilespmem:s26+$0x0] =	vst v61;
	v32 =	vld.idx.msk [tilespmem:v5+s5+$0x0], $0xffff  }
0x13d: {  	s1 =	sadd.s32 $0xA, s28;
	v62 =	vld.idx.msk [tilespmem:v15+s6+$0x0], $0xffff;
	[tilespmem:s18+$0xFFFFFF80] =	vst v42  }
0x13e: {  	v16 =	vor.u32 s1, v0;
	s1 =	sadd.s32 $0xB, s28;
	v33 =	vld.idx.msk [tilespmem:v6+s5+$0x0], $0xffff;
	[tilespmem:s18+$0xFFFFFF90] =	vst v30  }
0x13f: {  	v17 =	vor.u32 s1, v0;
	v2 =	vld.idx.msk [tilespmem:v7+s5+$0x0], $0xffff;
	[tilespmem:s18+$0xFFFFFFA0] =	vst v31  }
0x140: {  	s1 =	sadd.s32 $0xC, s28;
	v34 =	vld.idx.msk [tilespmem:v8+s5+$0x0], $0xffff;
	[tilespmem:s26+$0x70] =	vst v12  }
0x141: {  	v20 =	vor.u32 s1, v0;
	s1 =	sadd.s32 $0xD, s28;
	v35 =	vld.idx.msk [tilespmem:v9+s5+$0x0], $0xffff;
	[tilespmem:s18+$0xFFFFFFB0] =	vst v32  }
0x142: {  	s28 =	sadd.s32 $0xE, s28;
	v13 =	vor.u32 s1, v0;
	v36 =	vld.idx.msk [tilespmem:v10+s5+$0x0], $0xffff;
	[tilespmem:s26+$0x10] =	vst v62  }
0x143: {  	v63 =	vor.u32 s28, v0;
	v24 =	vld.idx.msk [tilespmem:v16+s6+$0x0], $0xffff;
	[tilespmem:s18+$0xFFFFFFC0] =	vst v33  }
0x144: {  	v25 =	vld.idx.msk [tilespmem:v17+s6+$0x0], $0xffff;
	[tilespmem:s18+$0xFFFFFFD0] =	vst v2  }
0x145: {  	v54 =	vld.idx.msk [tilespmem:v1+s7+$0x0], $0xffff;
	[tilespmem:s18+$0xFFFFFFE0] =	vst v34  }
0x146: {  	v26 =	vld.idx.msk [tilespmem:v20+s6+$0x0], $0xffff;
	[tilespmem:s18+$0xFFFFFFF0] =	vst v35  }
0x147: {  	v28 =	vld.idx.msk [tilespmem:v13+s6+$0x0], $0xffff;
	[tilespmem:s18+$0x0] =	vst v36  }
0x148: {  	v29 =	vld.idx.msk [tilespmem:v63+s6+$0x0], $0xffff;
	[tilespmem:s26+$0x20] =	vst v24  }
0x149: {  	s21 =	sadd.s32 $0x100, s21;
	v43 =	vld.idx.msk [tilespmem:v3+s7+$0x0], $0xffff;
	[tilespmem:s26+$0x30] =	vst v25  }
0x14a: {  	v59 =	vld.idx.msk [tilespmem:v11+s5+$0x0], $0xffff;
	[tilespmem:s21+$0xFFFFFF80] =	vst v54  }
0x14b: {  	v44 =	vld.idx.msk [tilespmem:v5+s7+$0x0], $0xffff;
	[tilespmem:s26+$0x40] =	vst v26  }
0x14c: {  	v37 =	vld.idx.msk [tilespmem:v15+s5+$0x0], $0xffff;
	[tilespmem:s26+$0x50] =	vst v28  }
0x14d: {  	v45 =	vld.idx.msk [tilespmem:v6+s7+$0x0], $0xffff;
	[tilespmem:s26+$0x60] =	vst v29  }
0x14e: {  	v46 =	vld.idx.msk [tilespmem:v7+s7+$0x0], $0xffff;
	[tilespmem:s21+$0xFFFFFF90] =	vst v43  }
0x14f: {  	v47 =	vld.idx.msk [tilespmem:v8+s7+$0x0], $0xffff;
	[tilespmem:s18+$0x70] =	vst v59  }
0x150: {  	v48 =	vld.idx.msk [tilespmem:v9+s7+$0x0], $0xffff;
	[tilespmem:s21+$0xFFFFFFB0] =	vst v44  }
0x151: {  	v38 =	vld.idx.msk [tilespmem:v16+s5+$0x0], $0xffff;
	[tilespmem:s18+$0x10] =	vst v37  }
0x152: {  	v2 =	vld.idx.msk [tilespmem:v17+s5+$0x0], $0xffff;
	[tilespmem:s21+$0xFFFFFFC0] =	vst v45  }
0x153: {  	v1 =	vld.idx.msk [tilespmem:v1+s8+$0x0], $0xffff;
	[tilespmem:s21+$0xFFFFFFD0] =	vst v46  }
0x154: {  	v39 =	vld.idx.msk [tilespmem:v20+s5+$0x0], $0xffff;
	[tilespmem:s21+$0xFFFFFFE0] =	vst v47  }
0x155: {  	v40 =	vld.idx.msk [tilespmem:v13+s5+$0x0], $0xffff;
	[tilespmem:s21+$0xFFFFFFF0] =	vst v48  }
0x156: {  	v41 =	vld.idx.msk [tilespmem:v63+s5+$0x0], $0xffff;
	[tilespmem:s18+$0x20] =	vst v38  }
0x157: {  	s20 =	sadd.s32 $0x100, s20;
	v3 =	vld.idx.msk [tilespmem:v3+s8+$0x0], $0xffff;
	[tilespmem:s18+$0x30] =	vst v2  }
0x158: {  	v27 =	vld.idx.msk [tilespmem:v11+s7+$0x0], $0xffff;
	[tilespmem:s20+$0xFFFFFF80] =	vst v1  }
0x159: {  	v56 =	vld.idx.msk [tilespmem:v5+s8+$0x0], $0xffff;
	[tilespmem:s18+$0x40] =	vst v39  }
0x15a: {  	v2 =	vld.idx.msk [tilespmem:v4+s7+$0x0], $0xffff;
	[tilespmem:s18+$0x50] =	vst v40  }
0x15b: {  	v49 =	vld.idx.msk [tilespmem:v15+s7+$0x0], $0xffff;
	[tilespmem:s18+$0x60] =	vst v41  }
0x15c: {  	v57 =	vld.idx.msk [tilespmem:v6+s8+$0x0], $0xffff;
	[tilespmem:s20+$0xFFFFFF90] =	vst v3  }
0x15d: {  	v58 =	vld.idx.msk [tilespmem:v8+s8+$0x0], $0xffff;
	[tilespmem:s21+$0x70] =	vst v27  }
0x15e: {  	v50 =	vld.idx.msk [tilespmem:v16+s7+$0x0], $0xffff;
	[tilespmem:s20+$0xFFFFFFB0] =	vst v56  }
0x15f: {  	[tilespmem:s21+$0xFFFFFFA0] =	vst v2;
	v2 =	vld.idx.msk [tilespmem:v10+s7+$0x0], $0xffff  }
0x160: {  	v51 =	vld.idx.msk [tilespmem:v17+s7+$0x0], $0xffff;
	[tilespmem:s21+$0x10] =	vst v49  }
0x161: {  	v52 =	vld.idx.msk [tilespmem:v20+s7+$0x0], $0xffff;
	[tilespmem:s20+$0xFFFFFFC0] =	vst v57  }
0x162: {  	v3 =	vld.idx.msk [tilespmem:v9+s8+$0x0], $0xffff;
	[tilespmem:s20+$0xFFFFFFE0] =	vst v58  }
0x163: {  	v53 =	vld.idx.msk [tilespmem:v13+s7+$0x0], $0xffff;
	[tilespmem:s21+$0x20] =	vst v50  }
0x164: {  	[tilespmem:s21+$0x0] =	vst v2;
	v2 =	vld.idx.msk [tilespmem:v63+s7+$0x0], $0xffff  }
0x165: {  	v11 =	vld.idx.msk [tilespmem:v11+s8+$0x0], $0xffff;
	[tilespmem:s21+$0x30] =	vst v51  }
0x166: {  	v60 =	vld.idx.msk [tilespmem:v15+s8+$0x0], $0xffff;
	[tilespmem:s21+$0x40] =	vst v52  }
0x167: {  	v55 =	vld.idx.msk [tilespmem:v4+s8+$0x0], $0xffff;
	[tilespmem:s20+$0xFFFFFFF0] =	vst v3  }
0x168: {  	v61 =	vld.idx.msk [tilespmem:v16+s8+$0x0], $0xffff;
	[tilespmem:s21+$0x50] =	vst v53  }
0x169: {  	[tilespmem:s21+$0x60] =	vst v2;
	v2 =	vld.idx.msk [tilespmem:v7+s8+$0x0], $0xffff  }
0x16a: {  	v62 =	vld.idx.msk [tilespmem:v20+s8+$0x0], $0xffff;
	[tilespmem:s20+$0x70] =	vst v11  }
0x16b: {  	v3 =	vld.idx.msk [tilespmem:v13+s8+$0x0], $0xffff;
	[tilespmem:s20+$0x10] =	vst v60  }
0x16c: {  	[tilespmem:s20+$0xFFFFFFA0] =	vst v55;
	v59 =	vld.idx.msk [tilespmem:v10+s8+$0x0], $0xffff  }
0x16d: {  	[tilespmem:s20+$0x20] =	vst v61;
	v63 =	vld.idx.msk [tilespmem:v63+s8+$0x0], $0xffff  }
0x16e: {  	[tilespmem:s20+$0xFFFFFFD0] =	vst v2;
	v2 =	vld.idx.msk [tilespmem:v17+s8+$0x0], $0xffff  }
0x16f: {  	[tilespmem:s20+$0x40] =	vst v62  }
0x170: {  	[tilespmem:s20+$0x50] =	vst v3  }
0x171: {  	s21 =	sshll.u32 s19, $0x8;
	[tilespmem:s20+$0x0] =	vst v59  }
0x172: {  	s1 =	sand.u32 $0x1FFFFF00, s21;
	[tilespmem:s20+$0x60] =	vst v63  }
0x173: {  	s28 =	simm.s32 $0x8000;
	s26 =	sadd.s32 s11, s1;
	[tilespmem:s20+$0x30] =	vst v2  }
0x174: {  	[hbm4b:s26+s6] =	stream.linear.scatter [tilespmem:s28], [sflag:$0x3], $0x800, $0x38;
	[tilespmem:$0xC400] =	vst v63  }
0x175: {  	p1 =	seq.s32 s17, $0x0;
	s19 =	sadd.s32 s12, s1;
	s20 =	simm.s32 $0x8800  }
0x176: {  	[hbm4b:s19+s6] =	stream.linear.scatter [tilespmem:s20], [sflag:$0x3], $0x800, $0x38;
	[tilespmem:$0xC400] =	vst v63  }
.Ltmp6:
0x177: {  	_ = 	snop;
	(pc) =	sbr.rel @p1 .LBB2_9-.Ltmp6, $4  }
0x178: {  	s29 =	smov.u32 s2;
	s21 =	sadd.s32 s13, s1;
	s26 =	simm.s32 $0x9000  }
0x179: {  	[hbm4b:s21+s6] =	stream.linear.scatter [tilespmem:s26], [sflag:$0x3], $0x800, $0x38;
	[tilespmem:$0xC400] =	vst v63  }
0x17a: {  	s30 =	smov.u32 s3;
	s1 =	sadd.s32 s14, s1;
	s28 =	simm.s32 $0x9800  }
0x17b: {  	[hbm4b:s1+s6] =	stream.linear.scatter [tilespmem:s28], [sflag:$0x3], $0x800, $0x38;
	[tilespmem:$0xC400] =	vst v63  }
.LBB2_6:
0x17c: {  	s0 =	sadd.s32 $0x1, s24  }
0x17d: {  	p1 =	sge.u32 s0, s16  }
0x17e: {  	s1 =	sadd.s32 @!p1 s15, s0  }
0x17f: {  	s1 =	sshll.u32 @!p1 s1, $0x7  }
0x180: {  	s1 =	sand.u32 @!p1 $0x1FFFFF80, s1  }
0x181: {  	s18 =	simm.s32 @!p1 $0x0;
	s17 =	sadd.s32 @!p1 s29, s1  }
0x182: {  	[tilespmem:s18], [sflag:$0x1] =	stream.linear.gather @!p1 [hbm4b:s17+s18], $0x400, $0x38;
	[tilespmem:$0xC400] =	vst v63  }
0x183: {  	s19 =	simm.s32 @!p1 $0x800;
	s17 =	sadd.s32 @!p1 $0xF4280, s17  }
0x184: {  	[tilespmem:s19], [sflag:$0x1] =	stream.linear.gather @!p1 [hbm4b:s17+s18], $0x400, $0x38;
	[tilespmem:$0xC400] =	vst v63  }
0x185: {  	s17 =	sadd.s32 @!p1 s30, s1;
	s19 =	simm.s32 @!p1 $0x1000  }
0x186: {  	[tilespmem:s19], [sflag:$0x1] =	stream.linear.gather @!p1 [hbm4b:s17+s18], $0x400, $0x38;
	[tilespmem:$0xC400] =	vst v63  }
0x187: {  	s2 =	rddreg [dreg:$0x2];
	s17 =	sadd.s32 @!p1 $0xF4280, s17;
	s19 =	simm.s32 @!p1 $0x1800  }
0x188: {  	[tilespmem:s19], [sflag:$0x1] =	stream.linear.gather @!p1 [hbm4b:s17+s18], $0x400, $0x38;
	[tilespmem:$0xC400] =	vst v63  }
0x189: {  	s17 =	sadd.s32 @!p1 s2, s1;
	s19 =	simm.s32 @!p1 $0x2000  }
0x18a: {  	[tilespmem:s19], [sflag:$0x1] =	stream.linear.gather @!p1 [hbm4b:s17+s18], $0x400, $0x38;
	[tilespmem:$0xC400] =	vst v63  }
0x18b: {  	s17 =	sadd.s32 @!p1 $0xF4280, s17;
	s19 =	simm.s32 @!p1 $0x2800  }
0x18c: {  	[tilespmem:s19], [sflag:$0x1] =	stream.linear.gather @!p1 [hbm4b:s17+s18], $0x400, $0x38;
	[tilespmem:$0xC400] =	vst v63  }
0x18d: {  	s1 =	sadd.s32 @!p1 s4, s1;
	s17 =	simm.s32 @!p1 $0x3000  }
0x18e: {  	[tilespmem:s17], [sflag:$0x1] =	stream.linear.gather @!p1 [hbm4b:s1+s18], $0x400, $0x38;
	[tilespmem:$0xC400] =	vst v63  }
0x18f: {  	s1 =	sadd.s32 @!p1 $0xF4280, s1;
	s17 =	simm.s32 @!p1 $0x3800  }
0x190: {  	[tilespmem:s17], [sflag:$0x1] =	stream.linear.gather @!p1 [hbm4b:s1+s18], $0x400, $0x38;
	[tilespmem:$0xC400] =	vst v63  }
0x191: {  	_ =	swait.ge [sflag:s9], $0x800  }
0x192: {  	[sflag:s9] =	ssyncset.done $0x0  }
0x193: {  	[sflag:s9] =	ssyncadd.s32 $0xFFFFF800  }
0x194: {  	_ =	swait.ge [sflag:s9], $0x800  }
0x195: {  	[sflag:s9] =	ssyncset.done $0x0  }
0x196: {  	[sflag:s9] =	ssyncadd.s32 $0xFFFFF800  }
0x197: {  	_ =	swait.ge [sflag:s9], $0x800  }
0x198: {  	[sflag:s9] =	ssyncset.done $0x0  }
0x199: {  	[sflag:s9] =	ssyncadd.s32 $0xFFFFF800  }
0x19a: {  	_ =	swait.ge [sflag:s9], $0x800  }
0x19b: {  	p1 =	slt.u32 s24, $0x2;
	[sflag:s9] =	ssyncset.done $0x0  }
0x19c: {  	s1 =	simm.s32 @!p1 $0x4;
	[sflag:s9] =	ssyncadd.s32 $0xFFFFF800  }
0x19d: {  	_ =	swait.ge @!p1 [sflag:s1], $0x800  }
0x19e: {  	[sflag:s1] =	ssyncset.done @!p1 $0x0  }
0x19f: {  	[sflag:s1] =	ssyncadd.s32 @!p1 $0xFFFFF800  }
0x1a0: {  	_ =	swait.ge @!p1 [sflag:s1], $0x800  }
0x1a1: {  	[sflag:s1] =	ssyncset.done @!p1 $0x0  }
0x1a2: {  	[sflag:s1] =	ssyncadd.s32 @!p1 $0xFFFFF800  }
0x1a3: {  	s2 =	simm.s32 $0x0;
	_ =	swait.ge @!p1 [sflag:s1], $0x800  }
0x1a4: {  	s3 =	simm.s32 $0x1;
	v6 =	vor.u32 s2, v0;
	[sflag:s1] =	ssyncset.done @!p1 $0x0  }
0x1a5: {  	v3 =	vor.u32 s3, v0;
	s18 =	simm.s32 $0x2;
	[sflag:s1] =	ssyncadd.s32 @!p1 $0xFFFFF800  }
0x1a6: {  	s19 =	simm.s32 $0x3;
	v4 =	vor.u32 s18, v0;
	_ =	swait.ge @!p1 [sflag:s1], $0x800  }
0x1a7: {  	s20 =	simm.s32 $0x4;
	v5 =	vor.u32 s19, v0;
	[sflag:s1] =	ssyncset.done @!p1 $0x0  }
0x1a8: {  	s21 =	simm.s32 $0x5;
	v7 =	vor.u32 s20, v0;
	[sflag:s1] =	ssyncadd.s32 @!p1 $0xFFFFF800  }
0x1a9: {  	s26 =	simm.s32 $0x6;
	v8 =	vor.u32 s21, v0;
	v2 =	vld.idx.msk [tilespmem:v6+s10+$0x0], $0xffff  }
0x1aa: {  	v9 =	vor.u32 s26, v0;
	s2 =	simm.s32 $0x7;
	v1 =	vld.idx.msk [tilespmem:v3+s10+$0x0], $0xffff  }
0x1ab: {  	s3 =	simm.s32 $0x8;
	v11 =	vor.u32 s2, v0;
	v10 =	vld.idx.msk [tilespmem:v4+s10+$0x0], $0xffff  }
0x1ac: {  	v13 =	vor.u32 s3, v0;
	s17 =	simm.s32 $0xF;
	v12 =	vld.idx.msk [tilespmem:v5+s10+$0x0], $0xffff  }
0x1ad: {  	s18 =	simm.s32 $0x9;
	v15 =	vor.u32 s17, v0;
	v14 =	vld.idx.msk [tilespmem:v7+s10+$0x0], $0xffff  }
0x1ae: {  	s19 =	simm.s32 $0xA;
	v17 =	vor.u32 s18, v0;
	v16 =	vld.idx.msk [tilespmem:v8+s10+$0x0], $0xffff  }
0x1af: {  	s20 =	simm.s32 $0xB;
	v19 =	vor.u32 s19, v0;
	v18 =	vld.idx.msk [tilespmem:v9+s10+$0x0], $0xffff  }
0x1b0: {  	s21 =	simm.s32 $0xC;
	v22 =	vor.u32 s20, v0;
	v20 =	vld.idx.msk [tilespmem:v11+s10+$0x0], $0xffff  }
0x1b1: {  	s26 =	simm.s32 $0xD;
	v24 =	vor.u32 s21, v0;
	v21 =	vld.idx.msk [tilespmem:v13+s10+$0x0], $0xffff  }
0x1b2: {  	v25 =	vor.u32 s26, v0;
	s2 =	simm.s32 $0xE;
	v23 =	vld.idx.msk [tilespmem:v15+s10+$0x0], $0xffff  }
0x1b3: {  	v27 =	vor.u32 s2, v0;
	v26 =	vld.idx.msk [tilespmem:v17+s10+$0x0], $0xffff  }
0x1b4: {  	v28 =	vld.idx.msk [tilespmem:v19+s10+$0x0], $0xffff  }
0x1b5: {  	v29 =	vld.idx.msk [tilespmem:v22+s10+$0x0], $0xffff  }
0x1b6: {  	s21 =	simm.s32 $0xA080;
	v30 =	vld.idx.msk [tilespmem:v24+s10+$0x0], $0xffff  }
0x1b7: {  	v31 =	vld.idx.msk [tilespmem:v25+s10+$0x0], $0xffff;
	[tilespmem:s21+$0x70] =	vst v23  }
0x1b8: {  	v32 =	vld.idx.msk [tilespmem:v27+s10+$0x0], $0xffff;
	[tilespmem:s21+$0xFFFFFF90] =	vst v1  }
0x1b9: {  	[tilespmem:s21+$0xFFFFFFA0] =	vst v10;
	v1 =	vld.idx.msk [tilespmem:v15+s22+$0x0], $0xffff  }
0x1ba: {  	[tilespmem:s21+$0xFFFFFFB0] =	vst v12;
	v23 =	vld.idx.msk [tilespmem:v3+s22+$0x0], $0xffff  }
0x1bb: {  	[tilespmem:s21+$0xFFFFFFC0] =	vst v14;
	v10 =	vld.idx.msk [tilespmem:v4+s22+$0x0], $0xffff  }
0x1bc: {  	[tilespmem:s21+$0xFFFFFFD0] =	vst v16;
	v12 =	vld.idx.msk [tilespmem:v5+s22+$0x0], $0xffff  }
0x1bd: {  	[tilespmem:s21+$0xFFFFFFE0] =	vst v18;
	v14 =	vld.idx.msk [tilespmem:v7+s22+$0x0], $0xffff  }
0x1be: {  	[tilespmem:s21+$0xFFFFFFF0] =	vst v20;
	v16 =	vld.idx.msk [tilespmem:v8+s22+$0x0], $0xffff  }
0x1bf: {  	[tilespmem:s21+$0x0] =	vst v21;
	v18 =	vld.idx.msk [tilespmem:v9+s22+$0x0], $0xffff  }
0x1c0: {  	[tilespmem:s21+$0x10] =	vst v26;
	v20 =	vld.idx.msk [tilespmem:v11+s22+$0x0], $0xffff  }
0x1c1: {  	[tilespmem:s21+$0x20] =	vst v28;
	v21 =	vld.idx.msk [tilespmem:v13+s22+$0x0], $0xffff  }
0x1c2: {  	[tilespmem:s21+$0x30] =	vst v29;
	v26 =	vld.idx.msk [tilespmem:v17+s22+$0x0], $0xffff  }
0x1c3: {  	[tilespmem:s21+$0x40] =	vst v30;
	v28 =	vld.idx.msk [tilespmem:v19+s22+$0x0], $0xffff  }
0x1c4: {  	[tilespmem:s21+$0x50] =	vst v31;
	v29 =	vld.idx.msk [tilespmem:v22+s22+$0x0], $0xffff  }
0x1c5: {  	[tilespmem:s21+$0x60] =	vst v32;
	v30 =	vld.idx.msk [tilespmem:v24+s22+$0x0], $0xffff  }
0x1c6: {  	s17 =	simm.s32 $0xA880;
	[tilespmem:s21+$0xFFFFFF80] =	vst v2;
	v31 =	vld.idx.msk [tilespmem:v25+s22+$0x0], $0xffff  }
0x1c7: {  	v32 =	vld.idx.msk [tilespmem:v27+s22+$0x0], $0xffff;
	[tilespmem:s17+$0x70] =	vst v1  }
0x1c8: {  	v33 =	vld.idx.msk [tilespmem:v6+s22+$0x0], $0xffff;
	[tilespmem:s17+$0xFFFFFF90] =	vst v23  }
0x1c9: {  	[tilespmem:s17+$0xFFFFFFA0] =	vst v10;
	v1 =	vld.idx.msk [tilespmem:v15+s23+$0x0], $0xffff  }
0x1ca: {  	[tilespmem:s17+$0xFFFFFFB0] =	vst v12;
	v23 =	vld.idx.msk [tilespmem:v3+s23+$0x0], $0xffff  }
0x1cb: {  	[tilespmem:s17+$0xFFFFFFC0] =	vst v14;
	v10 =	vld.idx.msk [tilespmem:v4+s23+$0x0], $0xffff  }
0x1cc: {  	[tilespmem:s17+$0xFFFFFFD0] =	vst v16;
	v12 =	vld.idx.msk [tilespmem:v5+s23+$0x0], $0xffff  }
0x1cd: {  	[tilespmem:s17+$0xFFFFFFE0] =	vst v18;
	v14 =	vld.idx.msk [tilespmem:v7+s23+$0x0], $0xffff  }
0x1ce: {  	[tilespmem:s17+$0xFFFFFFF0] =	vst v20;
	v16 =	vld.idx.msk [tilespmem:v9+s23+$0x0], $0xffff  }
0x1cf: {  	[tilespmem:s17+$0x0] =	vst v21;
	v18 =	vld.idx.msk [tilespmem:v11+s23+$0x0], $0xffff  }
0x1d0: {  	[tilespmem:s17+$0x10] =	vst v26;
	v34 =	vld.idx.msk [tilespmem:v13+s23+$0x0], $0xffff  }
0x1d1: {  	[tilespmem:s17+$0x20] =	vst v28;
	v26 =	vld.idx.msk [tilespmem:v17+s23+$0x0], $0xffff  }
0x1d2: {  	[tilespmem:s17+$0x30] =	vst v29;
	v28 =	vld.idx.msk [tilespmem:v19+s23+$0x0], $0xffff  }
0x1d3: {  	[tilespmem:s17+$0x40] =	vst v30;
	v29 =	vld.idx.msk [tilespmem:v22+s23+$0x0], $0xffff  }
0x1d4: {  	[tilespmem:s17+$0x50] =	vst v31;
	v30 =	vld.idx.msk [tilespmem:v24+s23+$0x0], $0xffff  }
0x1d5: {  	[tilespmem:s17+$0x60] =	vst v32;
	v31 =	vld.idx.msk [tilespmem:v25+s23+$0x0], $0xffff  }
0x1d6: {  	s18 =	simm.s32 $0xB080;
	[tilespmem:s17+$0xFFFFFF80] =	vst v33;
	v32 =	vld.idx.msk [tilespmem:v27+s23+$0x0], $0xffff  }
0x1d7: {  	v33 =	vld.idx.msk [tilespmem:v6+s23+$0x0], $0xffff;
	[tilespmem:s18+$0x70] =	vst v1  }
0x1d8: {  	[tilespmem:s18+$0xFFFFFF90] =	vst v23;
	v15 =	vld.idx.msk [tilespmem:v15+s25+$0x0], $0xffff  }
0x1d9: {  	[tilespmem:s18+$0xFFFFFFA0] =	vst v10;
	v35 =	vld.idx.msk [tilespmem:v3+s25+$0x0], $0xffff  }
0x1da: {  	[tilespmem:s18+$0xFFFFFFB0] =	vst v12;
	v10 =	vld.idx.msk [tilespmem:v4+s25+$0x0], $0xffff  }
0x1db: {  	[tilespmem:s18+$0xFFFFFFC0] =	vst v14;
	v12 =	vld.idx.msk [tilespmem:v5+s25+$0x0], $0xffff  }
0x1dc: {  	[tilespmem:s18+$0xFFFFFFE0] =	vst v16;
	v14 =	vld.idx.msk [tilespmem:v7+s25+$0x0], $0xffff  }
0x1dd: {  	[tilespmem:s18+$0xFFFFFFF0] =	vst v18;
	v21 =	vld.idx.msk [tilespmem:v9+s25+$0x0], $0xffff  }
0x1de: {  	[tilespmem:s18+$0x0] =	vst v34;
	v20 =	vld.idx.msk [tilespmem:v11+s25+$0x0], $0xffff  }
0x1df: {  	[tilespmem:s18+$0x10] =	vst v26;
	v18 =	vld.idx.msk [tilespmem:v13+s25+$0x0], $0xffff  }
0x1e0: {  	[tilespmem:s18+$0x20] =	vst v28;
	v17 =	vld.idx.msk [tilespmem:v17+s25+$0x0], $0xffff  }
0x1e1: {  	s20 =	simm.s32 $0xB880;
	[tilespmem:s18+$0x30] =	vst v29;
	v19 =	vld.idx.msk [tilespmem:v19+s25+$0x0], $0xffff  }
0x1e2: {  	[tilespmem:s20+$0x70] =	vst v15;
	v15 =	vld.idx.msk [tilespmem:v8+s23+$0x0], $0xffff  }
0x1e3: {  	s26 =	simm.s32 $0x10;
	[tilespmem:s18+$0x40] =	vst v30;
	v22 =	vld.idx.msk [tilespmem:v22+s25+$0x0], $0xffff  }
0x1e4: {  	s3 =	simm.s32 $0x11;
	v1 =	vor.u32 s26, v0;
	[tilespmem:s18+$0x50] =	vst v31;
	v24 =	vld.idx.msk [tilespmem:v24+s25+$0x0], $0xffff  }
0x1e5: {  	s19 =	simm.s32 $0x12;
	[tilespmem:s18+$0x60] =	vst v32;
	v3 =	vor.u32 s3, v0;
	v26 =	vld.idx.msk [tilespmem:v25+s25+$0x0], $0xffff  }
0x1e6: {  	s2 =	simm.s32 $0x13;
	[tilespmem:s18+$0xFFFFFF80] =	vst v33;
	v4 =	vor.u32 s19, v0;
	v28 =	vld.idx.msk [tilespmem:v27+s25+$0x0], $0xffff  }
0x1e7: {  	v5 =	vor.u32 s2, v0;
	s3 =	simm.s32 $0x14;
	v29 =	vld.idx.msk [tilespmem:v6+s25+$0x0], $0xffff;
	[tilespmem:s18+$0xFFFFFFD0] =	vst v15  }
0x1e8: {  	s19 =	simm.s32 $0x15;
	v6 =	vor.u32 s3, v0;
	v23 =	vld.idx.msk [tilespmem:v8+s25+$0x0], $0xffff  }
0x1e9: {  	s2 =	simm.s32 $0x16;
	v7 =	vor.u32 s19, v0;
	v2 =	vld.idx.msk [tilespmem:v1+s10+$0x0], $0xffff;
	[tilespmem:s20+$0xFFFFFF90] =	vst v35  }
0x1ea: {  	s3 =	simm.s32 $0x17;
	v25 =	vld.idx.msk [tilespmem:v3+s10+$0x0], $0xffff;
	[tilespmem:s20+$0xFFFFFFA0] =	vst v10;
	v8 =	vor.u32 s2, v0  }
0x1eb: {  	s28 =	simm.s32 $0x18;
	v9 =	vor.u32 s3, v0;
	v27 =	vld.idx.msk [tilespmem:v4+s10+$0x0], $0xffff;
	[tilespmem:s20+$0xFFFFFFB0] =	vst v12  }
0x1ec: {  	s19 =	sadd.s32 s15, s24;
	s24 =	simm.s32 $0x20;
	v30 =	vld.idx.msk [tilespmem:v5+s10+$0x0], $0xffff;
	v10 =	vor.u32 s28, v0;
	s28 =	simm.s32 $0x1F;
	[tilespmem:s20+$0xFFFFFFC0] =	vst v14  }
.LBB2_7:
0x1ed: {  	p1 =	slt.u32 s24, $0x70;
	v31 =	vld.idx.msk [tilespmem:v6+s10+$0x0], $0xffff;
	s1 =	sadd.s32 $0x9, s26;
	v32 =	vor.u32 s28, v0;
	[tilespmem:s20+$0xFFFFFFD0] =	vst v23  }
0x1ee: {  	v23 =	vld.idx.msk [tilespmem:v7+s10+$0x0], $0xffff;
	v11 =	vor.u32 s1, v0;
	s1 =	sadd.s32 $0xA, s26;
	[tilespmem:s20+$0xFFFFFFE0] =	vst v21  }
0x1ef: {  	v21 =	vld.idx.msk [tilespmem:v8+s10+$0x0], $0xffff;
	v13 =	vor.u32 s1, v0;
	s1 =	sadd.s32 $0xB, s26;
	[tilespmem:s20+$0xFFFFFFF0] =	vst v20  }
0x1f0: {  	v20 =	vld.idx.msk [tilespmem:v9+s10+$0x0], $0xffff;
	v14 =	vor.u32 s1, v0;
	s1 =	sadd.s32 $0xC, s26;
	[tilespmem:s20+$0x0] =	vst v18  }
0x1f1: {  	v18 =	vld.idx.msk [tilespmem:v10+s10+$0x0], $0xffff;
	v15 =	vor.u32 s1, v0;
	s1 =	sadd.s32 $0xD, s26;
	[tilespmem:s20+$0x10] =	vst v17  }
0x1f2: {  	v12 =	vor.u32 s1, v0;
	s1 =	sadd.s32 $0xE, s26;
	v17 =	vld.idx.msk [tilespmem:v32+s10+$0x0], $0xffff;
	[tilespmem:s20+$0x20] =	vst v19;
	s26 =	smov.u32 s24  }
0x1f3: {  	v19 =	vld.idx.msk [tilespmem:v11+s10+$0x0], $0xffff;
	v16 =	vor.u32 s1, v0;
	[tilespmem:s20+$0x30] =	vst v22  }
0x1f4: {  	v22 =	vld.idx.msk [tilespmem:v13+s10+$0x0], $0xffff;
	[tilespmem:s20+$0x40] =	vst v24  }
0x1f5: {  	v24 =	vld.idx.msk [tilespmem:v14+s10+$0x0], $0xffff;
	[tilespmem:s20+$0x50] =	vst v26  }
0x1f6: {  	v26 =	vld.idx.msk [tilespmem:v15+s10+$0x0], $0xffff;
	[tilespmem:s20+$0x60] =	vst v28  }
0x1f7: {  	s21 =	sadd.s32 $0x100, s21;
	v28 =	vld.idx.msk [tilespmem:v12+s10+$0x0], $0xffff;
	[tilespmem:s20+$0xFFFFFF80] =	vst v29  }
0x1f8: {  	v29 =	vld.idx.msk [tilespmem:v16+s10+$0x0], $0xffff;
	[tilespmem:s21+$0x70] =	vst v17  }
0x1f9: {  	[tilespmem:s21+$0xFFFFFF90] =	vst v25;
	v17 =	vld.idx.msk [tilespmem:v32+s22+$0x0], $0xffff  }
0x1fa: {  	v25 =	vld.idx.msk [tilespmem:v3+s22+$0x0], $0xffff;
	[tilespmem:s21+$0xFFFFFFA0] =	vst v27  }
0x1fb: {  	v27 =	vld.idx.msk [tilespmem:v4+s22+$0x0], $0xffff;
	[tilespmem:s21+$0xFFFFFFB0] =	vst v30  }
0x1fc: {  	v30 =	vld.idx.msk [tilespmem:v5+s22+$0x0], $0xffff;
	[tilespmem:s21+$0xFFFFFFC0] =	vst v31  }
0x1fd: {  	v31 =	vld.idx.msk [tilespmem:v6+s22+$0x0], $0xffff;
	[tilespmem:s21+$0xFFFFFFD0] =	vst v23  }
0x1fe: {  	s17 =	sadd.s32 $0x100, s17;
	v23 =	vld.idx.msk [tilespmem:v7+s22+$0x0], $0xffff;
	[tilespmem:s21+$0xFFFFFFE0] =	vst v21  }
0x1ff: {  	v21 =	vld.idx.msk [tilespmem:v8+s22+$0x0], $0xffff;
	[tilespmem:s17+$0x70] =	vst v17  }
0x200: {  	[tilespmem:s21+$0xFFFFFFF0] =	vst v20;
	v17 =	vld.idx.msk [tilespmem:v32+s23+$0x0], $0xffff  }
0x201: {  	v20 =	vld.idx.msk [tilespmem:v9+s22+$0x0], $0xffff;
	[tilespmem:s21+$0x0] =	vst v18  }
0x202: {  	v18 =	vld.idx.msk [tilespmem:v10+s22+$0x0], $0xffff;
	[tilespmem:s21+$0x10] =	vst v19  }
0x203: {  	v19 =	vld.idx.msk [tilespmem:v11+s22+$0x0], $0xffff;
	[tilespmem:s21+$0x20] =	vst v22  }
0x204: {  	v22 =	vld.idx.msk [tilespmem:v13+s22+$0x0], $0xffff;
	[tilespmem:s21+$0x30] =	vst v24  }
0x205: {  	s18 =	sadd.s32 $0x100, s18;
	v24 =	vld.idx.msk [tilespmem:v14+s22+$0x0], $0xffff;
	[tilespmem:s21+$0x40] =	vst v26  }
0x206: {  	v26 =	vld.idx.msk [tilespmem:v15+s22+$0x0], $0xffff;
	[tilespmem:s18+$0x70] =	vst v17  }
0x207: {  	[tilespmem:s21+$0x50] =	vst v28;
	v17 =	vld.idx.msk [tilespmem:v32+s25+$0x0], $0xffff  }
0x208: {  	v28 =	vld.idx.msk [tilespmem:v12+s22+$0x0], $0xffff;
	[tilespmem:s21+$0x60] =	vst v29  }
0x209: {  	v32 =	vor.u32 s24, v0;
	[tilespmem:s21+$0xFFFFFF80] =	vst v2;
	v29 =	vld.idx.msk [tilespmem:v16+s22+$0x0], $0xffff  }
0x20a: {  	v33 =	vld.idx.msk [tilespmem:v1+s22+$0x0], $0xffff;
	[tilespmem:s17+$0xFFFFFF90] =	vst v25  }
0x20b: {  	v25 =	vld.idx.msk [tilespmem:v3+s23+$0x0], $0xffff;
	[tilespmem:s17+$0xFFFFFFA0] =	vst v27  }
0x20c: {  	s20 =	sadd.s32 $0x100, s20;
	v27 =	vld.idx.msk [tilespmem:v4+s23+$0x0], $0xffff;
	[tilespmem:s17+$0xFFFFFFB0] =	vst v30  }
0x20d: {  	v30 =	vld.idx.msk [tilespmem:v5+s23+$0x0], $0xffff;
	[tilespmem:s20+$0x70] =	vst v17  }
0x20e: {  	v2 =	vld.idx.msk [tilespmem:v32+s10+$0x0], $0xffff;
	[tilespmem:s17+$0xFFFFFFC0] =	vst v31  }
0x20f: {  	v17 =	vld.idx.msk [tilespmem:v6+s23+$0x0], $0xffff;
	[tilespmem:s17+$0xFFFFFFD0] =	vst v23  }
0x210: {  	v23 =	vld.idx.msk [tilespmem:v7+s23+$0x0], $0xffff;
	[tilespmem:s17+$0xFFFFFFE0] =	vst v21  }
0x211: {  	v21 =	vld.idx.msk [tilespmem:v8+s23+$0x0], $0xffff;
	[tilespmem:s17+$0xFFFFFFF0] =	vst v20  }
0x212: {  	v20 =	vld.idx.msk [tilespmem:v9+s23+$0x0], $0xffff;
	[tilespmem:s17+$0x0] =	vst v18  }
0x213: {  	v18 =	vld.idx.msk [tilespmem:v10+s23+$0x0], $0xffff;
	[tilespmem:s17+$0x10] =	vst v19  }
0x214: {  	v19 =	vld.idx.msk [tilespmem:v11+s23+$0x0], $0xffff;
	[tilespmem:s17+$0x20] =	vst v22  }
0x215: {  	v22 =	vld.idx.msk [tilespmem:v13+s23+$0x0], $0xffff;
	[tilespmem:s17+$0x30] =	vst v24  }
0x216: {  	v24 =	vld.idx.msk [tilespmem:v14+s23+$0x0], $0xffff;
	[tilespmem:s17+$0x40] =	vst v26  }
0x217: {  	v26 =	vld.idx.msk [tilespmem:v15+s23+$0x0], $0xffff;
	[tilespmem:s17+$0x50] =	vst v28  }
0x218: {  	v28 =	vld.idx.msk [tilespmem:v12+s23+$0x0], $0xffff;
	[tilespmem:s17+$0x60] =	vst v29  }
0x219: {  	[tilespmem:s17+$0xFFFFFF80] =	vst v33;
	v29 =	vld.idx.msk [tilespmem:v16+s23+$0x0], $0xffff  }
0x21a: {  	v31 =	vld.idx.msk [tilespmem:v1+s23+$0x0], $0xffff;
	[tilespmem:s18+$0xFFFFFF90] =	vst v25  }
0x21b: {  	v25 =	vld.idx.msk [tilespmem:v3+s25+$0x0], $0xffff;
	[tilespmem:s18+$0xFFFFFFA0] =	vst v27  }
0x21c: {  	v27 =	vld.idx.msk [tilespmem:v4+s25+$0x0], $0xffff;
	[tilespmem:s18+$0xFFFFFFB0] =	vst v30  }
0x21d: {  	v30 =	vld.idx.msk [tilespmem:v5+s25+$0x0], $0xffff;
	[tilespmem:s18+$0xFFFFFFC0] =	vst v17  }
0x21e: {  	v33 =	vld.idx.msk [tilespmem:v6+s25+$0x0], $0xffff;
	[tilespmem:s18+$0xFFFFFFD0] =	vst v23  }
0x21f: {  	v23 =	vld.idx.msk [tilespmem:v7+s25+$0x0], $0xffff;
	[tilespmem:s18+$0xFFFFFFE0] =	vst v21  }
0x220: {  	v21 =	vld.idx.msk [tilespmem:v8+s25+$0x0], $0xffff;
	[tilespmem:s18+$0xFFFFFFF0] =	vst v20  }
0x221: {  	v20 =	vld.idx.msk [tilespmem:v9+s25+$0x0], $0xffff;
	[tilespmem:s18+$0x0] =	vst v18  }
0x222: {  	v18 =	vld.idx.msk [tilespmem:v10+s25+$0x0], $0xffff;
	[tilespmem:s18+$0x10] =	vst v19  }
0x223: {  	v17 =	vld.idx.msk [tilespmem:v11+s25+$0x0], $0xffff;
	[tilespmem:s18+$0x20] =	vst v22  }
0x224: {  	s1 =	sadd.s32 $0x1, s24;
	v19 =	vld.idx.msk [tilespmem:v13+s25+$0x0], $0xffff;
	[tilespmem:s18+$0x30] =	vst v24  }
0x225: {  	v3 =	vor.u32 s1, v0;
	s1 =	sadd.s32 $0x2, s24;
	v22 =	vld.idx.msk [tilespmem:v14+s25+$0x0], $0xffff;
	[tilespmem:s18+$0x40] =	vst v26  }
0x226: {  	v4 =	vor.u32 s1, v0;
	s1 =	sadd.s32 $0x3, s24;
	v24 =	vld.idx.msk [tilespmem:v15+s25+$0x0], $0xffff;
	[tilespmem:s18+$0x50] =	vst v28  }
0x227: {  	v5 =	vor.u32 s1, v0;
	s1 =	sadd.s32 $0x4, s24;
	v26 =	vld.idx.msk [tilespmem:v12+s25+$0x0], $0xffff;
	[tilespmem:s18+$0x60] =	vst v29  }
.Ltmp7:
0x228: {  	v6 =	vor.u32 s1, v0;
	s1 =	sadd.s32 $0x5, s24;
	[tilespmem:s18+$0xFFFFFF80] =	vst v31;
	v28 =	vld.idx.msk [tilespmem:v16+s25+$0x0], $0xffff;
	(pc) =	sbr.rel @p1 .LBB2_7-.Ltmp7, $4  }
0x229: {  	v7 =	vor.u32 s1, v0;
	s1 =	sadd.s32 $0x6, s24;
	v29 =	vld.idx.msk [tilespmem:v1+s25+$0x0], $0xffff;
	[tilespmem:s20+$0xFFFFFF90] =	vst v25;
	v1 =	vmov v32  }
0x22a: {  	v8 =	vor.u32 s1, v0;
	s1 =	sadd.s32 $0x7, s24;
	v25 =	vld.idx.msk [tilespmem:v3+s10+$0x0], $0xffff;
	[tilespmem:s20+$0xFFFFFFA0] =	vst v27  }
0x22b: {  	v9 =	vor.u32 s1, v0;
	s1 =	sadd.s32 $0x8, s24;
	v27 =	vld.idx.msk [tilespmem:v4+s10+$0x0], $0xffff;
	[tilespmem:s20+$0xFFFFFFB0] =	vst v30  }
0x22c: {  	s28 =	sadd.s32 $0xF, s26;
	s24 =	sadd.s32 $0x10, s24;
	v10 =	vor.u32 s1, v0;
	v30 =	vld.idx.msk [tilespmem:v5+s10+$0x0], $0xffff;
	[tilespmem:s20+$0xFFFFFFC0] =	vst v33  }
0x22d: {  	[tilespmem:s20+$0xFFFFFFD0] =	vst v23  }
0x22e: {  	[tilespmem:s20+$0xFFFFFFE0] =	vst v21  }
0x22f: {  	[tilespmem:s20+$0xFFFFFFF0] =	vst v20  }
0x230: {  	[tilespmem:s20+$0x0] =	vst v18  }
0x231: {  	[tilespmem:s20+$0x10] =	vst v17  }
0x232: {  	[tilespmem:s20+$0x20] =	vst v19  }
0x233: {  	[tilespmem:s20+$0x30] =	vst v22  }
0x234: {  	[tilespmem:s20+$0x40] =	vst v24  }
0x235: {  	[tilespmem:s20+$0x50] =	vst v26  }
0x236: {  	[tilespmem:s20+$0x60] =	vst v28  }
0x237: {  	v13 =	vld.idx.msk [tilespmem:v6+s10+$0x0], $0xffff;
	s21 =	sadd.s32 $0x100, s21;
	[tilespmem:s20+$0xFFFFFF80] =	vst v29  }
0x238: {  	v14 =	vld.idx.msk [tilespmem:v7+s10+$0x0], $0xffff;
	[tilespmem:s21+$0xFFFFFF80] =	vst v2  }
0x239: {  	v58 =	vld.idx.msk [tilespmem:v8+s10+$0x0], $0xffff;
	[tilespmem:s21+$0xFFFFFF90] =	vst v25  }
0x23a: {  	v11 =	vor.u32 s28, v0;
	v60 =	vld.idx.msk [tilespmem:v9+s10+$0x0], $0xffff;
	[tilespmem:s21+$0xFFFFFFA0] =	vst v27  }
0x23b: {  	s1 =	sadd.s32 $0x9, s26;
	v61 =	vld.idx.msk [tilespmem:v10+s10+$0x0], $0xffff;
	[tilespmem:s21+$0xFFFFFFB0] =	vst v30  }
0x23c: {  	s28 =	sadd.s32 $0xA, s26;
	v15 =	vor.u32 s1, v0;
	v42 =	vld.idx.msk [tilespmem:v1+s22+$0x0], $0xffff;
	[tilespmem:s21+$0xFFFFFFC0] =	vst v13  }
0x23d: {  	s2 =	sadd.s32 $0xB, s26;
	v16 =	vor.u32 s28, v0;
	v30 =	vld.idx.msk [tilespmem:v3+s22+$0x0], $0xffff;
	[tilespmem:s21+$0xFFFFFFD0] =	vst v14  }
0x23e: {  	s3 =	sadd.s32 $0xC, s26;
	v17 =	vor.u32 s2, v0;
	v31 =	vld.idx.msk [tilespmem:v4+s22+$0x0], $0xffff;
	[tilespmem:s21+$0xFFFFFFE0] =	vst v58  }
0x23f: {  	v20 =	vor.u32 s3, v0;
	v12 =	vld.idx.msk [tilespmem:v11+s10+$0x0], $0xffff;
	[tilespmem:s21+$0xFFFFFFF0] =	vst v60  }
0x240: {  	s2 =	sadd.s32 $0x100, s17;
	[tilespmem:s21+$0x0] =	vst v61;
	v32 =	vld.idx.msk [tilespmem:v5+s22+$0x0], $0xffff  }
0x241: {  	v62 =	vld.idx.msk [tilespmem:v15+s10+$0x0], $0xffff;
	[tilespmem:s2+$0xFFFFFF80] =	vst v42  }
0x242: {  	v24 =	vld.idx.msk [tilespmem:v16+s10+$0x0], $0xffff;
	[tilespmem:s2+$0xFFFFFF90] =	vst v30  }
0x243: {  	v25 =	vld.idx.msk [tilespmem:v17+s10+$0x0], $0xffff;
	[tilespmem:s2+$0xFFFFFFA0] =	vst v31  }
0x244: {  	s28 =	sadd.s32 $0xE, s26;
	v26 =	vld.idx.msk [tilespmem:v20+s10+$0x0], $0xffff;
	[tilespmem:s21+$0x70] =	vst v12  }
0x245: {  	v63 =	vor.u32 s28, v0;
	v33 =	vld.idx.msk [tilespmem:v6+s22+$0x0], $0xffff;
	[tilespmem:s2+$0xFFFFFFB0] =	vst v32  }
0x246: {  	s24 =	sadd.s32 $0xD, s26;
	v2 =	vld.idx.msk [tilespmem:v7+s22+$0x0], $0xffff;
	[tilespmem:s21+$0x10] =	vst v62  }
0x247: {  	v13 =	vor.u32 s24, v0;
	v34 =	vld.idx.msk [tilespmem:v8+s22+$0x0], $0xffff;
	[tilespmem:s21+$0x20] =	vst v24  }
0x248: {  	v35 =	vld.idx.msk [tilespmem:v9+s22+$0x0], $0xffff;
	[tilespmem:s21+$0x30] =	vst v25  }
0x249: {  	v36 =	vld.idx.msk [tilespmem:v10+s22+$0x0], $0xffff;
	[tilespmem:s21+$0x40] =	vst v26  }
0x24a: {  	v29 =	vld.idx.msk [tilespmem:v63+s10+$0x0], $0xffff;
	[tilespmem:s2+$0xFFFFFFC0] =	vst v33  }
0x24b: {  	v54 =	vld.idx.msk [tilespmem:v1+s23+$0x0], $0xffff;
	[tilespmem:s2+$0xFFFFFFD0] =	vst v2  }
0x24c: {  	v28 =	vld.idx.msk [tilespmem:v13+s10+$0x0], $0xffff;
	[tilespmem:s2+$0xFFFFFFE0] =	vst v34  }
0x24d: {  	v43 =	vld.idx.msk [tilespmem:v3+s23+$0x0], $0xffff;
	[tilespmem:s2+$0xFFFFFFF0] =	vst v35  }
0x24e: {  	v59 =	vld.idx.msk [tilespmem:v11+s22+$0x0], $0xffff;
	[tilespmem:s2+$0x0] =	vst v36  }
0x24f: {  	s18 =	sadd.s32 $0x100, s18;
	v44 =	vld.idx.msk [tilespmem:v5+s23+$0x0], $0xffff;
	[tilespmem:s21+$0x60] =	vst v29  }
0x250: {  	v37 =	vld.idx.msk [tilespmem:v15+s22+$0x0], $0xffff;
	[tilespmem:s18+$0xFFFFFF80] =	vst v54  }
0x251: {  	v38 =	vld.idx.msk [tilespmem:v16+s22+$0x0], $0xffff;
	[tilespmem:s21+$0x50] =	vst v28  }
0x252: {  	v2 =	vld.idx.msk [tilespmem:v17+s22+$0x0], $0xffff;
	[tilespmem:s18+$0xFFFFFF90] =	vst v43  }
0x253: {  	v39 =	vld.idx.msk [tilespmem:v20+s22+$0x0], $0xffff;
	[tilespmem:s2+$0x70] =	vst v59  }
0x254: {  	v45 =	vld.idx.msk [tilespmem:v6+s23+$0x0], $0xffff;
	[tilespmem:s18+$0xFFFFFFB0] =	vst v44  }
0x255: {  	v46 =	vld.idx.msk [tilespmem:v7+s23+$0x0], $0xffff;
	[tilespmem:s2+$0x10] =	vst v37  }
0x256: {  	v47 =	vld.idx.msk [tilespmem:v8+s23+$0x0], $0xffff;
	[tilespmem:s2+$0x20] =	vst v38  }
0x257: {  	v48 =	vld.idx.msk [tilespmem:v9+s23+$0x0], $0xffff;
	[tilespmem:s2+$0x30] =	vst v2  }
0x258: {  	v41 =	vld.idx.msk [tilespmem:v63+s22+$0x0], $0xffff;
	[tilespmem:s2+$0x40] =	vst v39  }
0x259: {  	v1 =	vld.idx.msk [tilespmem:v1+s25+$0x0], $0xffff;
	[tilespmem:s18+$0xFFFFFFC0] =	vst v45  }
0x25a: {  	v40 =	vld.idx.msk [tilespmem:v13+s22+$0x0], $0xffff;
	[tilespmem:s18+$0xFFFFFFD0] =	vst v46  }
0x25b: {  	v3 =	vld.idx.msk [tilespmem:v3+s25+$0x0], $0xffff;
	[tilespmem:s18+$0xFFFFFFE0] =	vst v47  }
0x25c: {  	v27 =	vld.idx.msk [tilespmem:v11+s23+$0x0], $0xffff;
	[tilespmem:s18+$0xFFFFFFF0] =	vst v48  }
0x25d: {  	s3 =	sadd.s32 $0x100, s20;
	v2 =	vld.idx.msk [tilespmem:v4+s23+$0x0], $0xffff;
	[tilespmem:s2+$0x60] =	vst v41  }
0x25e: {  	v56 =	vld.idx.msk [tilespmem:v5+s25+$0x0], $0xffff;
	[tilespmem:s3+$0xFFFFFF80] =	vst v1  }
0x25f: {  	v49 =	vld.idx.msk [tilespmem:v15+s23+$0x0], $0xffff;
	[tilespmem:s2+$0x50] =	vst v40  }
0x260: {  	v50 =	vld.idx.msk [tilespmem:v16+s23+$0x0], $0xffff;
	[tilespmem:s3+$0xFFFFFF90] =	vst v3  }
0x261: {  	v51 =	vld.idx.msk [tilespmem:v17+s23+$0x0], $0xffff;
	[tilespmem:s18+$0x70] =	vst v27  }
0x262: {  	v52 =	vld.idx.msk [tilespmem:v20+s23+$0x0], $0xffff;
	[tilespmem:s18+$0xFFFFFFA0] =	vst v2  }
0x263: {  	v2 =	vld.idx.msk [tilespmem:v10+s23+$0x0], $0xffff;
	[tilespmem:s3+$0xFFFFFFB0] =	vst v56  }
0x264: {  	v57 =	vld.idx.msk [tilespmem:v6+s25+$0x0], $0xffff;
	[tilespmem:s18+$0x10] =	vst v49  }
0x265: {  	v58 =	vld.idx.msk [tilespmem:v8+s25+$0x0], $0xffff;
	[tilespmem:s18+$0x20] =	vst v50  }
0x266: {  	v3 =	vld.idx.msk [tilespmem:v9+s25+$0x0], $0xffff;
	[tilespmem:s18+$0x30] =	vst v51  }
0x267: {  	v53 =	vld.idx.msk [tilespmem:v13+s23+$0x0], $0xffff;
	[tilespmem:s18+$0x40] =	vst v52  }
0x268: {  	[tilespmem:s18+$0x0] =	vst v2;
	v2 =	vld.idx.msk [tilespmem:v63+s23+$0x0], $0xffff  }
0x269: {  	v11 =	vld.idx.msk [tilespmem:v11+s25+$0x0], $0xffff;
	[tilespmem:s3+$0xFFFFFFC0] =	vst v57  }
0x26a: {  	v55 =	vld.idx.msk [tilespmem:v4+s25+$0x0], $0xffff;
	[tilespmem:s3+$0xFFFFFFE0] =	vst v58  }
0x26b: {  	v60 =	vld.idx.msk [tilespmem:v15+s25+$0x0], $0xffff;
	[tilespmem:s3+$0xFFFFFFF0] =	vst v3  }
0x26c: {  	v61 =	vld.idx.msk [tilespmem:v16+s25+$0x0], $0xffff;
	[tilespmem:s18+$0x50] =	vst v53  }
0x26d: {  	[tilespmem:s18+$0x60] =	vst v2;
	v2 =	vld.idx.msk [tilespmem:v7+s25+$0x0], $0xffff  }
0x26e: {  	v62 =	vld.idx.msk [tilespmem:v20+s25+$0x0], $0xffff;
	[tilespmem:s3+$0x70] =	vst v11  }
0x26f: {  	[tilespmem:s3+$0xFFFFFFA0] =	vst v55;
	v59 =	vld.idx.msk [tilespmem:v10+s25+$0x0], $0xffff  }
0x270: {  	v3 =	vld.idx.msk [tilespmem:v13+s25+$0x0], $0xffff;
	[tilespmem:s3+$0x10] =	vst v60  }
0x271: {  	[tilespmem:s3+$0x20] =	vst v61;
	v63 =	vld.idx.msk [tilespmem:v63+s25+$0x0], $0xffff  }
0x272: {  	[tilespmem:s3+$0xFFFFFFD0] =	vst v2;
	v2 =	vld.idx.msk [tilespmem:v17+s25+$0x0], $0xffff  }
0x273: {  	[tilespmem:s3+$0x40] =	vst v62  }
0x274: {  	[tilespmem:s3+$0x0] =	vst v59  }
0x275: {  	s18 =	sshll.u32 s19, $0x8;
	[tilespmem:s3+$0x50] =	vst v3  }
0x276: {  	s1 =	sand.u32 $0x1FFFFF00, s18;
	[tilespmem:s3+$0x60] =	vst v63  }
0x277: {  	s2 =	simm.s32 $0xA000;
	s19 =	sadd.s32 s11, s1;
	[tilespmem:s3+$0x30] =	vst v2  }
0x278: {  	[hbm4b:s19+s6] =	stream.linear.scatter [tilespmem:s2], [sflag:$0x4], $0x800, $0x38;
	[tilespmem:$0xC400] =	vst v63  }
0x279: {  	s21 =	simm.s32 $0xA800;
	s20 =	sadd.s32 s12, s1  }
0x27a: {  	[hbm4b:s20+s6] =	stream.linear.scatter [tilespmem:s21], [sflag:$0x4], $0x800, $0x38;
	[tilespmem:$0xC400] =	vst v63  }
.Ltmp8:
0x27b: {  	_ = 	snop;
	(pc) =	sbr.rel .LBB2_9-.Ltmp8, $4  }
0x27c: {  	s26 =	simm.s32 $0xB000;
	s24 =	sadd.s32 s13, s1  }
0x27d: {  	[hbm4b:s24+s6] =	stream.linear.scatter [tilespmem:s26], [sflag:$0x4], $0x800, $0x38;
	[tilespmem:$0xC400] =	vst v63  }
0x27e: {  	s28 =	simm.s32 $0xB800;
	s1 =	sadd.s32 s14, s1  }
0x27f: {  	[hbm4b:s1+s6] =	stream.linear.scatter [tilespmem:s28], [sflag:$0x4], $0x800, $0x38;
	[tilespmem:$0xC400] =	vst v63  }
.LBB2_11:
0x280: {  	_ =	sfence.sel $0x180000  }
0x281: {  	[bflag:$0x0] =	sbarrier.arrive $0xFFFF  }
0x282: {  	_ =	strace $0x90000047  }
0x283: {  	s0 =	stileid.u32;
	[bflag:$0x2] =	sbarrier.arrive $0xFFFF  }
0x284: {  	p0 =	sne.s32 s0, $0x0;
	s0 =	rddreg [dreg:$0x6]  }
0x285: {  	s0 =	sadd.s32 @!p0 $0x100000, s0  }
0x286: {  	[sflag:s0] =	ssyncadd.tile.s32 @!p0 $0x1;
	_ =	shalt  }
.Lfunc_end2:
_tile_overlayer_lowered:
.L_overlay_start_2:
0x287: {  	(tag) =	ssettag $0x2  }
0x288: {  	s0 =	rddreg [dreg:$0x0];
	s2 =	stileid.u32  }
0x289: {  	s1 =	rddreg [dreg:$0x1];
	p0 =	sne.s32 s2, $0x0  }
0x28a: {  	s3 =	rddreg [dreg:$0x2];
	[bflag:$0x3] =	sbarrier.arrive $0xFFFF;
	s2 =	simm.s32 @!p0 $0x1C05  }
0x28b: {  	[timem:s3], [sflag:s2] =	dma.local @!p0 [hbm:s0], s1  }
0x28c: {  	s0 =	simm.s32 @!p0 $0x5  }
0x28d: {  	_ =	swait.ge @!p0 [sflag:s0], s1  }
0x28e: {  	s1 =	ssub.s32 @!p0 $0x0, s1;
	[sflag:s0] =	ssyncset.done @!p0 $0x0  }
0x28f: {  	[sflag:s0] =	ssyncadd.s32 @!p0 s1  }
0x290: {  	[bflag:$0x3] =	sbarrier.arrive $0xFFFF  }
0x291: {  	_ =	shalt  }

// kernel: kernel.7.cloned.1.call-start
scs
__scs_entry_jumppad:
0x0: {  	(pc) =	sbr.rel $0x88, $3  }
0x1: {  	(tag) =	ssettag $0x0;
	lr =	simm.s32 $0x1  }
0x2: {  	[smem:$0x3F9C] =	sst lr;
	_ =	strace $0xD0000000  }
0x3: {  	_ = 	snop  }
0x4: {  	_ = 	snop  }
0x5: {  	_ = 	snop  }
0x6: {  	_ = 	snop  }
0x7: {  	_ = 	snop  }
__scs_overlays_trampoline_lowered:
0x8: {  	[smem:$0x3FAB] =	sst s0  }
0x9: {  	[smem:$0x3FAC] =	sst s1  }
0xa: {  	[smem:$0x3FAD] =	sst s2  }
0xb: {  	[smem:$0x3FAE] =	sst s3  }
0xc: {  	[smem:$0x3FAF] =	sst s4  }
0xd: {  	[smem:$0x3FB0] =	sst s5  }
0xe: {  	[smem:$0x3FB1] =	sst s6  }
0xf: {  	[smem:$0x3FB2] =	sst s7  }
0x10: {  	[smem:$0x3FB3] =	sst s8  }
0x11: {  	[smem:$0x3FB4] =	sst s9;
	s0 =	simm.s32 @!p0 $0x0  }
0x12: {  	s1 =	sld [smem:$0x3F9A];
	s0 =	simm.s32 @p0 $0x1  }
0x13: {  	[smem:$0x3FB5] =	sst s0;
	s0 =	simm.s32 @!p1 $0x0  }
0x14: {  	s2 =	sld [smem:$0x3F99];
	s0 =	simm.s32 @p1 $0x1  }
0x15: {  	[smem:$0x3FB6] =	sst s0;
	s0 =	simm.s32 @!p2 $0x0  }
0x16: {  	s3 =	sld [smem:$0x3FDB];
	s0 =	simm.s32 @p2 $0x1  }
0x17: {  	s4 =	simm.s32 $0x1BF5;
	[smem:$0x3FB8] =	sst s0  }
0x18: {  	s0 =	sld [smem:$0x3F9B];
	_ =	swait.ge [sflag:s4], $0x0  }
0x19: {  	s7 =	sld [smem:$0x3F9C]  }
0x1a: {  	s8 =	sadd.s32 $0xFFFFE003, lr  }
0x1b: {  	s9 =	sadd.s32 $0xFFFFFEF7, lr;
	s5 =	simm.s32 $0xFFFFFFFF;
	p2 =	slt.u32 s8, $0xFFFFF086  }
0x1c: {  	p1 =	slt.u32 s9, $0xF7A;
	s5 =	simm.s32 @!p2 $0x0  }
0x1d: {  	s5 =	simm.s32 @p1 $0x1;
	p0 =	seq.s32 s7, s2  }
0x1e: {  	s7 =	smul.u32 @!p0 $0xF7A, s2;
	p2 =	seq.s32 @!p0 s5, $0x0  }
0x1f: {  	s9 =	smul.u32 $0xF7A, s1;
	s8 =	simm.s32 @!p0 $0x1BF5;
	p2 =	por !p2, p0  }
0x20: {  	[sflag:s8] =	ssyncset.s32 @!p0 $0xFFFFF086;
	s6 =	sadd.s32 @!p0 s3, s7;
	s7 =	simm.s32 @!p0 $0x108  }
0x21: {  	s3 =	sadd.s32 s3, s9;
	s6 =	sadd.s32 @!p0 $0x88, s6;
	s7 =	simm.s32 @p2 $0x1082  }
0x22: {  	[simem:s7], [sflag:s8] =	dma.local @!p0 [hbm:s6], $0xF7A  }
0x23: {  	s9 =	sor.u32 $0xD0000000, s2;
	s6 =	simm.s32 $0x108;
	_ =	swait.ge @!p0 [sflag:s8], $0x0  }
0x24: {  	s3 =	sadd.s32 $0x88, s3;
	s6 =	simm.s32 @!p1 $0x1082;
	[sflag:s4] =	ssyncset.s32 $0xFFFFF086  }
0x25: {  	[simem:s6], [sflag:s4] =	dma.local [hbm:s3], $0xF7A  }
0x26: {  	[smem:$0x3F9C] =	sst s1;
	(tag) =	ssettag s2;
	_ =	strace s9  }
0x27: {  	s1 =	sld [smem:$0x3FAC]  }
0x28: {  	s2 =	sld [smem:$0x3FAD]  }
0x29: {  	s4 =	sld [smem:$0x3FAF]  }
0x2a: {  	p0 =	seq.s32 s5, $0x0;
	s5 =	sld [smem:$0x3FB0]  }
0x2b: {  	s6 =	sld [smem:$0x3FB1]  }
0x2c: {  	s7 =	sld [smem:$0x3FB2]  }
0x2d: {  	s3 =	simm.s32 $0x108;
	s8 =	sld [smem:$0x3FB3]  }
0x2e: {  	s3 =	simm.s32 @!p0 $0x1082;
	s9 =	sld [smem:$0x3FB4]  }
0x2f: {  	lr =	sadd.s32 s0, s3;
	s0 =	sld [smem:$0x3FAB]  }
0x30: {  	s3 =	sld [smem:$0x3FAE]  }
0x31: {  	[smem:$0x3FB7] =	sst s10  }
0x32: {  	s10 =	sld [smem:$0x3FB5];
	_ =	sdelay $0x3  }
0x33: {  	p0 =	seq.s32 s10, $0x1;
	s10 =	sld [smem:$0x3FB7];
	_ =	sdelay $0x3  }
0x34: {  	[smem:$0x3FB7] =	sst s10  }
0x35: {  	s10 =	sld [smem:$0x3FB6];
	_ =	sdelay $0x3  }
0x36: {  	p1 =	seq.s32 s10, $0x1;
	s10 =	sld [smem:$0x3FB7];
	_ =	sdelay $0x3  }
0x37: {  	[smem:$0x3FB7] =	sst s10  }
0x38: {  	s10 =	sld [smem:$0x3FB8]  }
0x39: {  	_ = 	snop;
	(pc) =	sbr.ind lr, $3  }
0x3a: {  	_ = 	snop  }
0x3b: {  	_ = 	snop  }
0x3c: {  	p2 =	seq.s32 s10, $0x1;
	s10 =	sld [smem:$0x3FB7]  }
0x3d: {  	_ =	shalt  }
0x3e: {  	_ =	shalt  }
0x3f: {  	_ =	shalt  }
0x40: {  	_ =	shalt  }
0x41: {  	_ =	shalt  }
0x42: {  	_ =	shalt  }
0x43: {  	_ =	shalt  }
0x44: {  	_ =	shalt  }
0x45: {  	_ =	shalt  }
0x46: {  	_ =	shalt  }
0x47: {  	_ =	shalt  }
0x48: {  	_ =	shalt  }
0x49: {  	_ =	shalt  }
0x4a: {  	_ =	shalt  }
0x4b: {  	_ =	shalt  }
0x4c: {  	_ =	shalt  }
0x4d: {  	_ =	shalt  }
0x4e: {  	_ =	shalt  }
0x4f: {  	_ =	shalt  }
0x50: {  	_ =	shalt  }
0x51: {  	_ =	shalt  }
0x52: {  	_ =	shalt  }
0x53: {  	_ =	shalt  }
0x54: {  	_ =	shalt  }
0x55: {  	_ =	shalt  }
0x56: {  	_ =	shalt  }
0x57: {  	_ =	shalt  }
0x58: {  	_ =	shalt  }
0x59: {  	_ =	shalt  }
0x5a: {  	_ =	shalt  }
0x5b: {  	_ =	shalt  }
0x5c: {  	_ =	shalt  }
0x5d: {  	_ =	shalt  }
0x5e: {  	_ =	shalt  }
0x5f: {  	_ =	shalt  }
0x60: {  	_ =	shalt  }
0x61: {  	_ =	shalt  }
0x62: {  	_ =	shalt  }
0x63: {  	_ =	shalt  }
0x64: {  	_ =	shalt  }
0x65: {  	_ =	shalt  }
0x66: {  	_ =	shalt  }
0x67: {  	_ =	shalt  }
0x68: {  	_ =	shalt  }
0x69: {  	_ =	shalt  }
0x6a: {  	_ =	shalt  }
0x6b: {  	_ =	shalt  }
0x6c: {  	_ =	shalt  }
0x6d: {  	_ =	shalt  }
0x6e: {  	_ =	shalt  }
0x6f: {  	_ =	shalt  }
0x70: {  	_ =	shalt  }
0x71: {  	_ =	shalt  }
0x72: {  	_ =	shalt  }
0x73: {  	_ =	shalt  }
0x74: {  	_ =	shalt  }
0x75: {  	_ =	shalt  }
0x76: {  	_ =	shalt  }
0x77: {  	_ =	shalt  }
0x78: {  	_ =	shalt  }
0x79: {  	_ =	shalt  }
0x7a: {  	_ =	shalt  }
0x7b: {  	_ =	shalt  }
0x7c: {  	_ =	shalt  }
0x7d: {  	_ =	shalt  }
0x7e: {  	_ =	shalt  }
0x7f: {  	_ =	shalt  }
0x80: {  	_ =	shalt  }
0x81: {  	_ =	shalt  }
0x82: {  	_ =	shalt  }
0x83: {  	_ =	shalt  }
0x84: {  	_ =	shalt  }
0x85: {  	_ =	shalt  }
0x86: {  	_ =	shalt  }
0x87: {  	_ =	shalt  }
.Lfunc_end0:
.L_simem_size_0:
called_computation.2_lowered:
.L_overlay_start_0:
0x88: {  	s2 =	sld [smem:$0x3FD9]  }
0x89: {  	s3 =	sld [smem:$0x3FFE];
	_ =	sdelay $0x1  }
0x8a: {  	s1 =	srdreg.scid  }
0x8b: {  	s0 =	sand.u32 $0x1, s1  }
0x8c: {  	s17 =	sshll.u32 s0, $0xA;
	s2 =	sadd.s32 s3, s2  }
0x8d: {  	s2 =	sadd.s32 s2, s17  }
0x8e: {  	[smem:$0x3FC3] =	sst s2  }
0x8f: {  	_ = 	snop  }
0x90: {  	s2 =	sld [smem:$0x3FD0];
	(tm) =	ssettm $0x1  }
0x91: {  	s18 =	sld [smem:$0x3FFB];
	_ =	sdelay $0x3  }
0x92: {  	_ =	strace s18  }
0x93: {  	s3 =	sld [smem:$0x3FFC];
	_ =	sdelay $0x3  }
0x94: {  	_ =	strace s3  }
0x95: {  	s3 =	sld [smem:$0x3FFD];
	_ =	sdelay $0x3  }
0x96: {  	_ =	strace s3  }
0x97: {  	_ =	strace $0x8FFFFFFF  }
0x98: {  	s19 =	sld [smem:$0x3FDB];
	_ =	sdelay $0x1  }
0x99: {  	s4 =	simm.s32 $_scs_section_size  }
0x9a: {  	s5 =	simm.s32 $_size__tile_overlayer_lowered;
	s6 =	simm.s32 $_tile_overlayer_lowered  }
0x9b: {  	s22 =	simm.s32 $0x1BFF;
	s21 =	sshll.u32 s6, $0x1;
	s3 =	sadd.s32 s4, s19  }
0x9c: {  	s7 =	simm.s32 $0x0;
	s20 =	sshll.u32 s5, $0x1;
	s5 =	sadd.s32 s21, s3  }
0x9d: {  	[timem:s7], [sflag:s22] =	dma.local [hbm:s5], s20  }
0x9e: {  	_ =	swait.ge [sflag:s22], s20  }
0x9f: {  	s4 =	ssub.s32 $0x0, s20;
	[sflag:s22] =	ssyncset.done $0x0  }
0xa0: {  	[sflag:s22] =	ssyncadd.s32 s4;
	_ =	sdelay $0x1  }
0xa1: {  	s23 =	simm.s32 $0x1B8B  }
0xa2: {  	_ =	swait.ge [sflag:s23], $0x1  }
0xa3: {  	[sflag:s23] =	ssyncset.done $0x0  }
0xa4: {  	s25 =	simm.s32 $0x1B8E;
	s24 =	sld [smem:$0x3FFE];
	[sflag:s23] =	ssyncadd.s32 $0xFFFFFFFF  }
0xa5: {  	s26 =	simm.s32 $execute0_lowered;
	[smem:$0x3FD2] =	sst s25  }
0xa6: {  	s5 =	sshll.u32 s26, $0x1;
	_ =	strace $0x80000049;
	[dreg:$0x1] =	wrdreg $0xFFFFFFFF  }
0xa7: {  	s28 =	simm.s32 $_size_execute0_lowered;
	s3 =	sadd.s32 s3, s5;
	[dreg:$0x0] =	wrdreg $0x0  }
0xa8: {  	s5 =	sshll.u32 s28, $0x1;
	[dreg:$0x2] =	wrdreg s3  }
0xa9: {  	[dreg:$0x3] =	wrdreg s5  }
0xaa: {  	[dreg:$0x4] =	wrdreg $0xC0  }
0xab: {  	_ =	task [dreg:s7], $0x5FFFF  }
0xac: {  	[dreg:$0x1] =	wrdreg $0xFFFFFFFF  }
0xad: {  	[dreg:$0x0] =	wrdreg $0x60  }
0xae: {  	[dreg:$0x2] =	wrdreg s24  }
0xaf: {  	[dreg:$0x3] =	wrdreg s2  }
0xb0: {  	[dreg:$0x4] =	wrdreg $0x9  }
0xb1: {  	_ =	task.clear_ibuf [dreg:s7], $0x5FFFF;
	_ =	strace $0x90000049  }
0xb2: {  	s29 =	simm.s32 $0x9;
	_ =	strace $0x8000004B  }
0xb3: {  	_ =	swait.ge [sflag:s29], $0x1  }
0xb4: {  	[sflag:s29] =	ssyncadd.s32 $0xFFFFFFFF  }
0xb5: {  	_ =	strace $0x9000004B  }
0xb6: {  	_ =	sfence  }
0xb7: {  	s30 =	sld [smem:$0x0];
	_ =	sdelay $0x2  }
0xb8: {  	s31 =	sshll.u32 s1, $0xD;
	s1 =	sshrl.u32 s1, $0x2  }
0xb9: {  	s3 =	sand.u32 $0x4000, s31;
	s1 =	sadd.s32 s1, s30  }
0xba: {  	s0 =	sor.u32 s3, s0;
	s1 =	sshll.u32 s1, $0x11  }
0xbb: {  	s0 =	sor.u32 s1, s0  }
0xbc: {  	s0 =	sadd.s32 $0x8F2B, s0  }
0xbd: {  	[sflag:s0] =	ssyncadd.remote.s32 $0x1  }
0xbe: {  	_ =	sfence.sel $0xFFFF  }
0xbf: {  	[dreg:$0x0] =	wrdreg $0xFFFFFFFF;
	(pc) =	sbr.abs _section_cstart, $3  }
0xc0: {  	[dreg:$0x1] =	wrdreg $0xFFFFFFFF  }
0xc1: {  	_ =	task.clear_ibuf [dreg:s7], $0x2FFFF;
	_ =	strace $0x9FFFFFFF  }
0xc2: {  	(tm) =	ssettm $0x7FFFFFFF  }
0xc3: {  	_ =	shalt  }
tec
execute0_lowered:
.L_overlay_start_1:
0x0: {  	(tag) =	ssettag $0x1  }
0x1: {  	s8 =	rddreg [dreg:$0x0]  }
0x2: {  	s1 =	rddreg [dreg:$0x1]  }
0x3: {  	s0 =	rddreg [dreg:$0x2];
	s3 =	simm.s32 $0x0;
	s4 =	srdreg.scid  }
0x4: {  	s2 =	stileid.u32;
	s17 =	simm.s32 $0x9C40;
	s18 =	simm.s32 $0x0  }
0x5: {  	[smem:$0x7FF] =	sst s3;
	s11 =	sadd.s32 $0x7A3000, s8;
	s10 =	sand.u32 $0x1, s4  }
0x6: {  	s5 =	sshll.u32 s2, $0x1;
	s4 =	sadd.s32 $0x1800, s8;
	s7 =	sadd.s32 $0x3D2400, s8  }
0x7: {  	s13 =	sadd.s32 $0x2, s1;
	s14 =	smul.u32 $0xC800, s2;
	s28 =	sadd.s32 $0x4, s1  }
0x8: {  	s29 =	smul.u32 $0x64000, s2;
	s16 =	sadd.s32 $0x6, s1;
	_ =	strace $0x8000004A  }
0x9: {  	s9 =	ssub.s32 $0x2, s10;
	s6 =	sor.u32 s10, s5;
	[dreg:$0x3] =	wrdreg s13  }
0xa: {  	s5 =	sadd.s32 $0x1E9E00, s8;
	s15 =	smul.u32 $0x6400, s10;
	[dreg:$0x4] =	wrdreg s28  }
0xb: {  	s8 =	sadd.s32 $0x5BAA00, s8;
	s30 =	smul.u32 $0x32000, s10;
	[dreg:$0x5] =	wrdreg s16  }
0xc: {  	s16 =	simm.s32 $0x6A40;
	s12 =	sshrl.u32 s9, $0x1;
	s6 =	smul.u32 $0x6400, s6  }
0xd: {  	s13 =	sadd.s32 s29, s1;
	s12 =	ssub.s32 s9, s12;
	s14 =	sadd.s32 s15, s14  }
0xe: {  	s13 =	sadd.s32 s30, s13;
	s15 =	simm.s32 $0x3840;
	s26 =	sshrl.u32 s6, $0x3  }
0xf: {  	s14 =	sor.u32 $0x320, s14;
	s10 =	smax.u32 s12, $0x1;
	[dreg:$0x6] =	wrdreg s13  }
0x10: {  	s12 =	simm.s32 $0x3;
	s13 =	simm.s32 $0x320;
	s31 =	sshrl.u32 s14, $0x3  }
0x11: {  	s9 =	sadd.s32 s11, s26;
	s14 =	simm.s32 $0x640;
	s11 =	sadd.s32 s31, s11  }
.LBB2_1:
0x12: {  	[tilespmem:s3], [sflag:$0x3] =	stream.linear.gather [hbm4b:s9+s3], $0x320, $0x38;
	[tilespmem:$0x19640] =	vst v63  }
0x13: {  	_ =	swait.ge [sflag:s12], $0x320  }
0x14: {  	[sflag:s12] =	ssyncset.done $0x0  }
0x15: {  	s19 =	sand.u32 $0x1, s3;
	[sflag:s12] =	ssyncadd.s32 $0xFFFFFCE0  }
0x16: {  	[tilespmem:s14], [sflag:$0x1] =	stream.indirect.gather [hbm4b:s4+s13], $0x10, s3, s13, $0xb8;
	[tilespmem:$0x19640] =	vst v63  }
0x17: {  	p0 =	seq.s32 s19, $0x1  }
0x18: {  	[tilespmem:s15], [sflag:$0x1] =	stream.indirect.gather [hbm4b:s5+s13], $0x10, s3, s13, $0xb8;
	[tilespmem:$0x19640] =	vst v63  }
0x19: {  	p1 =	por @p0 $0x0, $0x0  }
0x1a: {  	[tilespmem:s16], [sflag:$0x1] =	stream.indirect.gather [hbm4b:s7+s13], $0x10, s3, s13, $0xb8;
	[tilespmem:$0x19640] =	vst v63  }
0x1b: {  	p2 =	por p1, !p0  }
0x1c: {  	[tilespmem:s17], [sflag:$0x1] =	stream.indirect.gather [hbm4b:s8+s13], $0x10, s3, s13, $0xb8;
	[tilespmem:$0x19640] =	vst v63  }
0x1d: {  	s19 =	simm.s32 @!p2 $0x0;
	s20 =	simm.s32 @!p2 $0x4  }
0x1e: {  	[tilespmem:s19], [sflag:$0x4] =	stream.linear.gather @!p2 [hbm4b:s11+s19], $0x320, $0x38;
	[tilespmem:$0x19640] =	vst v63  }
0x1f: {  	_ =	swait.ge @!p2 [sflag:s20], $0x320  }
0x20: {  	[sflag:s20] =	ssyncset.done @!p2 $0x0  }
0x21: {  	s21 =	simm.s32 @!p2 $0x640;
	[sflag:s20] =	ssyncadd.s32 @!p2 $0xFFFFFCE0;
	s20 =	simm.s32 @!p2 $0x320  }
0x22: {  	[tilespmem:s21], [sflag:$0x1] =	stream.indirect.gather @!p2 [hbm4b:s4+s20], $0x10, s19, s20, $0xb8;
	[tilespmem:$0x19640] =	vst v63  }
0x23: {  	s21 =	simm.s32 @!p2 $0x3840  }
0x24: {  	[tilespmem:s21], [sflag:$0x1] =	stream.indirect.gather @!p2 [hbm4b:s5+s20], $0x10, s19, s20, $0xb8;
	[tilespmem:$0x19640] =	vst v63  }
0x25: {  	s21 =	simm.s32 @!p2 $0x6A40  }
0x26: {  	[tilespmem:s21], [sflag:$0x1] =	stream.indirect.gather @!p2 [hbm4b:s7+s20], $0x10, s19, s20, $0xb8;
	[tilespmem:$0x19640] =	vst v63  }
0x27: {  	s22 =	simm.s32 @p0 $0x2;
	s21 =	simm.s32 @!p2 $0x9C40  }
0x28: {  	[tilespmem:s21], [sflag:$0x1] =	stream.indirect.gather @!p2 [hbm4b:s8+s20], $0x10, s19, s20, $0xb8;
	[tilespmem:$0x19640] =	vst v63  }
0x29: {  	_ =	swait.ge @p0 [sflag:s22], $0x3200  }
0x2a: {  	[sflag:s22] =	ssyncset.done @p0 $0x0  }
0x2b: {  	[sflag:s22] =	ssyncadd.s32 @p0 $0xFFFFCE00  }
0x2c: {  	_ =	swait.ge @p0 [sflag:s22], $0x3200  }
0x2d: {  	[sflag:s22] =	ssyncset.done @p0 $0x0  }
0x2e: {  	[sflag:s22] =	ssyncadd.s32 @p0 $0xFFFFCE00  }
0x2f: {  	_ =	swait.ge @p0 [sflag:s22], $0x3200  }
0x30: {  	p1 =	por !p1, !p0;
	s19 =	simm.s32 $0x0;
	[sflag:s22] =	ssyncset.done @p0 $0x0  }
0x31: {  	s23 =	simm.s32 @p0 $0x40;
	s19 =	simm.s32 @!p1 $0x60E0;
	[sflag:s22] =	ssyncadd.s32 @p0 $0xFFFFCE00  }
0x32: {  	s24 =	simm.s32 @p0 $0x10;
	s19 =	sadd.s32 @p0 s6, s19;
	_ =	swait.ge @p0 [sflag:s22], $0x3200  }
0x33: {  	s20 =	simm.s32 @p0 $0x4;
	s19 =	sshll.u32 @p0 s19, $0x3;
	[sflag:s22] =	ssyncset.done @p0 $0x0  }
0x34: {  	s21 =	simm.s32 @p0 $0xCE40;
	[sflag:s22] =	ssyncadd.s32 @p0 $0xFFFFCE00;
	s22 =	sadd.s32 @p0 s1, s19  }
0x35: {  	[hbm4b:s22+s24] =	stream.strided.scatter @p0 [tilespmem:s21], [sflag:$0x4], $0x3200, s23, s24, $0x38;
	[tilespmem:$0x19640] =	vst v63  }
0x36: {  	_ =	swait.ge @p0 [sflag:s20], $0x3200  }
0x37: {  	s21 =	rddreg [dreg:$0x3];
	[sflag:s20] =	ssyncset.done @p0 $0x0  }
0x38: {  	s22 =	simm.s32 @p0 $0x10040;
	[sflag:s20] =	ssyncadd.s32 @p0 $0xFFFFCE00;
	s21 =	sadd.s32 @p0 s19, s21  }
0x39: {  	[hbm4b:s21+s24] =	stream.strided.scatter @p0 [tilespmem:s22], [sflag:$0x4], $0x3200, s23, s24, $0x38;
	[tilespmem:$0x19640] =	vst v63  }
0x3a: {  	_ =	swait.ge @p0 [sflag:s20], $0x3200  }
0x3b: {  	s21 =	rddreg [dreg:$0x4];
	[sflag:s20] =	ssyncset.done @p0 $0x0  }
0x3c: {  	s22 =	simm.s32 @p0 $0x13240;
	[sflag:s20] =	ssyncadd.s32 @p0 $0xFFFFCE00;
	s21 =	sadd.s32 @p0 s19, s21  }
0x3d: {  	[hbm4b:s21+s24] =	stream.strided.scatter @p0 [tilespmem:s22], [sflag:$0x4], $0x3200, s23, s24, $0x38;
	[tilespmem:$0x19640] =	vst v63  }
0x3e: {  	_ =	swait.ge @p0 [sflag:s20], $0x3200  }
0x3f: {  	s21 =	rddreg [dreg:$0x5];
	[sflag:s20] =	ssyncset.done @p0 $0x0  }
0x40: {  	[sflag:s20] =	ssyncadd.s32 @p0 $0xFFFFCE00;
	s19 =	sadd.s32 @p0 s19, s21;
	s20 =	simm.s32 @p0 $0x16440  }
0x41: {  	[hbm4b:s19+s24] =	stream.strided.scatter @p0 [tilespmem:s20], [sflag:$0x3], $0x3200, s23, s24, $0x38;
	[tilespmem:$0x19640] =	vst v63  }
0x42: {  	s25 =	simm.s32 @!p0 $0x4;
	s19 =	simm.s32 @!p0 $0x0;
	s20 =	simm.s32 @!p0 $0x320  }
0x43: {  	[tilespmem:s20], [sflag:$0x4] =	stream.linear.gather @!p0 [hbm4b:s11+s19], $0x320, $0x38;
	[tilespmem:$0x19640] =	vst v63  }
0x44: {  	_ =	swait.ge @!p0 [sflag:s25], $0x320  }
0x45: {  	[sflag:s25] =	ssyncset.done @!p0 $0x0  }
0x46: {  	s19 =	simm.s32 @!p0 $0xCE40;
	[sflag:s25] =	ssyncadd.s32 @!p0 $0xFFFFFCE0  }
0x47: {  	[tilespmem:s19], [sflag:$0x2] =	stream.indirect.gather @!p0 [hbm4b:s4+s20], $0x10, s20, s20, $0xb8;
	[tilespmem:$0x19640] =	vst v63  }
0x48: {  	s19 =	simm.s32 @!p0 $0x10040  }
0x49: {  	[tilespmem:s19], [sflag:$0x2] =	stream.indirect.gather @!p0 [hbm4b:s5+s20], $0x10, s20, s20, $0xb8;
	[tilespmem:$0x19640] =	vst v63  }
0x4a: {  	s19 =	simm.s32 @!p0 $0x13240  }
0x4b: {  	[tilespmem:s19], [sflag:$0x2] =	stream.indirect.gather @!p0 [hbm4b:s7+s20], $0x10, s20, s20, $0xb8;
	[tilespmem:$0x19640] =	vst v63  }
0x4c: {  	s21 =	simm.s32 @!p0 $0x1;
	s19 =	simm.s32 @!p0 $0x16440  }
0x4d: {  	[tilespmem:s19], [sflag:$0x2] =	stream.indirect.gather @!p0 [hbm4b:s8+s20], $0x10, s20, s20, $0xb8;
	[tilespmem:$0x19640] =	vst v63  }
0x4e: {  	_ =	swait.ge @!p0 [sflag:s21], $0x3200  }
0x4f: {  	[sflag:s21] =	ssyncset.done @!p0 $0x0  }
0x50: {  	[sflag:s21] =	ssyncadd.s32 @!p0 $0xFFFFCE00  }
0x51: {  	_ =	swait.ge @!p0 [sflag:s21], $0x3200  }
0x52: {  	[sflag:s21] =	ssyncset.done @!p0 $0x0  }
0x53: {  	[sflag:s21] =	ssyncadd.s32 @!p0 $0xFFFFCE00  }
0x54: {  	_ =	swait.ge @!p0 [sflag:s21], $0x3200  }
0x55: {  	[sflag:s21] =	ssyncset.done @!p0 $0x0  }
0x56: {  	[sflag:s21] =	ssyncadd.s32 @!p0 $0xFFFFCE00  }
0x57: {  	s26 =	simm.s32 @!p0 $0x40;
	_ =	swait.ge @!p0 [sflag:s21], $0x3200  }
0x58: {  	s24 =	simm.s32 @!p0 $0x10;
	s19 =	rddreg [dreg:$0x6];
	[sflag:s21] =	ssyncset.done @!p0 $0x0  }
0x59: {  	s20 =	simm.s32 @!p0 $0x640;
	[sflag:s21] =	ssyncadd.s32 @!p0 $0xFFFFCE00;
	s21 =	sadd.s32 @!p0 $0x0, s19  }
0x5a: {  	[hbm4b:s21+s24] =	stream.strided.scatter @!p0 [tilespmem:s20], [sflag:$0x4], $0x3200, s26, s24, $0x38;
	[tilespmem:$0x19640] =	vst v63  }
0x5b: {  	_ =	swait.ge @!p0 [sflag:s25], $0x3200  }
0x5c: {  	[sflag:s25] =	ssyncset.done @!p0 $0x0  }
0x5d: {  	s19 =	sadd.s32 @!p0 $0x2, s21;
	s20 =	simm.s32 @!p0 $0x3840;
	[sflag:s25] =	ssyncadd.s32 @!p0 $0xFFFFCE00  }
0x5e: {  	[hbm4b:s19+s24] =	stream.strided.scatter @!p0 [tilespmem:s20], [sflag:$0x4], $0x3200, s26, s24, $0x38;
	[tilespmem:$0x19640] =	vst v63  }
0x5f: {  	_ =	swait.ge @!p0 [sflag:s25], $0x3200  }
0x60: {  	s23 =	simm.s32 $0x1;
	[sflag:s25] =	ssyncset.done @!p0 $0x0  }
0x61: {  	s19 =	sadd.s32 @!p0 $0x4, s21;
	s20 =	simm.s32 @!p0 $0x6A40;
	[sflag:s25] =	ssyncadd.s32 @!p0 $0xFFFFCE00  }
0x62: {  	[hbm4b:s19+s24] =	stream.strided.scatter @!p0 [tilespmem:s20], [sflag:$0x4], $0x3200, s26, s24, $0x38;
	[tilespmem:$0x19640] =	vst v63  }
0x63: {  	s22 =	simm.s32 $0x3200;
	s28 =	sand.u32 $0x1, s23;
	_ =	swait.ge @!p0 [sflag:s25], $0x3200  }
0x64: {  	s19 =	simm.s32 $0x1900;
	s20 =	sadd.s32 @!p0 $0x6, s21;
	[sflag:s25] =	ssyncset.done @!p0 $0x0  }
0x65: {  	s21 =	simm.s32 @!p0 $0x9C40;
	[sflag:s25] =	ssyncadd.s32 @!p0 $0xFFFFCE00;
	s25 =	simm.s32 @p0 $0x3  }
0x66: {  	[hbm4b:s20+s24] =	stream.strided.scatter @!p0 [tilespmem:s21], [sflag:$0x4], $0x3200, s26, s24, $0x38;
	[tilespmem:$0x19640] =	vst v63  }
0x67: {  	p0 =	seq.s32 s28, $0x1;
	s20 =	sadd.s32 $0x64, s11;
	_ =	swait.ge [sflag:s25], $0x3200  }
0x68: {  	s21 =	simm.s32 $0x320;
	p2 =	por @p0 $0x0, $0x0;
	[sflag:s25] =	ssyncset.done $0x0  }
.LBB2_2:
0x69: {  	p3 =	por p2, !p0  }
0x6a: {  	[sflag:s25] =	ssyncadd.s32 $0xFFFFCE00;
	s25 =	simm.s32 @!p3 $0x0;
	s26 =	simm.s32 @!p3 $0x4  }
0x6b: {  	[tilespmem:s25], [sflag:$0x4] =	stream.linear.gather @!p3 [hbm4b:s20+s25], $0x320, $0x38;
	[tilespmem:$0x19640] =	vst v63  }
0x6c: {  	_ =	swait.ge @!p3 [sflag:s26], $0x320  }
0x6d: {  	[sflag:s26] =	ssyncset.done @!p3 $0x0  }
0x6e: {  	s28 =	simm.s32 @!p3 $0x640;
	[sflag:s26] =	ssyncadd.s32 @!p3 $0xFFFFFCE0;
	s26 =	simm.s32 @!p3 $0x320  }
0x6f: {  	[tilespmem:s28], [sflag:$0x1] =	stream.indirect.gather @!p3 [hbm4b:s4+s26], $0x10, s25, s26, $0xb8;
	[tilespmem:$0x19640] =	vst v63  }
0x70: {  	s28 =	simm.s32 @!p3 $0x3840  }
0x71: {  	[tilespmem:s28], [sflag:$0x1] =	stream.indirect.gather @!p3 [hbm4b:s5+s26], $0x10, s25, s26, $0xb8;
	[tilespmem:$0x19640] =	vst v63  }
0x72: {  	s28 =	simm.s32 @!p3 $0x6A40  }
0x73: {  	[tilespmem:s28], [sflag:$0x1] =	stream.indirect.gather @!p3 [hbm4b:s7+s26], $0x10, s25, s26, $0xb8;
	[tilespmem:$0x19640] =	vst v63  }
0x74: {  	s29 =	simm.s32 @p0 $0x2;
	s28 =	simm.s32 @!p3 $0x9C40  }
0x75: {  	[tilespmem:s28], [sflag:$0x1] =	stream.indirect.gather @!p3 [hbm4b:s8+s26], $0x10, s25, s26, $0xb8;
	[tilespmem:$0x19640] =	vst v63  }
0x76: {  	_ =	swait.ge @p0 [sflag:s29], $0x3200  }
0x77: {  	[sflag:s29] =	ssyncset.done @p0 $0x0  }
0x78: {  	[sflag:s29] =	ssyncadd.s32 @p0 $0xFFFFCE00  }
0x79: {  	_ =	swait.ge @p0 [sflag:s29], $0x3200  }
0x7a: {  	[sflag:s29] =	ssyncset.done @p0 $0x0  }
0x7b: {  	[sflag:s29] =	ssyncadd.s32 @p0 $0xFFFFCE00  }
0x7c: {  	_ =	swait.ge @p0 [sflag:s29], $0x3200  }
0x7d: {  	p2 =	por !p2, !p0;
	s25 =	smov.u32 s21;
	[sflag:s29] =	ssyncset.done @p0 $0x0  }
0x7e: {  	s30 =	simm.s32 @p0 $0x40;
	s25 =	simm.s32 @!p2 $0x60E0;
	[sflag:s29] =	ssyncadd.s32 @p0 $0xFFFFCE00  }
0x7f: {  	s31 =	simm.s32 @p0 $0x10;
	s25 =	sadd.s32 @p0 s6, s25;
	_ =	swait.ge @p0 [sflag:s29], $0x3200  }
0x80: {  	s26 =	simm.s32 @p0 $0x4;
	s25 =	sshll.u32 @p0 s25, $0x3;
	[sflag:s29] =	ssyncset.done @p0 $0x0  }
0x81: {  	s28 =	simm.s32 @p0 $0xCE40;
	[sflag:s29] =	ssyncadd.s32 @p0 $0xFFFFCE00;
	s29 =	sadd.s32 @p0 s1, s25  }
0x82: {  	[hbm4b:s29+s31] =	stream.strided.scatter @p0 [tilespmem:s28], [sflag:$0x4], $0x3200, s30, s31, $0x38;
	[tilespmem:$0x19640] =	vst v63  }
0x83: {  	_ =	swait.ge @p0 [sflag:s26], $0x3200  }
0x84: {  	[sflag:s26] =	ssyncset.done @p0 $0x0;
	s28 =	rddreg [dreg:$0x3]  }
0x85: {  	s29 =	simm.s32 @p0 $0x10040;
	[sflag:s26] =	ssyncadd.s32 @p0 $0xFFFFCE00;
	s28 =	sadd.s32 @p0 s25, s28  }
0x86: {  	[hbm4b:s28+s31] =	stream.strided.scatter @p0 [tilespmem:s29], [sflag:$0x4], $0x3200, s30, s31, $0x38;
	[tilespmem:$0x19640] =	vst v63  }
0x87: {  	_ =	swait.ge @p0 [sflag:s26], $0x3200  }
0x88: {  	[sflag:s26] =	ssyncset.done @p0 $0x0;
	s28 =	rddreg [dreg:$0x4]  }
0x89: {  	s29 =	simm.s32 @p0 $0x13240;
	[sflag:s26] =	ssyncadd.s32 @p0 $0xFFFFCE00;
	s28 =	sadd.s32 @p0 s25, s28  }
0x8a: {  	[hbm4b:s28+s31] =	stream.strided.scatter @p0 [tilespmem:s29], [sflag:$0x4], $0x3200, s30, s31, $0x38;
	[tilespmem:$0x19640] =	vst v63  }
0x8b: {  	_ =	swait.ge @p0 [sflag:s26], $0x3200  }
0x8c: {  	s28 =	rddreg [dreg:$0x5];
	[sflag:s26] =	ssyncset.done @p0 $0x0  }
0x8d: {  	[sflag:s26] =	ssyncadd.s32 @p0 $0xFFFFCE00;
	s25 =	sadd.s32 @p0 s25, s28;
	s26 =	simm.s32 @p0 $0x16440  }
0x8e: {  	[hbm4b:s25+s31] =	stream.strided.scatter @p0 [tilespmem:s26], [sflag:$0x3], $0x3200, s30, s31, $0x38;
	[tilespmem:$0x19640] =	vst v63  }
0x8f: {  	s28 =	simm.s32 @!p0 $0x320;
	s26 =	simm.s32 @!p0 $0x0;
	s25 =	simm.s32 @!p0 $0x4  }
0x90: {  	[tilespmem:s28], [sflag:$0x4] =	stream.linear.gather @!p0 [hbm4b:s20+s26], $0x320, $0x38;
	[tilespmem:$0x19640] =	vst v63  }
0x91: {  	_ =	swait.ge @!p0 [sflag:s25], $0x320  }
0x92: {  	[sflag:s25] =	ssyncset.done @!p0 $0x0  }
0x93: {  	s26 =	simm.s32 @!p0 $0xCE40;
	[sflag:s25] =	ssyncadd.s32 @!p0 $0xFFFFFCE0  }
0x94: {  	[tilespmem:s26], [sflag:$0x2] =	stream.indirect.gather @!p0 [hbm4b:s4+s28], $0x10, s28, s28, $0xb8;
	[tilespmem:$0x19640] =	vst v63  }
0x95: {  	s26 =	simm.s32 @!p0 $0x10040  }
0x96: {  	[tilespmem:s26], [sflag:$0x2] =	stream.indirect.gather @!p0 [hbm4b:s5+s28], $0x10, s28, s28, $0xb8;
	[tilespmem:$0x19640] =	vst v63  }
0x97: {  	s26 =	simm.s32 @!p0 $0x13240  }
0x98: {  	[tilespmem:s26], [sflag:$0x2] =	stream.indirect.gather @!p0 [hbm4b:s7+s28], $0x10, s28, s28, $0xb8;
	[tilespmem:$0x19640] =	vst v63  }
0x99: {  	s29 =	simm.s32 @!p0 $0x1;
	s26 =	simm.s32 @!p0 $0x16440  }
0x9a: {  	[tilespmem:s26], [sflag:$0x2] =	stream.indirect.gather @!p0 [hbm4b:s8+s28], $0x10, s28, s28, $0xb8;
	[tilespmem:$0x19640] =	vst v63  }
0x9b: {  	_ =	swait.ge @!p0 [sflag:s29], $0x3200  }
0x9c: {  	[sflag:s29] =	ssyncset.done @!p0 $0x0  }
0x9d: {  	[sflag:s29] =	ssyncadd.s32 @!p0 $0xFFFFCE00  }
0x9e: {  	_ =	swait.ge @!p0 [sflag:s29], $0x3200  }
0x9f: {  	[sflag:s29] =	ssyncset.done @!p0 $0x0  }
0xa0: {  	[sflag:s29] =	ssyncadd.s32 @!p0 $0xFFFFCE00  }
0xa1: {  	_ =	swait.ge @!p0 [sflag:s29], $0x3200  }
0xa2: {  	[sflag:s29] =	ssyncset.done @!p0 $0x0  }
0xa3: {  	[sflag:s29] =	ssyncadd.s32 @!p0 $0xFFFFCE00  }
0xa4: {  	_ =	swait.ge @!p0 [sflag:s29], $0x3200  }
0xa5: {  	[sflag:s29] =	ssyncset.done @!p0 $0x0  }
0xa6: {  	s28 =	simm.s32 @!p0 $0x640;
	s26 =	rddreg [dreg:$0x6];
	[sflag:s29] =	ssyncadd.s32 @!p0 $0xFFFFCE00  }
0xa7: {  	s19 =	sadd.s32 @!p0 s19, s26;
	s26 =	simm.s32 @!p0 $0x10;
	s29 =	simm.s32 @!p0 $0x40  }
0xa8: {  	[hbm4b:s19+s26] =	stream.strided.scatter @!p0 [tilespmem:s28], [sflag:$0x4], $0x3200, s29, s26, $0x38;
	[tilespmem:$0x19640] =	vst v63  }
0xa9: {  	s24 =	smov.u32 s22;
	s28 =	sadd.s32 @!p0 $0x2, s19;
	_ =	swait.ge @!p0 [sflag:s25], $0x3200  }
0xaa: {  	s30 =	sadd.s32 @!p0 $0x4, s19;
	s31 =	sadd.s32 @!p0 $0x6, s19;
	[sflag:s25] =	ssyncset.done @!p0 $0x0  }
0xab: {  	s19 =	smov.u32 s24;
	s24 =	simm.s32 @!p0 $0x3840;
	[sflag:s25] =	ssyncadd.s32 @!p0 $0xFFFFCE00  }
0xac: {  	[hbm4b:s28+s26] =	stream.strided.scatter @!p0 [tilespmem:s24], [sflag:$0x4], $0x3200, s29, s26, $0x38;
	[tilespmem:$0x19640] =	vst v63  }
0xad: {  	_ =	swait.ge @!p0 [sflag:s25], $0x3200  }
0xae: {  	[sflag:s25] =	ssyncset.done @!p0 $0x0  }
0xaf: {  	s22 =	sadd.s32 $0x1900, s22;
	s24 =	simm.s32 @!p0 $0x6A40;
	[sflag:s25] =	ssyncadd.s32 @!p0 $0xFFFFCE00  }
0xb0: {  	[hbm4b:s30+s26] =	stream.strided.scatter @!p0 [tilespmem:s24], [sflag:$0x4], $0x3200, s29, s26, $0x38;
	[tilespmem:$0x19640] =	vst v63  }
0xb1: {  	s23 =	sadd.s32 $0x1, s23;
	p1 =	sne.s32 s22, $0x32000;
	_ =	swait.ge @!p0 [sflag:s25], $0x3200  }
.Ltmp0:
0xb2: {  	s24 =	simm.s32 @!p0 $0x9C40;
	[sflag:s25] =	ssyncset.done @!p0 $0x0;
	(pc) =	sbr.rel @p1 .LBB2_2-.Ltmp0, $4  }
0xb3: {  	s30 =	sand.u32 $0x1, s23;
	[sflag:s25] =	ssyncadd.s32 @!p0 $0xFFFFCE00;
	s25 =	simm.s32 @p0 $0x3  }
0xb4: {  	[hbm4b:s31+s26] =	stream.strided.scatter @!p0 [tilespmem:s24], [sflag:$0x4], $0x3200, s29, s26, $0x38;
	[tilespmem:$0x19640] =	vst v63  }
0xb5: {  	s21 =	sadd.s32 $0x320, s21;
	p0 =	seq.s32 s30, $0x1;
	_ =	swait.ge [sflag:s25], $0x3200  }
0xb6: {  	s20 =	sadd.s32 $0x64, s20;
	p2 =	seq.s32 @p0 s19, $0x30700;
	[sflag:s25] =	ssyncset.done $0x0  }
0xb7: {  	p1 =	por p2, !p0  }
0xb8: {  	[sflag:s25] =	ssyncadd.s32 $0xFFFFCE00;
	s22 =	simm.s32 @!p1 $0x0;
	s23 =	simm.s32 @!p1 $0x4  }
0xb9: {  	[tilespmem:s22], [sflag:$0x4] =	stream.linear.gather @!p1 [hbm4b:s20+s22], $0x320, $0x38;
	[tilespmem:$0x19640] =	vst v63  }
0xba: {  	_ =	swait.ge @!p1 [sflag:s23], $0x320  }
0xbb: {  	[sflag:s23] =	ssyncset.done @!p1 $0x0  }
0xbc: {  	s24 =	simm.s32 @!p1 $0x640;
	[sflag:s23] =	ssyncadd.s32 @!p1 $0xFFFFFCE0;
	s23 =	simm.s32 @!p1 $0x320  }
0xbd: {  	[tilespmem:s24], [sflag:$0x1] =	stream.indirect.gather @!p1 [hbm4b:s4+s23], $0x10, s22, s23, $0xb8;
	[tilespmem:$0x19640] =	vst v63  }
0xbe: {  	s24 =	simm.s32 @!p1 $0x3840  }
0xbf: {  	[tilespmem:s24], [sflag:$0x1] =	stream.indirect.gather @!p1 [hbm4b:s5+s23], $0x10, s22, s23, $0xb8;
	[tilespmem:$0x19640] =	vst v63  }
0xc0: {  	s24 =	simm.s32 @!p1 $0x6A40  }
0xc1: {  	[tilespmem:s24], [sflag:$0x1] =	stream.indirect.gather @!p1 [hbm4b:s7+s23], $0x10, s22, s23, $0xb8;
	[tilespmem:$0x19640] =	vst v63  }
0xc2: {  	s25 =	simm.s32 @p0 $0x2;
	s24 =	simm.s32 @!p1 $0x9C40  }
0xc3: {  	[tilespmem:s24], [sflag:$0x1] =	stream.indirect.gather @!p1 [hbm4b:s8+s23], $0x10, s22, s23, $0xb8;
	[tilespmem:$0x19640] =	vst v63  }
0xc4: {  	_ =	swait.ge @p0 [sflag:s25], $0x3200  }
0xc5: {  	[sflag:s25] =	ssyncset.done @p0 $0x0  }
0xc6: {  	[sflag:s25] =	ssyncadd.s32 @p0 $0xFFFFCE00  }
0xc7: {  	_ =	swait.ge @p0 [sflag:s25], $0x3200  }
0xc8: {  	[sflag:s25] =	ssyncset.done @p0 $0x0  }
0xc9: {  	[sflag:s25] =	ssyncadd.s32 @p0 $0xFFFFCE00  }
0xca: {  	_ =	swait.ge @p0 [sflag:s25], $0x3200  }
0xcb: {  	p1 =	por !p2, !p0;
	[sflag:s25] =	ssyncset.done @p0 $0x0  }
0xcc: {  	s26 =	simm.s32 @p0 $0x10;
	s21 =	simm.s32 @!p1 $0x60E0;
	[sflag:s25] =	ssyncadd.s32 @p0 $0xFFFFCE00  }
0xcd: {  	s22 =	simm.s32 @p0 $0x4;
	s21 =	sadd.s32 @p0 s6, s21;
	_ =	swait.ge @p0 [sflag:s25], $0x3200  }
0xce: {  	s23 =	simm.s32 @p0 $0xCE40;
	s21 =	sshll.u32 @p0 s21, $0x3;
	[sflag:s25] =	ssyncset.done @p0 $0x0  }
0xcf: {  	s24 =	simm.s32 @p0 $0x40;
	[sflag:s25] =	ssyncadd.s32 @p0 $0xFFFFCE00;
	s25 =	sadd.s32 @p0 s1, s21  }
0xd0: {  	[hbm4b:s25+s26] =	stream.strided.scatter @p0 [tilespmem:s23], [sflag:$0x4], $0x3200, s24, s26, $0x38;
	[tilespmem:$0x19640] =	vst v63  }
0xd1: {  	_ =	swait.ge @p0 [sflag:s22], $0x3200  }
0xd2: {  	s23 =	rddreg [dreg:$0x3];
	[sflag:s22] =	ssyncset.done @p0 $0x0  }
0xd3: {  	s25 =	simm.s32 @p0 $0x10040;
	[sflag:s22] =	ssyncadd.s32 @p0 $0xFFFFCE00;
	s23 =	sadd.s32 @p0 s21, s23  }
0xd4: {  	[hbm4b:s23+s26] =	stream.strided.scatter @p0 [tilespmem:s25], [sflag:$0x4], $0x3200, s24, s26, $0x38;
	[tilespmem:$0x19640] =	vst v63  }
0xd5: {  	_ =	swait.ge @p0 [sflag:s22], $0x3200  }
0xd6: {  	s23 =	rddreg [dreg:$0x4];
	[sflag:s22] =	ssyncset.done @p0 $0x0  }
0xd7: {  	s25 =	simm.s32 @p0 $0x13240;
	[sflag:s22] =	ssyncadd.s32 @p0 $0xFFFFCE00;
	s23 =	sadd.s32 @p0 s21, s23  }
0xd8: {  	[hbm4b:s23+s26] =	stream.strided.scatter @p0 [tilespmem:s25], [sflag:$0x4], $0x3200, s24, s26, $0x38;
	[tilespmem:$0x19640] =	vst v63  }
0xd9: {  	_ =	swait.ge @p0 [sflag:s22], $0x3200  }
0xda: {  	s23 =	rddreg [dreg:$0x5];
	[sflag:s22] =	ssyncset.done @p0 $0x0  }
0xdb: {  	[sflag:s22] =	ssyncadd.s32 @p0 $0xFFFFCE00;
	s21 =	sadd.s32 @p0 s21, s23;
	s22 =	simm.s32 @p0 $0x16440  }
0xdc: {  	[hbm4b:s21+s26] =	stream.strided.scatter @p0 [tilespmem:s22], [sflag:$0x3], $0x3200, s24, s26, $0x38;
	[tilespmem:$0x19640] =	vst v63  }
0xdd: {  	s23 =	simm.s32 @!p0 $0x4;
	s21 =	simm.s32 @!p0 $0x0;
	s22 =	simm.s32 @!p0 $0x320  }
0xde: {  	[tilespmem:s22], [sflag:$0x4] =	stream.linear.gather @!p0 [hbm4b:s20+s21], $0x320, $0x38;
	[tilespmem:$0x19640] =	vst v63  }
0xdf: {  	_ =	swait.ge @!p0 [sflag:s23], $0x320  }
0xe0: {  	[sflag:s23] =	ssyncset.done @!p0 $0x0  }
0xe1: {  	s20 =	simm.s32 @!p0 $0xCE40;
	[sflag:s23] =	ssyncadd.s32 @!p0 $0xFFFFFCE0  }
0xe2: {  	[tilespmem:s20], [sflag:$0x2] =	stream.indirect.gather @!p0 [hbm4b:s4+s22], $0x10, s22, s22, $0xb8;
	[tilespmem:$0x19640] =	vst v63  }
0xe3: {  	s20 =	simm.s32 @!p0 $0x10040  }
0xe4: {  	[tilespmem:s20], [sflag:$0x2] =	stream.indirect.gather @!p0 [hbm4b:s5+s22], $0x10, s22, s22, $0xb8;
	[tilespmem:$0x19640] =	vst v63  }
0xe5: {  	s20 =	simm.s32 @!p0 $0x13240  }
0xe6: {  	[tilespmem:s20], [sflag:$0x2] =	stream.indirect.gather @!p0 [hbm4b:s7+s22], $0x10, s22, s22, $0xb8;
	[tilespmem:$0x19640] =	vst v63  }
0xe7: {  	s21 =	simm.s32 @!p0 $0x1;
	s20 =	simm.s32 @!p0 $0x16440  }
0xe8: {  	[tilespmem:s20], [sflag:$0x2] =	stream.indirect.gather @!p0 [hbm4b:s8+s22], $0x10, s22, s22, $0xb8;
	[tilespmem:$0x19640] =	vst v63  }
0xe9: {  	_ =	swait.ge @!p0 [sflag:s21], $0x3200  }
0xea: {  	[sflag:s21] =	ssyncset.done @!p0 $0x0  }
0xeb: {  	[sflag:s21] =	ssyncadd.s32 @!p0 $0xFFFFCE00  }
0xec: {  	_ =	swait.ge @!p0 [sflag:s21], $0x3200  }
0xed: {  	[sflag:s21] =	ssyncset.done @!p0 $0x0  }
0xee: {  	[sflag:s21] =	ssyncadd.s32 @!p0 $0xFFFFCE00  }
0xef: {  	_ =	swait.ge @!p0 [sflag:s21], $0x3200  }
0xf0: {  	[sflag:s21] =	ssyncset.done @!p0 $0x0  }
0xf1: {  	[sflag:s21] =	ssyncadd.s32 @!p0 $0xFFFFCE00  }
0xf2: {  	_ =	swait.ge @!p0 [sflag:s21], $0x3200  }
0xf3: {  	[sflag:s21] =	ssyncset.done @!p0 $0x0  }
0xf4: {  	s22 =	simm.s32 @!p0 $0x40;
	s20 =	rddreg [dreg:$0x6];
	[sflag:s21] =	ssyncadd.s32 @!p0 $0xFFFFCE00  }
0xf5: {  	s21 =	simm.s32 @!p0 $0x640;
	s19 =	sadd.s32 @!p0 s19, s20;
	s20 =	simm.s32 @!p0 $0x10  }
0xf6: {  	[hbm4b:s19+s20] =	stream.strided.scatter @!p0 [tilespmem:s21], [sflag:$0x4], $0x3200, s22, s20, $0x38;
	[tilespmem:$0x19640] =	vst v63  }
0xf7: {  	_ =	swait.ge @!p0 [sflag:s23], $0x3200  }
0xf8: {  	[sflag:s23] =	ssyncset.done @!p0 $0x0  }
0xf9: {  	s24 =	simm.s32 @!p0 $0x3840;
	s21 =	sadd.s32 @!p0 $0x2, s19;
	[sflag:s23] =	ssyncadd.s32 @!p0 $0xFFFFCE00  }
0xfa: {  	[hbm4b:s21+s20] =	stream.strided.scatter @!p0 [tilespmem:s24], [sflag:$0x4], $0x3200, s22, s20, $0x38;
	[tilespmem:$0x19640] =	vst v63  }
0xfb: {  	_ =	swait.ge @!p0 [sflag:s23], $0x3200  }
0xfc: {  	[sflag:s23] =	ssyncset.done @!p0 $0x0  }
0xfd: {  	s21 =	sadd.s32 @!p0 $0x4, s19;
	s24 =	simm.s32 @!p0 $0x6A40;
	[sflag:s23] =	ssyncadd.s32 @!p0 $0xFFFFCE00  }
0xfe: {  	[hbm4b:s21+s20] =	stream.strided.scatter @!p0 [tilespmem:s24], [sflag:$0x4], $0x3200, s22, s20, $0x38;
	[tilespmem:$0x19640] =	vst v63  }
0xff: {  	_ =	swait.ge @!p0 [sflag:s23], $0x3200  }
0x100: {  	s18 =	sadd.s32 $0x1, s18;
	[sflag:s23] =	ssyncset.done @!p0 $0x0  }
0x101: {  	s19 =	sadd.s32 @!p0 $0x6, s19;
	s21 =	simm.s32 @!p0 $0x9C40;
	[sflag:s23] =	ssyncadd.s32 @!p0 $0xFFFFCE00  }
0x102: {  	[hbm4b:s19+s20] =	stream.strided.scatter @!p0 [tilespmem:s21], [sflag:$0x4], $0x3200, s22, s20, $0x38;
	[tilespmem:$0x19640] =	vst v63  }
0x103: {  	s23 =	simm.s32 @p0 $0x3;
	p0 =	sne.s32 s18, s10  }
.Ltmp1:
0x104: {  	_ = 	snop;
	(pc) =	sbr.rel @p0 .LBB2_1-.Ltmp1, $4  }
0x105: {  	_ = 	snop  }
0x106: {  	_ =	swait.ge [sflag:s23], $0x3200  }
0x107: {  	[sflag:s23] =	ssyncset.done $0x0  }
0x108: {  	[sflag:s23] =	ssyncadd.s32 $0xFFFFCE00  }
0x109: {  	_ =	sfence.sel $0x180000  }
0x10a: {  	[bflag:$0x0] =	sbarrier.arrive $0xFFFF  }
0x10b: {  	p0 =	sne.s32 s2, $0x0;
	_ =	strace $0x9000004A  }
0x10c: {  	s0 =	sadd.s32 @!p0 $0x100000, s0;
	[bflag:$0x2] =	sbarrier.arrive $0xFFFF  }
0x10d: {  	[sflag:s0] =	ssyncadd.tile.s32 @!p0 $0x1;
	_ =	shalt  }
.Lfunc_end2:
_tile_overlayer_lowered:
.L_overlay_start_2:
0x10e: {  	(tag) =	ssettag $0x2  }
0x10f: {  	s0 =	rddreg [dreg:$0x0];
	s2 =	stileid.u32  }
0x110: {  	s1 =	rddreg [dreg:$0x1];
	p0 =	sne.s32 s2, $0x0  }
0x111: {  	s3 =	rddreg [dreg:$0x2];
	[bflag:$0x3] =	sbarrier.arrive $0xFFFF;
	s2 =	simm.s32 @!p0 $0x1C03  }
0x112: {  	[timem:s3], [sflag:s2] =	dma.local @!p0 [hbm:s0], s1  }
0x113: {  	s0 =	simm.s32 @!p0 $0x3  }
0x114: {  	_ =	swait.ge @!p0 [sflag:s0], s1  }
0x115: {  	s1 =	ssub.s32 @!p0 $0x0, s1;
	[sflag:s0] =	ssyncset.done @!p0 $0x0  }
0x116: {  	[sflag:s0] =	ssyncadd.s32 @!p0 s1  }
0x117: {  	[bflag:$0x3] =	sbarrier.arrive $0xFFFF  }
0x118: {  	_ =	shalt  }

// kernel: sparse-core-data-format-call.cloned.1.call-start
scs
called_computation_lowered:
.L_overlay_start_0:
0x0: {  	s2 =	sld [smem:$0x3FD9]  }
0x1: {  	s3 =	sld [smem:$0x3FFE];
	_ =	sdelay $0x1  }
0x2: {  	s1 =	srdreg.scid  }
0x3: {  	s0 =	sand.u32 $0x1, s1  }
0x4: {  	s18 =	sshll.u32 s0, $0xA;
	s2 =	sadd.s32 s3, s2  }
0x5: {  	s2 =	sadd.s32 s2, s18  }
0x6: {  	[smem:$0x3FC3] =	sst s2  }
0x7: {  	_ = 	snop  }
0x8: {  	s2 =	sld [smem:$0x3FD0];
	(tm) =	ssettm $0x1  }
0x9: {  	s19 =	sld [smem:$0x3FFB];
	_ =	sdelay $0x3  }
0xa: {  	_ =	strace s19  }
0xb: {  	s3 =	sld [smem:$0x3FFC];
	_ =	sdelay $0x3  }
0xc: {  	_ =	strace s3  }
0xd: {  	s3 =	sld [smem:$0x3FFD];
	_ =	sdelay $0x3  }
0xe: {  	_ =	strace s3  }
0xf: {  	_ =	strace $0x8FFFFFFF  }
0x10: {  	s20 =	sld [smem:$0x3FDB];
	_ =	sdelay $0x1  }
0x11: {  	s4 =	simm.s32 $_scs_section_size  }
0x12: {  	s5 =	simm.s32 $_size__tile_overlayer_lowered;
	s6 =	simm.s32 $_tile_overlayer_lowered  }
0x13: {  	s23 =	simm.s32 $0x1BFF;
	s22 =	sshll.u32 s6, $0x1;
	s3 =	sadd.s32 s4, s20  }
0x14: {  	s7 =	simm.s32 $0x0;
	s21 =	sshll.u32 s5, $0x1;
	s5 =	sadd.s32 s22, s3  }
0x15: {  	[timem:s7], [sflag:s23] =	dma.local [hbm:s5], s21  }
0x16: {  	_ =	swait.ge [sflag:s23], s21  }
0x17: {  	s4 =	ssub.s32 $0x0, s21;
	[sflag:s23] =	ssyncset.done $0x0  }
0x18: {  	[sflag:s23] =	ssyncadd.s32 s4;
	_ =	sdelay $0x1  }
0x19: {  	s24 =	simm.s32 $0x1B8B  }
0x1a: {  	_ =	swait.ge [sflag:s24], $0x1  }
0x1b: {  	[sflag:s24] =	ssyncset.done $0x0  }
0x1c: {  	s26 =	simm.s32 $0x1B8E;
	s25 =	sld [smem:$0x3FFE];
	[sflag:s24] =	ssyncadd.s32 $0xFFFFFFFF  }
0x1d: {  	s27 =	simm.s32 $execute0_lowered;
	[smem:$0x3FD2] =	sst s26  }
0x1e: {  	s5 =	sshll.u32 s27, $0x1;
	_ =	strace $0x8000004C;
	[dreg:$0x1] =	wrdreg $0xFFFFFFFF  }
0x1f: {  	s28 =	simm.s32 $_size_execute0_lowered;
	s3 =	sadd.s32 s3, s5;
	[dreg:$0x0] =	wrdreg $0x0  }
0x20: {  	s5 =	sshll.u32 s28, $0x1;
	[dreg:$0x2] =	wrdreg s3  }
0x21: {  	[dreg:$0x3] =	wrdreg s5  }
0x22: {  	[dreg:$0x4] =	wrdreg $0xC0  }
0x23: {  	_ =	task [dreg:s7], $0x5FFFF  }
0x24: {  	[dreg:$0x1] =	wrdreg $0xFFFFFFFF  }
0x25: {  	[dreg:$0x0] =	wrdreg $0x60  }
0x26: {  	[dreg:$0x2] =	wrdreg s25  }
0x27: {  	[dreg:$0x3] =	wrdreg s2  }
0x28: {  	[dreg:$0x4] =	wrdreg $0x9  }
0x29: {  	_ =	task.clear_ibuf [dreg:s7], $0x5FFFF;
	_ =	strace $0x9000004C  }
0x2a: {  	s29 =	simm.s32 $0x9;
	_ =	strace $0x8000004E  }
0x2b: {  	_ =	swait.ge [sflag:s29], $0x1  }
0x2c: {  	[sflag:s29] =	ssyncadd.s32 $0xFFFFFFFF  }
0x2d: {  	_ =	strace $0x9000004E  }
0x2e: {  	_ =	sfence  }
0x2f: {  	s30 =	sld [smem:$0x0];
	_ =	sdelay $0x2  }
0x30: {  	s31 =	sshll.u32 s1, $0xD;
	s1 =	sshrl.u32 s1, $0x2  }
0x31: {  	s3 =	sand.u32 $0x4000, s31;
	s1 =	sadd.s32 s1, s30  }
0x32: {  	s0 =	sor.u32 s3, s0;
	s1 =	sshll.u32 s1, $0x11  }
0x33: {  	s0 =	sor.u32 s1, s0  }
0x34: {  	s0 =	sadd.s32 $0x8F2B, s0  }
0x35: {  	[sflag:s0] =	ssyncadd.remote.s32 $0x1  }
0x36: {  	_ =	sfence.sel $0xFFFF  }
0x37: {  	[dreg:$0x0] =	wrdreg $0xFFFFFFFF;
	(pc) =	sbr.abs _section_cstart, $3  }
0x38: {  	[dreg:$0x1] =	wrdreg $0xFFFFFFFF  }
0x39: {  	_ =	task.clear_ibuf [dreg:s7], $0x2FFFF;
	_ =	strace $0x9FFFFFFF  }
0x3a: {  	(tm) =	ssettm $0x7FFFFFFF  }
0x3b: {  	_ =	shalt  }
tec
execute0_lowered:
.L_overlay_start_1:
0x0: {  	(tag) =	ssettag $0x1  }
0x1: {  	s0 =	srdreg.scid  }
0x2: {  	s1 =	sshll.u32 s0, $0x4  }
0x3: {  	s0 =	stileid.u32;
	s1 =	sand.u32 $0x10, s1  }
0x4: {  	s1 =	sor.u32 s0, s1  }
0x5: {  	s6 =	rddreg [dreg:$0x0];
	s4 =	simm.s32 $0x1;
	s2 =	sshll.u32 s1, $0x7  }
0x6: {  	s7 =	simm.s32 $0x2;
	s12 =	simm.s32 $0x0;
	s1 =	ssub.s32 $0x4000, s2  }
0x7: {  	s8 =	simm.s32 $0x20000;
	s13 =	simm.s32 $0x0;
	s3 =	sand.u32 $0xF80, s1  }
0x8: {  	s9 =	simm.s32 $0x0;
	s5 =	sshrl.u32 s1, $0xC;
	p0 =	sne.s32 s3, $0x0  }
.Ltmp0:
0x9: {  	s1 =	rddreg [dreg:$0x2];
	s4 =	simm.s32 @!p0 $0x0;
	(pc) =	sbr.rel .LBB1_1-.Ltmp0, $4  }
0xa: {  	s11 =	simm.s32 $0x0;
	s3 =	rddreg [dreg:$0x1];
	s5 =	sadd.s32 s4, s5  }
0xb: {  	_ =	strace $0x8000004D;
	s4 =	simm.s32 $0x1;
	s5 =	smul.u32 $0x32, s5  }
0xc: {  	s6 =	sadd.s32 $0x1200, s6;
	s10 =	smov.u32 s2;
	[sflag:s4] =	ssyncpa.u1 $0x0  }
0xd: {  	p0 =	por $0x0, $0x0;
	[sflag:s7] =	ssyncpa.u1 $0x0;
	s7 =	sor.u32 $0x1, s5  }
.LBB1_4:
0xe: {  	s16 =	sshll.u32 s13, $0x3;
	s17 =	sand.u32 $0x78, s13  }
0xf: {  	s30 =	sand.u32 $0x1F800, s13;
	s12 =	sshll.u32 s12, $0x11;
	s16 =	sand.u32 $0x3C00, s16  }
0x10: {  	[tilespmem:s15+$0x810 ss:$0x81] =	vst.msk $0xffff, v2;
	s31 =	sand.u32 $0x7, s13;
	s16 =	sor.u32 s17, s16;
	s17 =	sadd.s32 s3, s30  }
0x11: {  	[tilespmem:s15+$0x1020 ss:$0x81] =	vst.msk $0xffff, v0;
	s13 =	sshll.u32 s31, $0x12;
	s12 =	sadd.s32 s12, s17;
	s16 =	sshrl.u32 s16, $0x3  }
0x12: {  	[tilespmem:s15+$0x0 ss:$0x81] =	vst.msk $0xffff, v1;
	s13 =	sor.u32 $0x400, s13;
	s12 =	sadd.s32 s16, s12  }
0x13: {  	[hbm4b:s12+s13] =	stream.strided.scatter [tilespmem:s14], [sflag:$0x2], $0x2000, s8, s13, $0x20;
	[tilespmem:$0x8080] =	vst v63  }
.LBB1_5:
0x14: {  	s14 =	sadd.s32 $0x1, s9  }
0x15: {  	s12 =	sadd.s32 $0x1000, s10;
	s16 =	smov.u32 s10;
	p2 =	sgt.s32 s14, $0x31  }
0x16: {  	s16 =	smov.u32 @p2 s12  }
0x17: {  	s14 =	simm.s32 @p2 $0x0;
	p2 =	sgt.s32 s16, $0x3FFF  }
0x18: {  	s16 =	smov.u32 @p2 s2;
	p2 =	sne.s32 s11, s7  }
.Ltmp1:
0x19: {  	p1 =	slt.u32 s11, $0x2;
	(pc) =	sbr.rel @!p2 .LBB1_6-.Ltmp1, $4  }
0x1a: {  	s15 =	simm.s32 @!p1 $0x2  }
0x1b: {  	s13 =	smov.u32 s10;
	p0 =	por !p0, !p0;
	_ =	swait.ge @!p1 [sflag:s15], $0x2000  }
0x1c: {  	s12 =	smov.u32 s9;
	[sflag:s15] =	ssyncset.done @!p1 $0x0;
	s9 =	smov.u32 s14  }
0x1d: {  	s11 =	sadd.s32 $0x1, s11;
	[sflag:s15] =	ssyncadd.s32 @!p1 $0xFFFFE000;
	s10 =	smov.u32 s16  }
.LBB1_1:
0x1e: {  	p1 =	sge.u32 s11, s5  }
0x1f: {  	s14 =	sand.u32 @!p1 $0x1FFFFFF, s9  }
0x20: {  	s15 =	smulhi.u32 @!p1 $0x4924925, s14;
	_ =	sdelay $0x1  }
0x21: {  	s15 =	smul.u32 @!p1 $0x38, s15  }
0x22: {  	s16 =	sxor.u32 @!p1 $0xFFFFFFFF, s11;
	s17 =	smul.u32 @!p1 $0x380, s10  }
0x23: {  	s31 =	sadd.s32 $0xFFFFFFFF, s11;
	s16 =	sshll.u32 @!p1 s16, $0xD;
	s14 =	ssub.s32 @!p1 s14, s15  }
0x24: {  	s15 =	sand.u32 @!p1 $0x2000, s16;
	s16 =	sadd.s32 @!p1 s6, s17;
	s14 =	sshll.u32 @!p1 s14, $0x4  }
0x25: {  	s17 =	simm.s32 @!p1 $0x1C00;
	s14 =	sadd.s32 @!p1 s14, s16;
	s16 =	simm.s32 @!p1 $0x40  }
0x26: {  	[tilespmem:s15], [sflag:$0x1] =	stream.strided.gather @!p1 [hbm4b:s14+s16], $0x2000, s17, s16, $0x38;
	[tilespmem:$0x8080] =	vst v63  }
0x27: {  	p1 =	sge.u32 s31, s5  }
.Ltmp2:
0x28: {  	_ = 	snop;
	(pc) =	sbr.rel @p1 .LBB1_5-.Ltmp2, $1  }
0x29: {  	_ =	sdelay $0x3  }
0x2a: {  	s14 =	simm.s32 $0x1  }
0x2b: {  	_ =	swait.ge [sflag:s4], $0x2000;
	s14 =	simm.s32 @!p0 $0x0  }
0x2c: {  	[sflag:s4] =	ssyncset.done $0x0;
	s15 =	sshll.u32 s14, $0xD  }
0x2d: {  	[sflag:s4] =	ssyncadd.s32 $0xFFFFE000;
	s18 =	sor.u32 $0x20, s15  }
0x2e: {  	s14 =	smul.u32 $0x8100, s14;
	v3 =	vld [tilespmem:s18+$0x10]  }
0x2f: {  	s30 =	sand.u32 $0x1, s11;
	v2 =	vld [tilespmem:s18+$0xFFFFFFF0]  }
0x30: {  	s15 =	smul.u32 $0x8100, s30;
	s14 =	sshrl.u32 s14, $0x2;
	v0 =	vld [tilespmem:s18+$0x0]  }
0x31: {  	v1 =	vld [tilespmem:s18+$0xFFFFFFE0];
	s16 =	sor.u32 $0x4000, s14  }
0x32: {  	s31 =	sshrl.u32 s15, $0x2;
	s15 =	sadd.s32 $0x0, s16  }
0x33: {  	s17 =	simm.s32 $0x4;
	s18 =	sadd.s32 $0x40, s18;
	s14 =	sor.u32 $0x4000, s31;
	[tilespmem:s15+$0x1830 ss:$0x81] =	vst.msk $0xffff, v3  }
.LBB1_3:
0x34: {  	v3 =	vld [tilespmem:s18+$0x10];
	p1 =	sne.s32 s17, $0x1FC;
	[tilespmem:s15+$0x810 ss:$0x81] =	vst.msk $0xffff, v2;
	s19 =	smov.u32 s17;
	s17 =	sadd.s32 $0x4, s17  }
.Ltmp3:
0x35: {  	v2 =	vld [tilespmem:s18+$0xFFFFFFF0];
	[tilespmem:s15+$0x1020 ss:$0x81] =	vst.msk $0xffff, v0;
	(pc) =	sbr.rel @p1 .LBB1_3-.Ltmp3, $4  }
0x36: {  	v0 =	vld [tilespmem:s18+$0x0];
	[tilespmem:s15+$0x0 ss:$0x81] =	vst.msk $0xffff, v1  }
0x37: {  	s15 =	sshra.s32 s19, $0x2;
	v1 =	vld [tilespmem:s18+$0xFFFFFFE0]  }
0x38: {  	s15 =	sadd.s32 s15, s16  }
0x39: {  	s18 =	sadd.s32 $0x40, s18;
	[tilespmem:s15+$0x1830 ss:$0x81] =	vst.msk $0xffff, v3  }
.Ltmp4:
0x3a: {  	_ = 	snop;
	(pc) =	sbr.rel .LBB1_4-.Ltmp4, $1  }
0x3b: {  	_ =	sdelay $0x3  }
.LBB1_6:
0x3c: {  	_ =	sfence.sel $0x180000  }
0x3d: {  	s2 =	simm.s32 $0x1;
	[bflag:$0x0] =	sbarrier.arrive $0xFFFF  }
0x3e: {  	s31 =	simm.s32 $0x2;
	[sflag:s2] =	ssyncpa.u1 $0x1  }
0x3f: {  	[sflag:s31] =	ssyncpa.u1 $0x1  }
0x40: {  	p0 =	sne.s32 s0, $0x0;
	_ =	strace $0x9000004D  }
0x41: {  	s0 =	sadd.s32 @!p0 $0x100000, s1;
	[bflag:$0x2] =	sbarrier.arrive $0xFFFF  }
0x42: {  	[sflag:s0] =	ssyncadd.tile.s32 @!p0 $0x1;
	_ =	shalt  }
.Lfunc_end1:
_tile_overlayer_lowered:
.L_overlay_start_2:
0x43: {  	(tag) =	ssettag $0x2  }
0x44: {  	s0 =	rddreg [dreg:$0x0];
	s2 =	stileid.u32  }
0x45: {  	s1 =	rddreg [dreg:$0x1];
	p0 =	sne.s32 s2, $0x0  }
0x46: {  	s3 =	rddreg [dreg:$0x2];
	[bflag:$0x3] =	sbarrier.arrive $0xFFFF;
	s2 =	simm.s32 @!p0 $0x1C01  }
0x47: {  	[timem:s3], [sflag:s2] =	dma.local @!p0 [hbm:s0], s1  }
0x48: {  	s0 =	simm.s32 @!p0 $0x1  }
0x49: {  	_ =	swait.ge @!p0 [sflag:s0], s1  }
0x4a: {  	s1 =	ssub.s32 @!p0 $0x0, s1;
	[sflag:s0] =	ssyncset.done @!p0 $0x0  }
0x4b: {  	[sflag:s0] =	ssyncadd.s32 @!p0 s1  }
0x4c: {  	[bflag:$0x3] =	sbarrier.arrive $0xFFFF  }
0x4d: {  	_ =	shalt  }

</sc_bundles>
